<compile_context>
chip_gen: v7x
topology: tpu7x:2x2x1
jax: 0.10.2.dev20260603
libtpu: 0.0.44.dev20260713+nightly
codegen_flags: <defaults>
</compile_context>

<pallas_src>
import functools

import jax
import jax.numpy as jnp
from jax import lax
from jax.experimental import pallas as pl
from jax.experimental.pallas import tpu as pltpu
from jax.experimental.pallas import tpu_sc as plsc

T = 2048
D = 1024
R = 16
BITS = 4
MEM = 128
C = R * BITS
ALPHA = 1 << BITS
NO = 2

NC = 2
NS = 16
NW = NC * NS
TPW = T // NW
SUB = 16
NSUB = TPW // SUB
ROWS = SUB * R

KB = 512
NKB = (R * MEM) // KB


TB = 1024
NTB = T // TB


def _index_body(x_ref, wq_ref, gidx_ref, codes_ref, carry_ref):
    tb = pl.program_id(0)
    q = lax.dot_general(x_ref[0], wq_ref[...],
                        (((1,), (1,)), ((), ())))
    bits = (q > 0).astype(jnp.float32)
    c_i = lax.broadcasted_iota(jnp.int32, (C, R), 0)
    r_i = lax.broadcasted_iota(jnp.int32, (C, R), 1)
    sel = jnp.where(c_i // BITS == r_i, 1 << (c_i % BITS), 0).astype(jnp.float32)
    codes = jnp.dot(bits, sel).astype(jnp.int32)
    t_i = lax.broadcasted_iota(jnp.int32, (TB, R), 0)
    r_t = lax.broadcasted_iota(jnp.int32, (TB, R), 1)
    prev = jnp.where(tb > 0, carry_ref[0:2], jnp.zeros((2, R), jnp.int32))
    c0 = codes
    c1 = jnp.where(t_i >= 1, pltpu.roll(codes, 1, 0), prev[1][None])
    c2 = jnp.where(t_i >= 2, pltpu.roll(codes, 2, 0),
                   jnp.where(t_i == 1, prev[1][None], prev[0][None]))
    carry_ref[0:2] = lax.slice(codes, (TB - 2, 0), (TB, R))
    codes_ref[...] = codes
    gidx_ref[0] = r_t * ALPHA**2 + c1 + ALPHA * c0
    gidx_ref[1] = r_t * ALPHA**3 + c2 + ALPHA * c1 + ALPHA**2 * c0


def _p1_body(t1_ref, wo1_ref, p1_ref):
    for r in range(R):
        p1_ref[pl.ds(r * ALPHA, ALPHA), :] = jnp.dot(
            t1_ref[pl.ds(r * ALPHA, ALPHA), :], wo1_ref[0, r],
            preferred_element_type=jnp.float32)


def _sc_gather_body(t2, t3, gidx, out,
                    idx_a, idx_b, rows_a, rows_b, sem_a, sem_b):
    wid = lax.axis_index("s") * NC + lax.axis_index("c")
    tabs = (t2, t3)
    idx_v = (idx_a, idx_b)
    rows_v = (rows_a, rows_b)
    sems = (sem_a, sem_b)
    work = [(s, n) for s in range(NSUB) for n in range(NO)]

    def start(i, b):
        s, n = work[i]
        base = n * T * R + (wid * TPW + s * SUB) * R
        pltpu.sync_copy(gidx.at[pl.ds(base, ROWS)], idx_v[b])
        return pltpu.async_copy(tabs[n].at[idx_v[b]], rows_v[b], sems[b])

    pending = {0: start(0, 0)}
    for i, (s, n) in enumerate(work):
        b = i % 2
        if i + 1 < len(work):
            pending[i + 1] = start(i + 1, 1 - b)
        pending.pop(i).wait()
        t0 = wid * TPW + s * SUB
        pltpu.sync_copy(rows_v[b].reshape(SUB, R * MEM),
                        out.at[pl.ds(n * T + t0, SUB)])


def _mm_body(codes_ref, p1_ref, flat_ref, wo_ref, o_ref):
    n = pl.program_id(0)
    k = pl.program_id(1)

    @pl.when((n == 0) & (k == 0))
    def _():
        g_r = lax.broadcasted_iota(jnp.int32, (R, R * ALPHA), 0)
        g_c = lax.broadcasted_iota(jnp.int32, (R, R * ALPHA), 1)
        erep = jnp.where(g_c // ALPHA == g_r, 1.0, 0.0)
        c_rep = jnp.dot(codes_ref[...].astype(jnp.float32), erep)
        a_i = lax.broadcasted_iota(jnp.int32, (T, R * ALPHA), 1) % ALPHA
        onehot = (c_rep.astype(jnp.int32) == a_i).astype(jnp.float32)
        o_ref[...] = jnp.dot(onehot, p1_ref[...],
                             preferred_element_type=jnp.float32)

    a = flat_ref[0]
    t_i = lax.broadcasted_iota(jnp.int32, a.shape, 0)
    a = jnp.where(t_i >= n + 1, a, 0.0)
    o_ref[...] += jnp.dot(a, wo_ref[0], preferred_element_type=jnp.float32)


def kernel(x, Wq, table_1, table_2, table_3, Wo):
    gidx, codes = pl.pallas_call(
        _index_body,
        grid=(NTB,),
        in_specs=[
            pl.BlockSpec((1, TB, D), lambda tb: (0, tb, 0)),
            pl.BlockSpec((C, D), lambda tb: (0, 0)),
        ],
        out_specs=(pl.BlockSpec((NO, TB, R), lambda tb: (0, tb, 0)),
                   pl.BlockSpec((TB, R), lambda tb: (tb, 0))),
        out_shape=(jax.ShapeDtypeStruct((NO, T, R), jnp.int32),
                   jax.ShapeDtypeStruct((T, R), jnp.int32)),
        scratch_shapes=[pltpu.VMEM((8, R), jnp.int32)],
        compiler_params=pltpu.CompilerParams(
            dimension_semantics=("arbitrary",),
        ),
    )(x, Wq.T)
    gflat = gidx.reshape(NO * T * R)

    wo4 = Wo.reshape(3, R, MEM, D)
    p1 = pl.pallas_call(
        _p1_body,
        grid=(1,),
        in_specs=[
            pl.BlockSpec((R * ALPHA, MEM), lambda i: (0, 0)),
            pl.BlockSpec((1, R, MEM, D), lambda i: (0, 0, 0, 0)),
        ],
        out_specs=pl.BlockSpec((R * ALPHA, D), lambda i: (0, 0)),
        out_shape=jax.ShapeDtypeStruct((R * ALPHA, D), jnp.float32),
    )(table_1, wo4)

    mesh = plsc.VectorSubcoreMesh(core_axis_name="c", subcore_axis_name="s")
    sc_scratch = [
        pltpu.VMEM((ROWS,), jnp.int32),
        pltpu.VMEM((ROWS,), jnp.int32),
        pltpu.VMEM((ROWS, MEM), jnp.float32),
        pltpu.VMEM((ROWS, MEM), jnp.float32),
        pltpu.SemaphoreType.DMA,
        pltpu.SemaphoreType.DMA,
    ]

    sc_gather = functools.partial(
        pl.kernel,
        out_type=jax.ShapeDtypeStruct((NO * T, R * MEM), jnp.float32),
        mesh=mesh,
        scratch_types=sc_scratch,
    )(_sc_gather_body)
    rows = sc_gather(table_2, table_3, gflat)
    flat = rows.reshape(NO, T, R * MEM)

    wo3 = Wo.reshape(3, R * MEM, D)
    out = pl.pallas_call(
        _mm_body,
        grid=(NO, NKB),
        in_specs=[
            pl.BlockSpec((T, R), lambda n, k: (0, 0)),
            pl.BlockSpec((R * ALPHA, D), lambda n, k: (0, 0)),
            pl.BlockSpec((1, T, KB), lambda n, k: (n, 0, k)),
            pl.BlockSpec((1, KB, D), lambda n, k: (n + 1, k, 0)),
        ],
        out_specs=pl.BlockSpec((T, D), lambda n, k: (0, 0)),
        out_shape=jax.ShapeDtypeStruct((T, D), jnp.float32),
        compiler_params=pltpu.CompilerParams(
            dimension_semantics=("arbitrary", "arbitrary"),
        ),
    )(codes, p1, flat, wo3)

    return out.reshape(x.shape[0], T, D)

# --- scband reference (transcript-rebuilt; emitter-appended) ---
"""Pipeline reference for scband-route-exact-ngram-memory-1717986918577 (READ-ONLY COPY).

The authoritative reference and input builder live on the scoring server;
editing this copy changes nothing except your own understanding.
"""

import jax, jax.numpy as jnp
import numpy as np

B, T, D = 1, 2048, 1024
R, BITS, MEM = 16, 4, 128
ALPHA = 1 << BITS
NGRAMS = (1, 2, 3)
C = R * BITS


def setup_inputs(seed: int = 0):
    key = jax.random.key(seed)
    ks = jax.random.split(key, 6)
    x = jax.random.normal(ks[0], (B, T, D), jnp.float32)
    Wq = jax.random.normal(ks[1], (D, C), jnp.float32) * 0.02
    table_1 = jax.random.normal(ks[2], (R * ALPHA, MEM), jnp.float32) * 0.02
    table_2 = jax.random.normal(ks[3], (R * ALPHA ** 2, MEM), jnp.float32) * 0.02
    table_3 = jax.random.normal(ks[4], (R * ALPHA ** 3, MEM), jnp.float32) * 0.02
    Wo = jax.random.normal(ks[5], (len(NGRAMS) * R * MEM, D), jnp.float32) * 0.02
    return {"x": x, "Wq": Wq, "table_1": table_1, "table_2": table_2, "table_3": table_3, "Wo": Wo}


def _compute_codes(q_logits):
    # pack sign bits of route logits into per-route integer codes in [0, ALPHA)
    Bb, Tt, _ = q_logits.shape
    q = q_logits.reshape(Bb, Tt, R, BITS)
    bits = (q > 0).astype(jnp.int32)
    bit_values = (1 << jnp.arange(BITS)).astype(jnp.int32)
    return (bits * bit_values).sum(-1)  # [B, T, R]


def _lookup_memory(tables, codes):
    # exact n-gram addressing: addr[t] = sum_p codes[t+p] * ALPHA**p, output aligned at t+n-1
    Bb, Tt, _ = codes.shape
    route_ids = jnp.arange(R, dtype=jnp.int32)
    outs = []
    for idx, n in enumerate(NGRAMS):
        valid = Tt - n + 1
        addr = jnp.zeros((Bb, valid, R), jnp.int32)
        stride = 1
        for p in range(n):
            addr = addr + codes[:, p:p + valid, :] * stride
            stride *= ALPHA
        gidx = route_ids[None, None, :] * (ALPHA ** n) + addr
        vals = jnp.take(tables[idx], gidx, axis=0)  # [B, valid, R, MEM]
        pad = jnp.zeros((Bb, n - 1, R, MEM), vals.dtype)
        outs.append(jnp.concatenate([pad, vals], axis=1))
    return jnp.stack(outs, axis=2)  # [B, T, n_orders, R, MEM]


def reference(x, Wq, table_1, table_2, table_3, Wo):
    q_logits = x @ Wq  # [B, T, C]
    codes = _compute_codes(q_logits)
    flat = _lookup_memory([table_1, table_2, table_3], codes)
    flat = flat.reshape(x.shape[0], x.shape[1], -1)  # [B, T, n_orders*R*MEM]
    return flat @ Wo

if __name__ == "__main__":
    import jax
    _d = setup_inputs()
    print(jax.jit(kernel)(*tuple(_d.values())))

</pallas_src>

<mosaic_0001>
#map = affine_map<(d0, d1) -> (0, 0)>
#map1 = affine_map<(d0, d1) -> (0)>
module attributes {stable_mosaic.version = 14 : i64} {
  func.func @_sc_gather_body(%arg0: i32, %arg1: i32, %arg2: memref<4096x128xf32, #tpu.memory_space<hbm>>, %arg3: memref<65536x128xf32, #tpu.memory_space<hbm>>, %arg4: memref<65536xi32, #tpu.memory_space<hbm>>, %arg5: memref<4096x2048xf32, #tpu.memory_space<hbm>>, %arg6: memref<256xi32, #tpu.memory_space<vmem>>, %arg7: memref<256xi32, #tpu.memory_space<vmem>>, %arg8: memref<256x128xf32, #tpu.memory_space<vmem>>, %arg9: memref<256x128xf32, #tpu.memory_space<vmem>>, %arg10: memref<!tpu.dma_semaphore, #tpu.memory_space<semaphore_mem>>, %arg11: memref<!tpu.dma_semaphore, #tpu.memory_space<semaphore_mem>>) attributes {dimension_semantics = [#tpu.dimension_semantics<core_parallel>, #tpu.dimension_semantics<subcore_parallel>], iteration_bounds = array<i64: 2, 16>, scalar_prefetch = 0 : i64, scratch_operands = 6 : i64, tpu.core_type = #tpu.core_type<sc_vector_subcore>, window_params = [{transform_indices = #map}, {transform_indices = #map}, {transform_indices = #map1}, {transform_indices = #map}]} {
    %mul3A = arith.constant 2 : i32
    %mul3A_0 = arith.muli %arg1, %mul3A : i32
    %add3A = arith.addi %mul3A_0, %arg0 : i32
    %mul3A_1 = arith.constant 64 : i32
    %mul3A_2 = arith.muli %add3A, %mul3A_1 : i32
    %add3A_3 = arith.constant 0 : i32
    %add3A_4 = arith.addi %mul3A_2, %add3A_3 : i32
    %mul3A_5 = arith.constant 16 : i32
    %mul3A_6 = arith.muli %add3A_4, %mul3A_5 : i32
    %add3A_7 = arith.constant 0 : i32
    %add3A_8 = arith.addi %add3A_7, %mul3A_6 : i32
    "tpu.region"() ({
      %run_scoped3A = tpu.sem_alloc : memref<!tpu.dma_semaphore, #tpu.memory_space<semaphore_mem>>
      %dma_start3A_159 = tpu.memref_slice %arg4[%add3A_8] : memref<65536xi32, #tpu.memory_space<hbm>> -> memref<256xi32, #tpu.memory_space<hbm>>
      %dma_start3A_160 = tpu.memref_slice %arg4[%add3A_8] : memref<65536xi32, #tpu.memory_space<hbm>> -> memref<256xi32, #tpu.memory_space<hbm>>
      tpu.enqueue_dma source(%dma_start3A_160 : memref<256xi32, #tpu.memory_space<hbm>>) target(%arg6 : memref<256xi32, #tpu.memory_space<vmem>>) target_semaphore(%run_scoped3A : memref<!tpu.dma_semaphore, #tpu.memory_space<semaphore_mem>>)
      %dma_wait3A_161 = tpu.memref_slice %arg4[%add3A_8] : memref<65536xi32, #tpu.memory_space<hbm>> -> memref<256xi32, #tpu.memory_space<hbm>>
      %dma_wait3A_162 = tpu.memref_slice %arg4[%add3A_8] : memref<65536xi32, #tpu.memory_space<hbm>> -> memref<256xi32, #tpu.memory_space<hbm>>
      tpu.wait_dma2 semaphore(%run_scoped3A : memref<!tpu.dma_semaphore, #tpu.memory_space<semaphore_mem>>) src(%dma_wait3A_162 : memref<256xi32, #tpu.memory_space<hbm>>) dst(%arg6 : memref<256xi32, #tpu.memory_space<vmem>>)
      tpu.yield
    }) : () -> ()
    %dma_start3A = arith.constant 0 : i32
    %dma_start3A_9 = arith.constant 0 : i32
    %dma_start3A_10 = tpu.memref_slice %arg2[%dma_start3A, %dma_start3A_9] : memref<4096x128xf32, #tpu.memory_space<hbm>> -> memref<4096x128xf32, #tpu.memory_space<hbm>>
    tpu.enqueue_indirect_dma source(%dma_start3A_10 : memref<4096x128xf32, #tpu.memory_space<hbm>>) target(%arg8 : memref<256x128xf32, #tpu.memory_space<vmem>>) offsets(%arg6 : memref<256xi32, #tpu.memory_space<vmem>>) semaphore(%arg10 : memref<!tpu.dma_semaphore, #tpu.memory_space<semaphore_mem>>)
    %mul3A_11 = arith.constant 64 : i32
    %mul3A_12 = arith.muli %add3A, %mul3A_11 : i32
    %add3A_13 = arith.constant 0 : i32
    %add3A_14 = arith.addi %mul3A_12, %add3A_13 : i32
    %mul3A_15 = arith.constant 16 : i32
    %mul3A_16 = arith.muli %add3A_14, %mul3A_15 : i32
    %add3A_17 = arith.constant 32768 : i32
    %add3A_18 = arith.addi %add3A_17, %mul3A_16 : i32
    "tpu.region"() ({
      %run_scoped3A = tpu.sem_alloc : memref<!tpu.dma_semaphore, #tpu.memory_space<semaphore_mem>>
      %dma_start3A_159 = tpu.memref_slice %arg4[%add3A_18] : memref<65536xi32, #tpu.memory_space<hbm>> -> memref<256xi32, #tpu.memory_space<hbm>>
      %dma_start3A_160 = tpu.memref_slice %arg4[%add3A_18] : memref<65536xi32, #tpu.memory_space<hbm>> -> memref<256xi32, #tpu.memory_space<hbm>>
      tpu.enqueue_dma source(%dma_start3A_160 : memref<256xi32, #tpu.memory_space<hbm>>) target(%arg7 : memref<256xi32, #tpu.memory_space<vmem>>) target_semaphore(%run_scoped3A : memref<!tpu.dma_semaphore, #tpu.memory_space<semaphore_mem>>)
      %dma_wait3A_161 = tpu.memref_slice %arg4[%add3A_18] : memref<65536xi32, #tpu.memory_space<hbm>> -> memref<256xi32, #tpu.memory_space<hbm>>
      %dma_wait3A_162 = tpu.memref_slice %arg4[%add3A_18] : memref<65536xi32, #tpu.memory_space<hbm>> -> memref<256xi32, #tpu.memory_space<hbm>>
      tpu.wait_dma2 semaphore(%run_scoped3A : memref<!tpu.dma_semaphore, #tpu.memory_space<semaphore_mem>>) src(%dma_wait3A_162 : memref<256xi32, #tpu.memory_space<hbm>>) dst(%arg7 : memref<256xi32, #tpu.memory_space<vmem>>)
      tpu.yield
    }) : () -> ()
    %dma_start3A_19 = arith.constant 0 : i32
    %dma_start3A_20 = arith.constant 0 : i32
    %dma_start3A_21 = tpu.memref_slice %arg3[%dma_start3A_19, %dma_start3A_20] : memref<65536x128xf32, #tpu.memory_space<hbm>> -> memref<65536x128xf32, #tpu.memory_space<hbm>>
    tpu.enqueue_indirect_dma source(%dma_start3A_21 : memref<65536x128xf32, #tpu.memory_space<hbm>>) target(%arg9 : memref<256x128xf32, #tpu.memory_space<vmem>>) offsets(%arg7 : memref<256xi32, #tpu.memory_space<vmem>>) semaphore(%arg11 : memref<!tpu.dma_semaphore, #tpu.memory_space<semaphore_mem>>)
    %dma_wait3A = arith.constant 0 : i32
    %dma_wait3A_22 = arith.constant 0 : i32
    %dma_wait3A_23 = tpu.memref_slice %arg2[%dma_wait3A, %dma_wait3A_22] : memref<4096x128xf32, #tpu.memory_space<hbm>> -> memref<4096x128xf32, #tpu.memory_space<hbm>>
    tpu.wait_indirect_dma semaphore(%arg10 : memref<!tpu.dma_semaphore, #tpu.memory_space<semaphore_mem>>) src(%dma_wait3A_23 : memref<4096x128xf32, #tpu.memory_space<hbm>>) dst(%arg8 : memref<256x128xf32, #tpu.memory_space<vmem>>)
    %mul3A_24 = arith.constant 64 : i32
    %mul3A_25 = arith.muli %add3A, %mul3A_24 : i32
    %add3A_26 = arith.constant 0 : i32
    %add3A_27 = arith.addi %mul3A_25, %add3A_26 : i32
    %add3A_28 = arith.constant 0 : i32
    %add3A_29 = arith.addi %add3A_28, %add3A_27 : i32
    "tpu.region"() ({
      %run_scoped3A = tpu.sem_alloc : memref<!tpu.dma_semaphore, #tpu.memory_space<semaphore_mem>>
      %dma_start3A_159 = tpu.memref_reshape %arg8 : memref<256x128xf32, #tpu.memory_space<vmem>> -> memref<16x2048xf32, #tpu.memory_space<vmem>>
      %dma_start3A_160 = arith.constant 0 : i32
      %dma_start3A_161 = tpu.memref_slice %arg5[%add3A_29, %dma_start3A_160] : memref<4096x2048xf32, #tpu.memory_space<hbm>> -> memref<16x2048xf32, #tpu.memory_space<hbm>>
      %dma_start3A_162 = arith.constant 0 : i32
      %dma_start3A_163 = tpu.memref_slice %arg5[%add3A_29, %dma_start3A_162] : memref<4096x2048xf32, #tpu.memory_space<hbm>> -> memref<16x2048xf32, #tpu.memory_space<hbm>>
      %dma_start3A_164 = tpu.memref_reshape %arg8 : memref<256x128xf32, #tpu.memory_space<vmem>> -> memref<16x2048xf32, #tpu.memory_space<vmem>>
      tpu.enqueue_dma source(%dma_start3A_164 : memref<16x2048xf32, #tpu.memory_space<vmem>>) target(%dma_start3A_163 : memref<16x2048xf32, #tpu.memory_space<hbm>>) target_semaphore(%run_scoped3A : memref<!tpu.dma_semaphore, #tpu.memory_space<semaphore_mem>>)
      %dma_wait3A_165 = tpu.memref_reshape %arg8 : memref<256x128xf32, #tpu.memory_space<vmem>> -> memref<16x2048xf32, #tpu.memory_space<vmem>>
      %dma_wait3A_166 = arith.constant 0 : i32
      %dma_wait3A_167 = tpu.memref_slice %arg5[%add3A_29, %dma_wait3A_166] : memref<4096x2048xf32, #tpu.memory_space<hbm>> -> memref<16x2048xf32, #tpu.memory_space<hbm>>
      %dma_wait3A_168 = arith.constant 0 : i32
      %dma_wait3A_169 = tpu.memref_slice %arg5[%add3A_29, %dma_wait3A_168] : memref<4096x2048xf32, #tpu.memory_space<hbm>> -> memref<16x2048xf32, #tpu.memory_space<hbm>>
      %dma_wait3A_170 = tpu.memref_reshape %arg8 : memref<256x128xf32, #tpu.memory_space<vmem>> -> memref<16x2048xf32, #tpu.memory_space<vmem>>
      tpu.wait_dma2 semaphore(%run_scoped3A : memref<!tpu.dma_semaphore, #tpu.memory_space<semaphore_mem>>) src(%dma_wait3A_170 : memref<16x2048xf32, #tpu.memory_space<vmem>>) dst(%dma_wait3A_169 : memref<16x2048xf32, #tpu.memory_space<hbm>>)
      tpu.yield
    }) : () -> ()
    %mul3A_30 = arith.constant 64 : i32
    %mul3A_31 = arith.muli %add3A, %mul3A_30 : i32
    %add3A_32 = arith.constant 16 : i32
    %add3A_33 = arith.addi %mul3A_31, %add3A_32 : i32
    %mul3A_34 = arith.constant 16 : i32
    %mul3A_35 = arith.muli %add3A_33, %mul3A_34 : i32
    %add3A_36 = arith.constant 0 : i32
    %add3A_37 = arith.addi %add3A_36, %mul3A_35 : i32
    "tpu.region"() ({
      %run_scoped3A = tpu.sem_alloc : memref<!tpu.dma_semaphore, #tpu.memory_space<semaphore_mem>>
      %dma_start3A_159 = tpu.memref_slice %arg4[%add3A_37] : memref<65536xi32, #tpu.memory_space<hbm>> -> memref<256xi32, #tpu.memory_space<hbm>>
      %dma_start3A_160 = tpu.memref_slice %arg4[%add3A_37] : memref<65536xi32, #tpu.memory_space<hbm>> -> memref<256xi32, #tpu.memory_space<hbm>>
      tpu.enqueue_dma source(%dma_start3A_160 : memref<256xi32, #tpu.memory_space<hbm>>) target(%arg6 : memref<256xi32, #tpu.memory_space<vmem>>) target_semaphore(%run_scoped3A : memref<!tpu.dma_semaphore, #tpu.memory_space<semaphore_mem>>)
      %dma_wait3A_161 = tpu.memref_slice %arg4[%add3A_37] : memref<65536xi32, #tpu.memory_space<hbm>> -> memref<256xi32, #tpu.memory_space<hbm>>
      %dma_wait3A_162 = tpu.memref_slice %arg4[%add3A_37] : memref<65536xi32, #tpu.memory_space<hbm>> -> memref<256xi32, #tpu.memory_space<hbm>>
      tpu.wait_dma2 semaphore(%run_scoped3A : memref<!tpu.dma_semaphore, #tpu.memory_space<semaphore_mem>>) src(%dma_wait3A_162 : memref<256xi32, #tpu.memory_space<hbm>>) dst(%arg6 : memref<256xi32, #tpu.memory_space<vmem>>)
      tpu.yield
    }) : () -> ()
    %dma_start3A_38 = arith.constant 0 : i32
    %dma_start3A_39 = arith.constant 0 : i32
    %dma_start3A_40 = tpu.memref_slice %arg2[%dma_start3A_38, %dma_start3A_39] : memref<4096x128xf32, #tpu.memory_space<hbm>> -> memref<4096x128xf32, #tpu.memory_space<hbm>>
    tpu.enqueue_indirect_dma source(%dma_start3A_40 : memref<4096x128xf32, #tpu.memory_space<hbm>>) target(%arg8 : memref<256x128xf32, #tpu.memory_space<vmem>>) offsets(%arg6 : memref<256xi32, #tpu.memory_space<vmem>>) semaphore(%arg10 : memref<!tpu.dma_semaphore, #tpu.memory_space<semaphore_mem>>)
    %dma_wait3A_41 = arith.constant 0 : i32
    %dma_wait3A_42 = arith.constant 0 : i32
    %dma_wait3A_43 = tpu.memref_slice %arg3[%dma_wait3A_41, %dma_wait3A_42] : memref<65536x128xf32, #tpu.memory_space<hbm>> -> memref<65536x128xf32, #tpu.memory_space<hbm>>
    tpu.wait_indirect_dma semaphore(%arg11 : memref<!tpu.dma_semaphore, #tpu.memory_space<semaphore_mem>>) src(%dma_wait3A_43 : memref<65536x128xf32, #tpu.memory_space<hbm>>) dst(%arg9 : memref<256x128xf32, #tpu.memory_space<vmem>>)
    %mul3A_44 = arith.constant 64 : i32
    %mul3A_45 = arith.muli %add3A, %mul3A_44 : i32
    %add3A_46 = arith.constant 0 : i32
    %add3A_47 = arith.addi %mul3A_45, %add3A_46 : i32
    %add3A_48 = arith.constant 2048 : i32
    %add3A_49 = arith.addi %add3A_48, %add3A_47 : i32
    "tpu.region"() ({
      %run_scoped3A = tpu.sem_alloc : memref<!tpu.dma_semaphore, #tpu.memory_space<semaphore_mem>>
      %dma_start3A_159 = tpu.memref_reshape %arg9 : memref<256x128xf32, #tpu.memory_space<vmem>> -> memref<16x2048xf32, #tpu.memory_space<vmem>>
      %dma_start3A_160 = arith.constant 0 : i32
      %dma_start3A_161 = tpu.memref_slice %arg5[%add3A_49, %dma_start3A_160] : memref<4096x2048xf32, #tpu.memory_space<hbm>> -> memref<16x2048xf32, #tpu.memory_space<hbm>>
      %dma_start3A_162 = arith.constant 0 : i32
      %dma_start3A_163 = tpu.memref_slice %arg5[%add3A_49, %dma_start3A_162] : memref<4096x2048xf32, #tpu.memory_space<hbm>> -> memref<16x2048xf32, #tpu.memory_space<hbm>>
      %dma_start3A_164 = tpu.memref_reshape %arg9 : memref<256x128xf32, #tpu.memory_space<vmem>> -> memref<16x2048xf32, #tpu.memory_space<vmem>>
      tpu.enqueue_dma source(%dma_start3A_164 : memref<16x2048xf32, #tpu.memory_space<vmem>>) target(%dma_start3A_163 : memref<16x2048xf32, #tpu.memory_space<hbm>>) target_semaphore(%run_scoped3A : memref<!tpu.dma_semaphore, #tpu.memory_space<semaphore_mem>>)
      %dma_wait3A_165 = tpu.memref_reshape %arg9 : memref<256x128xf32, #tpu.memory_space<vmem>> -> memref<16x2048xf32, #tpu.memory_space<vmem>>
      %dma_wait3A_166 = arith.constant 0 : i32
      %dma_wait3A_167 = tpu.memref_slice %arg5[%add3A_49, %dma_wait3A_166] : memref<4096x2048xf32, #tpu.memory_space<hbm>> -> memref<16x2048xf32, #tpu.memory_space<hbm>>
      %dma_wait3A_168 = arith.constant 0 : i32
      %dma_wait3A_169 = tpu.memref_slice %arg5[%add3A_49, %dma_wait3A_168] : memref<4096x2048xf32, #tpu.memory_space<hbm>> -> memref<16x2048xf32, #tpu.memory_space<hbm>>
      %dma_wait3A_170 = tpu.memref_reshape %arg9 : memref<256x128xf32, #tpu.memory_space<vmem>> -> memref<16x2048xf32, #tpu.memory_space<vmem>>
      tpu.wait_dma2 semaphore(%run_scoped3A : memref<!tpu.dma_semaphore, #tpu.memory_space<semaphore_mem>>) src(%dma_wait3A_170 : memref<16x2048xf32, #tpu.memory_space<vmem>>) dst(%dma_wait3A_169 : memref<16x2048xf32, #tpu.memory_space<hbm>>)
      tpu.yield
    }) : () -> ()
    %mul3A_50 = arith.constant 64 : i32
    %mul3A_51 = arith.muli %add3A, %mul3A_50 : i32
    %add3A_52 = arith.constant 16 : i32
    %add3A_53 = arith.addi %mul3A_51, %add3A_52 : i32
    %mul3A_54 = arith.constant 16 : i32
    %mul3A_55 = arith.muli %add3A_53, %mul3A_54 : i32
    %add3A_56 = arith.constant 32768 : i32
    %add3A_57 = arith.addi %add3A_56, %mul3A_55 : i32
    "tpu.region"() ({
      %run_scoped3A = tpu.sem_alloc : memref<!tpu.dma_semaphore, #tpu.memory_space<semaphore_mem>>
      %dma_start3A_159 = tpu.memref_slice %arg4[%add3A_57] : memref<65536xi32, #tpu.memory_space<hbm>> -> memref<256xi32, #tpu.memory_space<hbm>>
      %dma_start3A_160 = tpu.memref_slice %arg4[%add3A_57] : memref<65536xi32, #tpu.memory_space<hbm>> -> memref<256xi32, #tpu.memory_space<hbm>>
      tpu.enqueue_dma source(%dma_start3A_160 : memref<256xi32, #tpu.memory_space<hbm>>) target(%arg7 : memref<256xi32, #tpu.memory_space<vmem>>) target_semaphore(%run_scoped3A : memref<!tpu.dma_semaphore, #tpu.memory_space<semaphore_mem>>)
      %dma_wait3A_161 = tpu.memref_slice %arg4[%add3A_57] : memref<65536xi32, #tpu.memory_space<hbm>> -> memref<256xi32, #tpu.memory_space<hbm>>
      %dma_wait3A_162 = tpu.memref_slice %arg4[%add3A_57] : memref<65536xi32, #tpu.memory_space<hbm>> -> memref<256xi32, #tpu.memory_space<hbm>>
      tpu.wait_dma2 semaphore(%run_scoped3A : memref<!tpu.dma_semaphore, #tpu.memory_space<semaphore_mem>>) src(%dma_wait3A_162 : memref<256xi32, #tpu.memory_space<hbm>>) dst(%arg7 : memref<256xi32, #tpu.memory_space<vmem>>)
      tpu.yield
    }) : () -> ()
    %dma_start3A_58 = arith.constant 0 : i32
    %dma_start3A_59 = arith.constant 0 : i32
    %dma_start3A_60 = tpu.memref_slice %arg3[%dma_start3A_58, %dma_start3A_59] : memref<65536x128xf32, #tpu.memory_space<hbm>> -> memref<65536x128xf32, #tpu.memory_space<hbm>>
    tpu.enqueue_indirect_dma source(%dma_start3A_60 : memref<65536x128xf32, #tpu.memory_space<hbm>>) target(%arg9 : memref<256x128xf32, #tpu.memory_space<vmem>>) offsets(%arg7 : memref<256xi32, #tpu.memory_space<vmem>>) semaphore(%arg11 : memref<!tpu.dma_semaphore, #tpu.memory_space<semaphore_mem>>)
    %dma_wait3A_61 = arith.constant 0 : i32
    %dma_wait3A_62 = arith.constant 0 : i32
    %dma_wait3A_63 = tpu.memref_slice %arg2[%dma_wait3A_61, %dma_wait3A_62] : memref<4096x128xf32, #tpu.memory_space<hbm>> -> memref<4096x128xf32, #tpu.memory_space<hbm>>
    tpu.wait_indirect_dma semaphore(%arg10 : memref<!tpu.dma_semaphore, #tpu.memory_space<semaphore_mem>>) src(%dma_wait3A_63 : memref<4096x128xf32, #tpu.memory_space<hbm>>) dst(%arg8 : memref<256x128xf32, #tpu.memory_space<vmem>>)
    %mul3A_64 = arith.constant 64 : i32
    %mul3A_65 = arith.muli %add3A, %mul3A_64 : i32
    %add3A_66 = arith.constant 16 : i32
    %add3A_67 = arith.addi %mul3A_65, %add3A_66 : i32
    %add3A_68 = arith.constant 0 : i32
    %add3A_69 = arith.addi %add3A_68, %add3A_67 : i32
    "tpu.region"() ({
      %run_scoped3A = tpu.sem_alloc : memref<!tpu.dma_semaphore, #tpu.memory_space<semaphore_mem>>
      %dma_start3A_159 = tpu.memref_reshape %arg8 : memref<256x128xf32, #tpu.memory_space<vmem>> -> memref<16x2048xf32, #tpu.memory_space<vmem>>
      %dma_start3A_160 = arith.constant 0 : i32
      %dma_start3A_161 = tpu.memref_slice %arg5[%add3A_69, %dma_start3A_160] : memref<4096x2048xf32, #tpu.memory_space<hbm>> -> memref<16x2048xf32, #tpu.memory_space<hbm>>
      %dma_start3A_162 = arith.constant 0 : i32
      %dma_start3A_163 = tpu.memref_slice %arg5[%add3A_69, %dma_start3A_162] : memref<4096x2048xf32, #tpu.memory_space<hbm>> -> memref<16x2048xf32, #tpu.memory_space<hbm>>
      %dma_start3A_164 = tpu.memref_reshape %arg8 : memref<256x128xf32, #tpu.memory_space<vmem>> -> memref<16x2048xf32, #tpu.memory_space<vmem>>
      tpu.enqueue_dma source(%dma_start3A_164 : memref<16x2048xf32, #tpu.memory_space<vmem>>) target(%dma_start3A_163 : memref<16x2048xf32, #tpu.memory_space<hbm>>) target_semaphore(%run_scoped3A : memref<!tpu.dma_semaphore, #tpu.memory_space<semaphore_mem>>)
      %dma_wait3A_165 = tpu.memref_reshape %arg8 : memref<256x128xf32, #tpu.memory_space<vmem>> -> memref<16x2048xf32, #tpu.memory_space<vmem>>
      %dma_wait3A_166 = arith.constant 0 : i32
      %dma_wait3A_167 = tpu.memref_slice %arg5[%add3A_69, %dma_wait3A_166] : memref<4096x2048xf32, #tpu.memory_space<hbm>> -> memref<16x2048xf32, #tpu.memory_space<hbm>>
      %dma_wait3A_168 = arith.constant 0 : i32
      %dma_wait3A_169 = tpu.memref_slice %arg5[%add3A_69, %dma_wait3A_168] : memref<4096x2048xf32, #tpu.memory_space<hbm>> -> memref<16x2048xf32, #tpu.memory_space<hbm>>
      %dma_wait3A_170 = tpu.memref_reshape %arg8 : memref<256x128xf32, #tpu.memory_space<vmem>> -> memref<16x2048xf32, #tpu.memory_space<vmem>>
      tpu.wait_dma2 semaphore(%run_scoped3A : memref<!tpu.dma_semaphore, #tpu.memory_space<semaphore_mem>>) src(%dma_wait3A_170 : memref<16x2048xf32, #tpu.memory_space<vmem>>) dst(%dma_wait3A_169 : memref<16x2048xf32, #tpu.memory_space<hbm>>)
      tpu.yield
    }) : () -> ()
    %mul3A_70 = arith.constant 64 : i32
    %mul3A_71 = arith.muli %add3A, %mul3A_70 : i32
    %add3A_72 = arith.constant 32 : i32
    %add3A_73 = arith.addi %mul3A_71, %add3A_72 : i32
    %mul3A_74 = arith.constant 16 : i32
    %mul3A_75 = arith.muli %add3A_73, %mul3A_74 : i32
    %add3A_76 = arith.constant 0 : i32
    %add3A_77 = arith.addi %add3A_76, %mul3A_75 : i32
    "tpu.region"() ({
      %run_scoped3A = tpu.sem_alloc : memref<!tpu.dma_semaphore, #tpu.memory_space<semaphore_mem>>
      %dma_start3A_159 = tpu.memref_slice %arg4[%add3A_77] : memref<65536xi32, #tpu.memory_space<hbm>> -> memref<256xi32, #tpu.memory_space<hbm>>
      %dma_start3A_160 = tpu.memref_slice %arg4[%add3A_77] : memref<65536xi32, #tpu.memory_space<hbm>> -> memref<256xi32, #tpu.memory_space<hbm>>
      tpu.enqueue_dma source(%dma_start3A_160 : memref<256xi32, #tpu.memory_space<hbm>>) target(%arg6 : memref<256xi32, #tpu.memory_space<vmem>>) target_semaphore(%run_scoped3A : memref<!tpu.dma_semaphore, #tpu.memory_space<semaphore_mem>>)
      %dma_wait3A_161 = tpu.memref_slice %arg4[%add3A_77] : memref<65536xi32, #tpu.memory_space<hbm>> -> memref<256xi32, #tpu.memory_space<hbm>>
      %dma_wait3A_162 = tpu.memref_slice %arg4[%add3A_77] : memref<65536xi32, #tpu.memory_space<hbm>> -> memref<256xi32, #tpu.memory_space<hbm>>
      tpu.wait_dma2 semaphore(%run_scoped3A : memref<!tpu.dma_semaphore, #tpu.memory_space<semaphore_mem>>) src(%dma_wait3A_162 : memref<256xi32, #tpu.memory_space<hbm>>) dst(%arg6 : memref<256xi32, #tpu.memory_space<vmem>>)
      tpu.yield
    }) : () -> ()
    %dma_start3A_78 = arith.constant 0 : i32
    %dma_start3A_79 = arith.constant 0 : i32
    %dma_start3A_80 = tpu.memref_slice %arg2[%dma_start3A_78, %dma_start3A_79] : memref<4096x128xf32, #tpu.memory_space<hbm>> -> memref<4096x128xf32, #tpu.memory_space<hbm>>
    tpu.enqueue_indirect_dma source(%dma_start3A_80 : memref<4096x128xf32, #tpu.memory_space<hbm>>) target(%arg8 : memref<256x128xf32, #tpu.memory_space<vmem>>) offsets(%arg6 : memref<256xi32, #tpu.memory_space<vmem>>) semaphore(%arg10 : memref<!tpu.dma_semaphore, #tpu.memory_space<semaphore_mem>>)
    %dma_wait3A_81 = arith.constant 0 : i32
    %dma_wait3A_82 = arith.constant 0 : i32
    %dma_wait3A_83 = tpu.memref_slice %arg3[%dma_wait3A_81, %dma_wait3A_82] : memref<65536x128xf32, #tpu.memory_space<hbm>> -> memref<65536x128xf32, #tpu.memory_space<hbm>>
    tpu.wait_indirect_dma semaphore(%arg11 : memref<!tpu.dma_semaphore, #tpu.memory_space<semaphore_mem>>) src(%dma_wait3A_83 : memref<65536x128xf32, #tpu.memory_space<hbm>>) dst(%arg9 : memref<256x128xf32, #tpu.memory_space<vmem>>)
    %mul3A_84 = arith.constant 64 : i32
    %mul3A_85 = arith.muli %add3A, %mul3A_84 : i32
    %add3A_86 = arith.constant 16 : i32
    %add3A_87 = arith.addi %mul3A_85, %add3A_86 : i32
    %add3A_88 = arith.constant 2048 : i32
    %add3A_89 = arith.addi %add3A_88, %add3A_87 : i32
    "tpu.region"() ({
      %run_scoped3A = tpu.sem_alloc : memref<!tpu.dma_semaphore, #tpu.memory_space<semaphore_mem>>
      %dma_start3A_159 = tpu.memref_reshape %arg9 : memref<256x128xf32, #tpu.memory_space<vmem>> -> memref<16x2048xf32, #tpu.memory_space<vmem>>
      %dma_start3A_160 = arith.constant 0 : i32
      %dma_start3A_161 = tpu.memref_slice %arg5[%add3A_89, %dma_start3A_160] : memref<4096x2048xf32, #tpu.memory_space<hbm>> -> memref<16x2048xf32, #tpu.memory_space<hbm>>
      %dma_start3A_162 = arith.constant 0 : i32
      %dma_start3A_163 = tpu.memref_slice %arg5[%add3A_89, %dma_start3A_162] : memref<4096x2048xf32, #tpu.memory_space<hbm>> -> memref<16x2048xf32, #tpu.memory_space<hbm>>
      %dma_start3A_164 = tpu.memref_reshape %arg9 : memref<256x128xf32, #tpu.memory_space<vmem>> -> memref<16x2048xf32, #tpu.memory_space<vmem>>
      tpu.enqueue_dma source(%dma_start3A_164 : memref<16x2048xf32, #tpu.memory_space<vmem>>) target(%dma_start3A_163 : memref<16x2048xf32, #tpu.memory_space<hbm>>) target_semaphore(%run_scoped3A : memref<!tpu.dma_semaphore, #tpu.memory_space<semaphore_mem>>)
      %dma_wait3A_165 = tpu.memref_reshape %arg9 : memref<256x128xf32, #tpu.memory_space<vmem>> -> memref<16x2048xf32, #tpu.memory_space<vmem>>
      %dma_wait3A_166 = arith.constant 0 : i32
      %dma_wait3A_167 = tpu.memref_slice %arg5[%add3A_89, %dma_wait3A_166] : memref<4096x2048xf32, #tpu.memory_space<hbm>> -> memref<16x2048xf32, #tpu.memory_space<hbm>>
      %dma_wait3A_168 = arith.constant 0 : i32
      %dma_wait3A_169 = tpu.memref_slice %arg5[%add3A_89, %dma_wait3A_168] : memref<4096x2048xf32, #tpu.memory_space<hbm>> -> memref<16x2048xf32, #tpu.memory_space<hbm>>
      %dma_wait3A_170 = tpu.memref_reshape %arg9 : memref<256x128xf32, #tpu.memory_space<vmem>> -> memref<16x2048xf32, #tpu.memory_space<vmem>>
      tpu.wait_dma2 semaphore(%run_scoped3A : memref<!tpu.dma_semaphore, #tpu.memory_space<semaphore_mem>>) src(%dma_wait3A_170 : memref<16x2048xf32, #tpu.memory_space<vmem>>) dst(%dma_wait3A_169 : memref<16x2048xf32, #tpu.memory_space<hbm>>)
      tpu.yield
    }) : () -> ()
    %mul3A_90 = arith.constant 64 : i32
    %mul3A_91 = arith.muli %add3A, %mul3A_90 : i32
    %add3A_92 = arith.constant 32 : i32
    %add3A_93 = arith.addi %mul3A_91, %add3A_92 : i32
    %mul3A_94 = arith.constant 16 : i32
    %mul3A_95 = arith.muli %add3A_93, %mul3A_94 : i32
    %add3A_96 = arith.constant 32768 : i32
    %add3A_97 = arith.addi %add3A_96, %mul3A_95 : i32
    "tpu.region"() ({
      %run_scoped3A = tpu.sem_alloc : memref<!tpu.dma_semaphore, #tpu.memory_space<semaphore_mem>>
      %dma_start3A_159 = tpu.memref_slice %arg4[%add3A_97] : memref<65536xi32, #tpu.memory_space<hbm>> -> memref<256xi32, #tpu.memory_space<hbm>>
      %dma_start3A_160 = tpu.memref_slice %arg4[%add3A_97] : memref<65536xi32, #tpu.memory_space<hbm>> -> memref<256xi32, #tpu.memory_space<hbm>>
      tpu.enqueue_dma source(%dma_start3A_160 : memref<256xi32, #tpu.memory_space<hbm>>) target(%arg7 : memref<256xi32, #tpu.memory_space<vmem>>) target_semaphore(%run_scoped3A : memref<!tpu.dma_semaphore, #tpu.memory_space<semaphore_mem>>)
      %dma_wait3A_161 = tpu.memref_slice %arg4[%add3A_97] : memref<65536xi32, #tpu.memory_space<hbm>> -> memref<256xi32, #tpu.memory_space<hbm>>
      %dma_wait3A_162 = tpu.memref_slice %arg4[%add3A_97] : memref<65536xi32, #tpu.memory_space<hbm>> -> memref<256xi32, #tpu.memory_space<hbm>>
      tpu.wait_dma2 semaphore(%run_scoped3A : memref<!tpu.dma_semaphore, #tpu.memory_space<semaphore_mem>>) src(%dma_wait3A_162 : memref<256xi32, #tpu.memory_space<hbm>>) dst(%arg7 : memref<256xi32, #tpu.memory_space<vmem>>)
      tpu.yield
    }) : () -> ()
    %dma_start3A_98 = arith.constant 0 : i32
    %dma_start3A_99 = arith.constant 0 : i32
    %dma_start3A_100 = tpu.memref_slice %arg3[%dma_start3A_98, %dma_start3A_99] : memref<65536x128xf32, #tpu.memory_space<hbm>> -> memref<65536x128xf32, #tpu.memory_space<hbm>>
    tpu.enqueue_indirect_dma source(%dma_start3A_100 : memref<65536x128xf32, #tpu.memory_space<hbm>>) target(%arg9 : memref<256x128xf32, #tpu.memory_space<vmem>>) offsets(%arg7 : memref<256xi32, #tpu.memory_space<vmem>>) semaphore(%arg11 : memref<!tpu.dma_semaphore, #tpu.memory_space<semaphore_mem>>)
    %dma_wait3A_101 = arith.constant 0 : i32
    %dma_wait3A_102 = arith.constant 0 : i32
    %dma_wait3A_103 = tpu.memref_slice %arg2[%dma_wait3A_101, %dma_wait3A_102] : memref<4096x128xf32, #tpu.memory_space<hbm>> -> memref<4096x128xf32, #tpu.memory_space<hbm>>
    tpu.wait_indirect_dma semaphore(%arg10 : memref<!tpu.dma_semaphore, #tpu.memory_space<semaphore_mem>>) src(%dma_wait3A_103 : memref<4096x128xf32, #tpu.memory_space<hbm>>) dst(%arg8 : memref<256x128xf32, #tpu.memory_space<vmem>>)
    %mul3A_104 = arith.constant 64 : i32
    %mul3A_105 = arith.muli %add3A, %mul3A_104 : i32
    %add3A_106 = arith.constant 32 : i32
    %add3A_107 = arith.addi %mul3A_105, %add3A_106 : i32
    %add3A_108 = arith.constant 0 : i32
    %add3A_109 = arith.addi %add3A_108, %add3A_107 : i32
    "tpu.region"() ({
      %run_scoped3A = tpu.sem_alloc : memref<!tpu.dma_semaphore, #tpu.memory_space<semaphore_mem>>
      %dma_start3A_159 = tpu.memref_reshape %arg8 : memref<256x128xf32, #tpu.memory_space<vmem>> -> memref<16x2048xf32, #tpu.memory_space<vmem>>
      %dma_start3A_160 = arith.constant 0 : i32
      %dma_start3A_161 = tpu.memref_slice %arg5[%add3A_109, %dma_start3A_160] : memref<4096x2048xf32, #tpu.memory_space<hbm>> -> memref<16x2048xf32, #tpu.memory_space<hbm>>
      %dma_start3A_162 = arith.constant 0 : i32
      %dma_start3A_163 = tpu.memref_slice %arg5[%add3A_109, %dma_start3A_162] : memref<4096x2048xf32, #tpu.memory_space<hbm>> -> memref<16x2048xf32, #tpu.memory_space<hbm>>
      %dma_start3A_164 = tpu.memref_reshape %arg8 : memref<256x128xf32, #tpu.memory_space<vmem>> -> memref<16x2048xf32, #tpu.memory_space<vmem>>
      tpu.enqueue_dma source(%dma_start3A_164 : memref<16x2048xf32, #tpu.memory_space<vmem>>) target(%dma_start3A_163 : memref<16x2048xf32, #tpu.memory_space<hbm>>) target_semaphore(%run_scoped3A : memref<!tpu.dma_semaphore, #tpu.memory_space<semaphore_mem>>)
      %dma_wait3A_165 = tpu.memref_reshape %arg8 : memref<256x128xf32, #tpu.memory_space<vmem>> -> memref<16x2048xf32, #tpu.memory_space<vmem>>
      %dma_wait3A_166 = arith.constant 0 : i32
      %dma_wait3A_167 = tpu.memref_slice %arg5[%add3A_109, %dma_wait3A_166] : memref<4096x2048xf32, #tpu.memory_space<hbm>> -> memref<16x2048xf32, #tpu.memory_space<hbm>>
      %dma_wait3A_168 = arith.constant 0 : i32
      %dma_wait3A_169 = tpu.memref_slice %arg5[%add3A_109, %dma_wait3A_168] : memref<4096x2048xf32, #tpu.memory_space<hbm>> -> memref<16x2048xf32, #tpu.memory_space<hbm>>
      %dma_wait3A_170 = tpu.memref_reshape %arg8 : memref<256x128xf32, #tpu.memory_space<vmem>> -> memref<16x2048xf32, #tpu.memory_space<vmem>>
      tpu.wait_dma2 semaphore(%run_scoped3A : memref<!tpu.dma_semaphore, #tpu.memory_space<semaphore_mem>>) src(%dma_wait3A_170 : memref<16x2048xf32, #tpu.memory_space<vmem>>) dst(%dma_wait3A_169 : memref<16x2048xf32, #tpu.memory_space<hbm>>)
      tpu.yield
    }) : () -> ()
    %mul3A_110 = arith.constant 64 : i32
    %mul3A_111 = arith.muli %add3A, %mul3A_110 : i32
    %add3A_112 = arith.constant 48 : i32
    %add3A_113 = arith.addi %mul3A_111, %add3A_112 : i32
    %mul3A_114 = arith.constant 16 : i32
    %mul3A_115 = arith.muli %add3A_113, %mul3A_114 : i32
    %add3A_116 = arith.constant 0 : i32
    %add3A_117 = arith.addi %add3A_116, %mul3A_115 : i32
    "tpu.region"() ({
      %run_scoped3A = tpu.sem_alloc : memref<!tpu.dma_semaphore, #tpu.memory_space<semaphore_mem>>
      %dma_start3A_159 = tpu.memref_slice %arg4[%add3A_117] : memref<65536xi32, #tpu.memory_space<hbm>> -> memref<256xi32, #tpu.memory_space<hbm>>
      %dma_start3A_160 = tpu.memref_slice %arg4[%add3A_117] : memref<65536xi32, #tpu.memory_space<hbm>> -> memref<256xi32, #tpu.memory_space<hbm>>
      tpu.enqueue_dma source(%dma_start3A_160 : memref<256xi32, #tpu.memory_space<hbm>>) target(%arg6 : memref<256xi32, #tpu.memory_space<vmem>>) target_semaphore(%run_scoped3A : memref<!tpu.dma_semaphore, #tpu.memory_space<semaphore_mem>>)
      %dma_wait3A_161 = tpu.memref_slice %arg4[%add3A_117] : memref<65536xi32, #tpu.memory_space<hbm>> -> memref<256xi32, #tpu.memory_space<hbm>>
      %dma_wait3A_162 = tpu.memref_slice %arg4[%add3A_117] : memref<65536xi32, #tpu.memory_space<hbm>> -> memref<256xi32, #tpu.memory_space<hbm>>
      tpu.wait_dma2 semaphore(%run_scoped3A : memref<!tpu.dma_semaphore, #tpu.memory_space<semaphore_mem>>) src(%dma_wait3A_162 : memref<256xi32, #tpu.memory_space<hbm>>) dst(%arg6 : memref<256xi32, #tpu.memory_space<vmem>>)
      tpu.yield
    }) : () -> ()
    %dma_start3A_118 = arith.constant 0 : i32
    %dma_start3A_119 = arith.constant 0 : i32
    %dma_start3A_120 = tpu.memref_slice %arg2[%dma_start3A_118, %dma_start3A_119] : memref<4096x128xf32, #tpu.memory_space<hbm>> -> memref<4096x128xf32, #tpu.memory_space<hbm>>
    tpu.enqueue_indirect_dma source(%dma_start3A_120 : memref<4096x128xf32, #tpu.memory_space<hbm>>) target(%arg8 : memref<256x128xf32, #tpu.memory_space<vmem>>) offsets(%arg6 : memref<256xi32, #tpu.memory_space<vmem>>) semaphore(%arg10 : memref<!tpu.dma_semaphore, #tpu.memory_space<semaphore_mem>>)
    %dma_wait3A_121 = arith.constant 0 : i32
    %dma_wait3A_122 = arith.constant 0 : i32
    %dma_wait3A_123 = tpu.memref_slice %arg3[%dma_wait3A_121, %dma_wait3A_122] : memref<65536x128xf32, #tpu.memory_space<hbm>> -> memref<65536x128xf32, #tpu.memory_space<hbm>>
    tpu.wait_indirect_dma semaphore(%arg11 : memref<!tpu.dma_semaphore, #tpu.memory_space<semaphore_mem>>) src(%dma_wait3A_123 : memref<65536x128xf32, #tpu.memory_space<hbm>>) dst(%arg9 : memref<256x128xf32, #tpu.memory_space<vmem>>)
    %mul3A_124 = arith.constant 64 : i32
    %mul3A_125 = arith.muli %add3A, %mul3A_124 : i32
    %add3A_126 = arith.constant 32 : i32
    %add3A_127 = arith.addi %mul3A_125, %add3A_126 : i32
    %add3A_128 = arith.constant 2048 : i32
    %add3A_129 = arith.addi %add3A_128, %add3A_127 : i32
    "tpu.region"() ({
      %run_scoped3A = tpu.sem_alloc : memref<!tpu.dma_semaphore, #tpu.memory_space<semaphore_mem>>
      %dma_start3A_159 = tpu.memref_reshape %arg9 : memref<256x128xf32, #tpu.memory_space<vmem>> -> memref<16x2048xf32, #tpu.memory_space<vmem>>
      %dma_start3A_160 = arith.constant 0 : i32
      %dma_start3A_161 = tpu.memref_slice %arg5[%add3A_129, %dma_start3A_160] : memref<4096x2048xf32, #tpu.memory_space<hbm>> -> memref<16x2048xf32, #tpu.memory_space<hbm>>
      %dma_start3A_162 = arith.constant 0 : i32
      %dma_start3A_163 = tpu.memref_slice %arg5[%add3A_129, %dma_start3A_162] : memref<4096x2048xf32, #tpu.memory_space<hbm>> -> memref<16x2048xf32, #tpu.memory_space<hbm>>
      %dma_start3A_164 = tpu.memref_reshape %arg9 : memref<256x128xf32, #tpu.memory_space<vmem>> -> memref<16x2048xf32, #tpu.memory_space<vmem>>
      tpu.enqueue_dma source(%dma_start3A_164 : memref<16x2048xf32, #tpu.memory_space<vmem>>) target(%dma_start3A_163 : memref<16x2048xf32, #tpu.memory_space<hbm>>) target_semaphore(%run_scoped3A : memref<!tpu.dma_semaphore, #tpu.memory_space<semaphore_mem>>)
      %dma_wait3A_165 = tpu.memref_reshape %arg9 : memref<256x128xf32, #tpu.memory_space<vmem>> -> memref<16x2048xf32, #tpu.memory_space<vmem>>
      %dma_wait3A_166 = arith.constant 0 : i32
      %dma_wait3A_167 = tpu.memref_slice %arg5[%add3A_129, %dma_wait3A_166] : memref<4096x2048xf32, #tpu.memory_space<hbm>> -> memref<16x2048xf32, #tpu.memory_space<hbm>>
      %dma_wait3A_168 = arith.constant 0 : i32
      %dma_wait3A_169 = tpu.memref_slice %arg5[%add3A_129, %dma_wait3A_168] : memref<4096x2048xf32, #tpu.memory_space<hbm>> -> memref<16x2048xf32, #tpu.memory_space<hbm>>
      %dma_wait3A_170 = tpu.memref_reshape %arg9 : memref<256x128xf32, #tpu.memory_space<vmem>> -> memref<16x2048xf32, #tpu.memory_space<vmem>>
      tpu.wait_dma2 semaphore(%run_scoped3A : memref<!tpu.dma_semaphore, #tpu.memory_space<semaphore_mem>>) src(%dma_wait3A_170 : memref<16x2048xf32, #tpu.memory_space<vmem>>) dst(%dma_wait3A_169 : memref<16x2048xf32, #tpu.memory_space<hbm>>)
      tpu.yield
    }) : () -> ()
    %mul3A_130 = arith.constant 64 : i32
    %mul3A_131 = arith.muli %add3A, %mul3A_130 : i32
    %add3A_132 = arith.constant 48 : i32
    %add3A_133 = arith.addi %mul3A_131, %add3A_132 : i32
    %mul3A_134 = arith.constant 16 : i32
    %mul3A_135 = arith.muli %add3A_133, %mul3A_134 : i32
    %add3A_136 = arith.constant 32768 : i32
    %add3A_137 = arith.addi %add3A_136, %mul3A_135 : i32
    "tpu.region"() ({
      %run_scoped3A = tpu.sem_alloc : memref<!tpu.dma_semaphore, #tpu.memory_space<semaphore_mem>>
      %dma_start3A_159 = tpu.memref_slice %arg4[%add3A_137] : memref<65536xi32, #tpu.memory_space<hbm>> -> memref<256xi32, #tpu.memory_space<hbm>>
      %dma_start3A_160 = tpu.memref_slice %arg4[%add3A_137] : memref<65536xi32, #tpu.memory_space<hbm>> -> memref<256xi32, #tpu.memory_space<hbm>>
      tpu.enqueue_dma source(%dma_start3A_160 : memref<256xi32, #tpu.memory_space<hbm>>) target(%arg7 : memref<256xi32, #tpu.memory_space<vmem>>) target_semaphore(%run_scoped3A : memref<!tpu.dma_semaphore, #tpu.memory_space<semaphore_mem>>)
      %dma_wait3A_161 = tpu.memref_slice %arg4[%add3A_137] : memref<65536xi32, #tpu.memory_space<hbm>> -> memref<256xi32, #tpu.memory_space<hbm>>
      %dma_wait3A_162 = tpu.memref_slice %arg4[%add3A_137] : memref<65536xi32, #tpu.memory_space<hbm>> -> memref<256xi32, #tpu.memory_space<hbm>>
      tpu.wait_dma2 semaphore(%run_scoped3A : memref<!tpu.dma_semaphore, #tpu.memory_space<semaphore_mem>>) src(%dma_wait3A_162 : memref<256xi32, #tpu.memory_space<hbm>>) dst(%arg7 : memref<256xi32, #tpu.memory_space<vmem>>)
      tpu.yield
    }) : () -> ()
    %dma_start3A_138 = arith.constant 0 : i32
    %dma_start3A_139 = arith.constant 0 : i32
    %dma_start3A_140 = tpu.memref_slice %arg3[%dma_start3A_138, %dma_start3A_139] : memref<65536x128xf32, #tpu.memory_space<hbm>> -> memref<65536x128xf32, #tpu.memory_space<hbm>>
    tpu.enqueue_indirect_dma source(%dma_start3A_140 : memref<65536x128xf32, #tpu.memory_space<hbm>>) target(%arg9 : memref<256x128xf32, #tpu.memory_space<vmem>>) offsets(%arg7 : memref<256xi32, #tpu.memory_space<vmem>>) semaphore(%arg11 : memref<!tpu.dma_semaphore, #tpu.memory_space<semaphore_mem>>)
    %dma_wait3A_141 = arith.constant 0 : i32
    %dma_wait3A_142 = arith.constant 0 : i32
    %dma_wait3A_143 = tpu.memref_slice %arg2[%dma_wait3A_141, %dma_wait3A_142] : memref<4096x128xf32, #tpu.memory_space<hbm>> -> memref<4096x128xf32, #tpu.memory_space<hbm>>
    tpu.wait_indirect_dma semaphore(%arg10 : memref<!tpu.dma_semaphore, #tpu.memory_space<semaphore_mem>>) src(%dma_wait3A_143 : memref<4096x128xf32, #tpu.memory_space<hbm>>) dst(%arg8 : memref<256x128xf32, #tpu.memory_space<vmem>>)
    %mul3A_144 = arith.constant 64 : i32
    %mul3A_145 = arith.muli %add3A, %mul3A_144 : i32
    %add3A_146 = arith.constant 48 : i32
    %add3A_147 = arith.addi %mul3A_145, %add3A_146 : i32
    %add3A_148 = arith.constant 0 : i32
    %add3A_149 = arith.addi %add3A_148, %add3A_147 : i32
    "tpu.region"() ({
      %run_scoped3A = tpu.sem_alloc : memref<!tpu.dma_semaphore, #tpu.memory_space<semaphore_mem>>
      %dma_start3A_159 = tpu.memref_reshape %arg8 : memref<256x128xf32, #tpu.memory_space<vmem>> -> memref<16x2048xf32, #tpu.memory_space<vmem>>
      %dma_start3A_160 = arith.constant 0 : i32
      %dma_start3A_161 = tpu.memref_slice %arg5[%add3A_149, %dma_start3A_160] : memref<4096x2048xf32, #tpu.memory_space<hbm>> -> memref<16x2048xf32, #tpu.memory_space<hbm>>
      %dma_start3A_162 = arith.constant 0 : i32
      %dma_start3A_163 = tpu.memref_slice %arg5[%add3A_149, %dma_start3A_162] : memref<4096x2048xf32, #tpu.memory_space<hbm>> -> memref<16x2048xf32, #tpu.memory_space<hbm>>
      %dma_start3A_164 = tpu.memref_reshape %arg8 : memref<256x128xf32, #tpu.memory_space<vmem>> -> memref<16x2048xf32, #tpu.memory_space<vmem>>
      tpu.enqueue_dma source(%dma_start3A_164 : memref<16x2048xf32, #tpu.memory_space<vmem>>) target(%dma_start3A_163 : memref<16x2048xf32, #tpu.memory_space<hbm>>) target_semaphore(%run_scoped3A : memref<!tpu.dma_semaphore, #tpu.memory_space<semaphore_mem>>)
      %dma_wait3A_165 = tpu.memref_reshape %arg8 : memref<256x128xf32, #tpu.memory_space<vmem>> -> memref<16x2048xf32, #tpu.memory_space<vmem>>
      %dma_wait3A_166 = arith.constant 0 : i32
      %dma_wait3A_167 = tpu.memref_slice %arg5[%add3A_149, %dma_wait3A_166] : memref<4096x2048xf32, #tpu.memory_space<hbm>> -> memref<16x2048xf32, #tpu.memory_space<hbm>>
      %dma_wait3A_168 = arith.constant 0 : i32
      %dma_wait3A_169 = tpu.memref_slice %arg5[%add3A_149, %dma_wait3A_168] : memref<4096x2048xf32, #tpu.memory_space<hbm>> -> memref<16x2048xf32, #tpu.memory_space<hbm>>
      %dma_wait3A_170 = tpu.memref_reshape %arg8 : memref<256x128xf32, #tpu.memory_space<vmem>> -> memref<16x2048xf32, #tpu.memory_space<vmem>>
      tpu.wait_dma2 semaphore(%run_scoped3A : memref<!tpu.dma_semaphore, #tpu.memory_space<semaphore_mem>>) src(%dma_wait3A_170 : memref<16x2048xf32, #tpu.memory_space<vmem>>) dst(%dma_wait3A_169 : memref<16x2048xf32, #tpu.memory_space<hbm>>)
      tpu.yield
    }) : () -> ()
    %dma_wait3A_150 = arith.constant 0 : i32
    %dma_wait3A_151 = arith.constant 0 : i32
    %dma_wait3A_152 = tpu.memref_slice %arg3[%dma_wait3A_150, %dma_wait3A_151] : memref<65536x128xf32, #tpu.memory_space<hbm>> -> memref<65536x128xf32, #tpu.memory_space<hbm>>
    tpu.wait_indirect_dma semaphore(%arg11 : memref<!tpu.dma_semaphore, #tpu.memory_space<semaphore_mem>>) src(%dma_wait3A_152 : memref<65536x128xf32, #tpu.memory_space<hbm>>) dst(%arg9 : memref<256x128xf32, #tpu.memory_space<vmem>>)
    %mul3A_153 = arith.constant 64 : i32
    %mul3A_154 = arith.muli %add3A, %mul3A_153 : i32
    %add3A_155 = arith.constant 48 : i32
    %add3A_156 = arith.addi %mul3A_154, %add3A_155 : i32
    %add3A_157 = arith.constant 2048 : i32
    %add3A_158 = arith.addi %add3A_157, %add3A_156 : i32
    "tpu.region"() ({
      %run_scoped3A = tpu.sem_alloc : memref<!tpu.dma_semaphore, #tpu.memory_space<semaphore_mem>>
      %dma_start3A_159 = tpu.memref_reshape %arg9 : memref<256x128xf32, #tpu.memory_space<vmem>> -> memref<16x2048xf32, #tpu.memory_space<vmem>>
      %dma_start3A_160 = arith.constant 0 : i32
      %dma_start3A_161 = tpu.memref_slice %arg5[%add3A_158, %dma_start3A_160] : memref<4096x2048xf32, #tpu.memory_space<hbm>> -> memref<16x2048xf32, #tpu.memory_space<hbm>>
      %dma_start3A_162 = arith.constant 0 : i32
      %dma_start3A_163 = tpu.memref_slice %arg5[%add3A_158, %dma_start3A_162] : memref<4096x2048xf32, #tpu.memory_space<hbm>> -> memref<16x2048xf32, #tpu.memory_space<hbm>>
      %dma_start3A_164 = tpu.memref_reshape %arg9 : memref<256x128xf32, #tpu.memory_space<vmem>> -> memref<16x2048xf32, #tpu.memory_space<vmem>>
      tpu.enqueue_dma source(%dma_start3A_164 : memref<16x2048xf32, #tpu.memory_space<vmem>>) target(%dma_start3A_163 : memref<16x2048xf32, #tpu.memory_space<hbm>>) target_semaphore(%run_scoped3A : memref<!tpu.dma_semaphore, #tpu.memory_space<semaphore_mem>>)
      %dma_wait3A_165 = tpu.memref_reshape %arg9 : memref<256x128xf32, #tpu.memory_space<vmem>> -> memref<16x2048xf32, #tpu.memory_space<vmem>>
      %dma_wait3A_166 = arith.constant 0 : i32
      %dma_wait3A_167 = tpu.memref_slice %arg5[%add3A_158, %dma_wait3A_166] : memref<4096x2048xf32, #tpu.memory_space<hbm>> -> memref<16x2048xf32, #tpu.memory_space<hbm>>
      %dma_wait3A_168 = arith.constant 0 : i32
      %dma_wait3A_169 = tpu.memref_slice %arg5[%add3A_158, %dma_wait3A_168] : memref<4096x2048xf32, #tpu.memory_space<hbm>> -> memref<16x2048xf32, #tpu.memory_space<hbm>>
      %dma_wait3A_170 = tpu.memref_reshape %arg9 : memref<256x128xf32, #tpu.memory_space<vmem>> -> memref<16x2048xf32, #tpu.memory_space<vmem>>
      tpu.wait_dma2 semaphore(%run_scoped3A : memref<!tpu.dma_semaphore, #tpu.memory_space<semaphore_mem>>) src(%dma_wait3A_170 : memref<16x2048xf32, #tpu.memory_space<vmem>>) dst(%dma_wait3A_169 : memref<16x2048xf32, #tpu.memory_space<hbm>>)
      tpu.yield
    }) : () -> ()
    return
  }
}

module attributes {stable_mosaic.version = 14 : i64} {
  func.func @_index_body(%arg0: i32, %arg1: memref<1x1024x1024xf32, #tpu.memory_space<vmem>>, %arg2: memref<64x1024xf32, #tpu.memory_space<vmem>>, %arg3: memref<2x1024x16xi32, #tpu.memory_space<vmem>>, %arg4: memref<1024x16xi32, #tpu.memory_space<vmem>>, %arg5: memref<8x16xi32, #tpu.memory_space<vmem>>) attributes {dimension_semantics = [#tpu.dimension_semantics<arbitrary>], iteration_bounds = array<i64: 2>, scalar_prefetch = 0 : i64, scratch_operands = 1 : i64, tpu.core_type = #tpu.core_type<tc>, window_params = [{transform_indices = @transform_0, window_bounds = array<i64: 1, 1024, 1024>}, {pipeline_mode = #tpu.pipeline_mode<synchronous>, transform_indices = @transform_1, window_bounds = array<i64: 64, 1024>}, {transform_indices = @transform_2, window_bounds = array<i64: 2, 1024, 16>}, {transform_indices = @transform_3, window_bounds = array<i64: 1024, 16>}]} {
    %get3A = arith.constant 0 : index
    %get3A_0 = arith.constant 0 : index
    %get3A_1 = arith.constant 0 : index
    %get3A_2 = vector.load %arg1[%get3A, %get3A_0, %get3A_1] : memref<1x1024x1024xf32, #tpu.memory_space<vmem>>, vector<1x1024x1024xf32>
    %get3A_3 = vector.shape_cast %get3A_2 : vector<1x1024x1024xf32> to vector<1024x1024xf32>
    %get3A_4 = arith.constant 0 : index
    %get3A_5 = arith.constant 0 : index
    %get3A_6 = vector.load %arg2[%get3A_4, %get3A_5] : memref<64x1024xf32, #tpu.memory_space<vmem>>, vector<64x1024xf32>
    %dot_general3A = arith.constant dense<0.000000e+00> : vector<1024x64xf32>
    %dot_general3A_7 = tpu.matmul %get3A_3, %get3A_6, %dot_general3A {dimension_numbers = #tpu.dot_dimension_numbers<[1], [1], [0], [0], [0, 0, 1, 0], [], []>, transpose_lhs_hint = false} : vector<1024x1024xf32>, vector<64x1024xf32>, vector<1024x64xf32> -> vector<1024x64xf32>
    %gt3A = arith.constant 0.000000e+00 : f32
    %gt3A_8 = vector.broadcast %gt3A : f32 to vector<1024x64xf32>
    %gt3A_9 = arith.cmpf ogt, %dot_general3A_7, %gt3A_8 : vector<1024x64xf32>
    %convert_element_type3A = arith.extui %gt3A_9 : vector<1024x64xi1> to vector<1024x64xi32>
    %convert_element_type3A_10 = arith.sitofp %convert_element_type3A : vector<1024x64xi32> to vector<1024x64xf32>
    %iota3A = tpu.iota {dimensions = array<i32: 0>} : vector<64x16xi32>
    %iota3A_11 = tpu.iota {dimensions = array<i32: 1>} : vector<64x16xi32>
    %jit3A = arith.constant 4 : i32
    %div3A = vector.broadcast %jit3A : i32 to vector<64x16xi32>
    %div3A_12 = arith.divsi %iota3A, %div3A : vector<64x16xi32>
    %sign3A = arith.constant 0 : i32
    %sign3A_13 = vector.broadcast %sign3A : i32 to vector<64x16xi32>
    %sign3A_14 = arith.cmpi sgt, %iota3A, %sign3A_13 : vector<64x16xi32>
    %sign3A_15 = arith.extui %sign3A_14 : vector<64x16xi1> to vector<64x16xi32>
    %sign3A_16 = arith.constant 0 : i32
    %sign3A_17 = vector.broadcast %sign3A_16 : i32 to vector<64x16xi32>
    %sign3A_18 = arith.cmpi slt, %iota3A, %sign3A_17 : vector<64x16xi32>
    %sign3A_19 = arith.extui %sign3A_18 : vector<64x16xi1> to vector<64x16xi32>
    %sign3A_20 = arith.subi %sign3A_15, %sign3A_19 : vector<64x16xi32>
    %sign3A_21 = arith.constant 0 : i32
    %sign3A_22 = arith.cmpi sgt, %jit3A, %sign3A_21 : i32
    %sign3A_23 = arith.extui %sign3A_22 : i1 to i32
    %sign3A_24 = arith.constant 0 : i32
    %sign3A_25 = arith.cmpi slt, %jit3A, %sign3A_24 : i32
    %sign3A_26 = arith.extui %sign3A_25 : i1 to i32
    %sign3A_27 = arith.subi %sign3A_23, %sign3A_26 : i32
    %ne3A = vector.broadcast %sign3A_27 : i32 to vector<64x16xi32>
    %ne3A_28 = arith.cmpi ne, %sign3A_20, %ne3A : vector<64x16xi32>
    %rem3A = vector.broadcast %jit3A : i32 to vector<64x16xi32>
    %rem3A_29 = arith.remsi %iota3A, %rem3A : vector<64x16xi32>
    %ne3A_30 = arith.constant 0 : i32
    %ne3A_31 = vector.broadcast %ne3A_30 : i32 to vector<64x16xi32>
    %ne3A_32 = arith.cmpi ne, %rem3A_29, %ne3A_31 : vector<64x16xi32>
    %and3A = arith.andi %ne3A_28, %ne3A_32 : vector<64x16xi1>
    %sub3A = arith.constant 1 : i32
    %sub3A_33 = vector.broadcast %sub3A : i32 to vector<64x16xi32>
    %sub3A_34 = arith.subi %div3A_12, %sub3A_33 : vector<64x16xi32>
    %select_n3A = arith.select %and3A, %sub3A_34, %div3A_12 : vector<64x16xi1>, vector<64x16xi32>
    %eq3A = arith.cmpi eq, %select_n3A, %iota3A_11 : vector<64x16xi32>
    %jit3A_35 = arith.constant 4 : i32
    %eq3A_36 = arith.constant 0 : i32
    %eq3A_37 = arith.cmpi eq, %jit3A_35, %eq3A_36 : i32
    %jit3A_38 = arith.constant 1 : i32
    %select_n3A_39 = arith.select %eq3A_37, %jit3A_38, %jit3A_35 : i32
    %rem3A_40 = vector.broadcast %select_n3A_39 : i32 to vector<64x16xi32>
    %rem3A_41 = arith.remsi %iota3A, %rem3A_40 : vector<64x16xi32>
    %ne3A_42 = arith.constant 0 : i32
    %ne3A_43 = vector.broadcast %ne3A_42 : i32 to vector<64x16xi32>
    %ne3A_44 = arith.cmpi ne, %rem3A_41, %ne3A_43 : vector<64x16xi32>
    %lt3A = arith.constant 0 : i32
    %lt3A_45 = vector.broadcast %lt3A : i32 to vector<64x16xi32>
    %lt3A_46 = arith.cmpi slt, %rem3A_41, %lt3A_45 : vector<64x16xi32>
    %lt3A_47 = arith.constant 0 : i32
    %lt3A_48 = arith.cmpi slt, %select_n3A_39, %lt3A_47 : i32
    %ne3A_49 = vector.broadcast %lt3A_48 : i1 to vector<64x16xi1>
    %ne3A_50 = vector.broadcast %ne3A_49 : vector<64x16xi1> to vector<64x16xi1>
    %ne3A_51 = arith.xori %lt3A_46, %ne3A_50 : vector<64x16xi1>
    %and3A_52 = arith.andi %ne3A_51, %ne3A_44 : vector<64x16xi1>
    %add3A = vector.broadcast %select_n3A_39 : i32 to vector<64x16xi32>
    %add3A_53 = arith.addi %rem3A_41, %add3A : vector<64x16xi32>
    %select_n3A_54 = arith.select %and3A_52, %add3A_53, %rem3A_41 : vector<64x16xi1>, vector<64x16xi32>
    %shift_left3A = arith.constant 1 : i32
    %shift_left3A_55 = vector.broadcast %shift_left3A : i32 to vector<64x16xi32>
    %shift_left3A_56 = arith.shli %shift_left3A_55, %select_n3A_54 : vector<64x16xi32>
    %jit3A_57 = arith.constant 0 : i32
    %broadcast_in_dim3A = vector.broadcast %jit3A_57 : i32 to vector<64x16xi32>
    %select_n3A_58 = arith.select %eq3A, %shift_left3A_56, %broadcast_in_dim3A : vector<64x16xi1>, vector<64x16xi32>
    %convert_element_type3A_59 = arith.sitofp %select_n3A_58 : vector<64x16xi32> to vector<64x16xf32>
    %dot_general3A_60 = arith.constant dense<0.000000e+00> : vector<1024x16xf32>
    %dot_general3A_61 = tpu.matmul %convert_element_type3A_10, %convert_element_type3A_59, %dot_general3A_60 {dimension_numbers = #tpu.dot_dimension_numbers<[1], [0], [0], [1], [0, 0, 1, 1], [], []>, transpose_lhs_hint = false} : vector<1024x64xf32>, vector<64x16xf32>, vector<1024x16xf32> -> vector<1024x16xf32>
    %convert_element_type3A_62 = arith.fptosi %dot_general3A_61 : vector<1024x16xf32> to vector<1024x16xi32>
    %iota3A_63 = tpu.iota {dimensions = array<i32: 0>} : vector<1024x16xi32>
    %iota3A_64 = tpu.iota {dimensions = array<i32: 1>} : vector<1024x16xi32>
    %gt3A_65 = arith.constant 0 : i32
    %gt3A_66 = arith.cmpi sgt, %arg0, %gt3A_65 : i32
    %get3A_67 = arith.constant 0 : index
    %get3A_68 = arith.constant 0 : index
    %get3A_69 = vector.load %arg5[%get3A_67, %get3A_68] : memref<8x16xi32, #tpu.memory_space<vmem>>, vector<2x16xi32>
    %broadcast_in_dim3A_70 = arith.constant 0 : i32
    %broadcast_in_dim3A_71 = vector.broadcast %broadcast_in_dim3A_70 : i32 to vector<2x16xi32>
    %select_n3A_72 = arith.select %gt3A_66, %get3A_69, %broadcast_in_dim3A_71 : vector<2x16xi32>
    %ge3A = arith.constant 1 : i32
    %ge3A_73 = vector.broadcast %ge3A : i32 to vector<1024x16xi32>
    %ge3A_74 = arith.cmpi sge, %iota3A_63, %ge3A_73 : vector<1024x16xi32>
    %roll3A = arith.constant 1 : i32
    %roll3A_75 = tpu.dynamic_rotate %convert_element_type3A_62 by %roll3A dim 0 : vector<1024x16xi32>, i32 -> vector<1024x16xi32>
    %slice3A = vector.extract_strided_slice %select_n3A_72 {offsets = [1, 0], sizes = [1, 16], strides = [1, 1]} : vector<2x16xi32> to vector<1x16xi32>
    %squeeze3A = vector.shape_cast %slice3A : vector<1x16xi32> to vector<16xi32>
    %broadcast_in_dim3A_76 = vector.shape_cast %squeeze3A : vector<16xi32> to vector<1x16xi32>
    %broadcast_in_dim3A_77 = vector.shape_cast %broadcast_in_dim3A_76 : vector<1x16xi32> to vector<1x16xi32>
    %broadcast_in_dim3A_78 = vector.broadcast %broadcast_in_dim3A_77 : vector<1x16xi32> to vector<1024x16xi32>
    %select_n3A_79 = arith.select %ge3A_74, %roll3A_75, %broadcast_in_dim3A_78 : vector<1024x16xi1>, vector<1024x16xi32>
    %ge3A_80 = arith.constant 2 : i32
    %ge3A_81 = vector.broadcast %ge3A_80 : i32 to vector<1024x16xi32>
    %ge3A_82 = arith.cmpi sge, %iota3A_63, %ge3A_81 : vector<1024x16xi32>
    %roll3A_83 = arith.constant 2 : i32
    %roll3A_84 = tpu.dynamic_rotate %convert_element_type3A_62 by %roll3A_83 dim 0 : vector<1024x16xi32>, i32 -> vector<1024x16xi32>
    %eq3A_85 = arith.constant 1 : i32
    %eq3A_86 = vector.broadcast %eq3A_85 : i32 to vector<1024x16xi32>
    %eq3A_87 = arith.cmpi eq, %iota3A_63, %eq3A_86 : vector<1024x16xi32>
    %slice3A_88 = vector.extract_strided_slice %select_n3A_72 {offsets = [1, 0], sizes = [1, 16], strides = [1, 1]} : vector<2x16xi32> to vector<1x16xi32>
    %squeeze3A_89 = vector.shape_cast %slice3A_88 : vector<1x16xi32> to vector<16xi32>
    %broadcast_in_dim3A_90 = vector.shape_cast %squeeze3A_89 : vector<16xi32> to vector<1x16xi32>
    %slice3A_91 = vector.extract_strided_slice %select_n3A_72 {offsets = [0, 0], sizes = [1, 16], strides = [1, 1]} : vector<2x16xi32> to vector<1x16xi32>
    %squeeze3A_92 = vector.shape_cast %slice3A_91 : vector<1x16xi32> to vector<16xi32>
    %broadcast_in_dim3A_93 = vector.shape_cast %squeeze3A_92 : vector<16xi32> to vector<1x16xi32>
    %broadcast_in_dim3A_94 = vector.shape_cast %broadcast_in_dim3A_90 : vector<1x16xi32> to vector<1x16xi32>
    %broadcast_in_dim3A_95 = vector.broadcast %broadcast_in_dim3A_94 : vector<1x16xi32> to vector<1024x16xi32>
    %broadcast_in_dim3A_96 = vector.shape_cast %broadcast_in_dim3A_93 : vector<1x16xi32> to vector<1x16xi32>
    %broadcast_in_dim3A_97 = vector.broadcast %broadcast_in_dim3A_96 : vector<1x16xi32> to vector<1024x16xi32>
    %select_n3A_98 = arith.select %eq3A_87, %broadcast_in_dim3A_95, %broadcast_in_dim3A_97 : vector<1024x16xi1>, vector<1024x16xi32>
    %select_n3A_99 = arith.select %ge3A_82, %roll3A_84, %select_n3A_98 : vector<1024x16xi1>, vector<1024x16xi32>
    %slice3A_100 = vector.extract_strided_slice %convert_element_type3A_62 {offsets = [1022, 0], sizes = [2, 16], strides = [1, 1]} : vector<1024x16xi32> to vector<2x16xi32>
    %swap3A = arith.constant 0 : index
    %swap3A_101 = arith.constant 0 : index
    %swap3A_102 = vector.load %arg5[%swap3A, %swap3A_101] : memref<8x16xi32, #tpu.memory_space<vmem>>, vector<2x16xi32>
    tpu.vector_store %arg5[%swap3A, %swap3A_101], %slice3A_100 {strides = array<i32>} : memref<8x16xi32, #tpu.memory_space<vmem>>, vector<2x16xi32>,
    %swap3A_103 = arith.constant 0 : index
    %swap3A_104 = arith.constant 0 : index
    %swap3A_105 = vector.load %arg4[%swap3A_103, %swap3A_104] : memref<1024x16xi32, #tpu.memory_space<vmem>>, vector<1024x16xi32>
    tpu.vector_store %arg4[%swap3A_103, %swap3A_104], %convert_element_type3A_62 {strides = array<i32>} : memref<1024x16xi32, #tpu.memory_space<vmem>>, vector<1024x16xi32>,
    %mul3A = arith.constant 256 : i32
    %mul3A_106 = vector.broadcast %mul3A : i32 to vector<1024x16xi32>
    %mul3A_107 = arith.muli %iota3A_64, %mul3A_106 : vector<1024x16xi32>
    %add3A_108 = arith.addi %mul3A_107, %select_n3A_79 : vector<1024x16xi32>
    %mul3A_109 = arith.constant 16 : i32
    %mul3A_110 = vector.broadcast %mul3A_109 : i32 to vector<1024x16xi32>
    %mul3A_111 = arith.muli %mul3A_110, %convert_element_type3A_62 : vector<1024x16xi32>
    %add3A_112 = arith.addi %add3A_108, %mul3A_111 : vector<1024x16xi32>
    %swap3A_113 = arith.constant 0 : index
    %swap3A_114 = arith.constant 0 : index
    %swap3A_115 = arith.constant 0 : index
    %swap3A_116 = vector.load %arg3[%swap3A_113, %swap3A_114, %swap3A_115] : memref<2x1024x16xi32, #tpu.memory_space<vmem>>, vector<1x1024x16xi32>
    %swap3A_117 = vector.shape_cast %swap3A_116 : vector<1x1024x16xi32> to vector<1024x16xi32>
    %swap3A_118 = vector.shape_cast %add3A_112 : vector<1024x16xi32> to vector<1x1024x16xi32>
    tpu.vector_store %arg3[%swap3A_113, %swap3A_114, %swap3A_115], %swap3A_118 {strides = array<i32>} : memref<2x1024x16xi32, #tpu.memory_space<vmem>>, vector<1x1024x16xi32>,
    %mul3A_119 = arith.constant 4096 : i32
    %mul3A_120 = vector.broadcast %mul3A_119 : i32 to vector<1024x16xi32>
    %mul3A_121 = arith.muli %iota3A_64, %mul3A_120 : vector<1024x16xi32>
    %add3A_122 = arith.addi %mul3A_121, %select_n3A_99 : vector<1024x16xi32>
    %mul3A_123 = arith.constant 16 : i32
    %mul3A_124 = vector.broadcast %mul3A_123 : i32 to vector<1024x16xi32>
    %mul3A_125 = arith.muli %mul3A_124, %select_n3A_79 : vector<1024x16xi32>
    %add3A_126 = arith.addi %add3A_122, %mul3A_125 : vector<1024x16xi32>
    %mul3A_127 = arith.constant 256 : i32
    %mul3A_128 = vector.broadcast %mul3A_127 : i32 to vector<1024x16xi32>
    %mul3A_129 = arith.muli %mul3A_128, %convert_element_type3A_62 : vector<1024x16xi32>
    %add3A_130 = arith.addi %add3A_126, %mul3A_129 : vector<1024x16xi32>
    %swap3A_131 = arith.constant 1 : index
    %swap3A_132 = arith.constant 0 : index
    %swap3A_133 = arith.constant 0 : index
    %swap3A_134 = vector.load %arg3[%swap3A_131, %swap3A_132, %swap3A_133] : memref<2x1024x16xi32, #tpu.memory_space<vmem>>, vector<1x1024x16xi32>
    %swap3A_135 = vector.shape_cast %swap3A_134 : vector<1x1024x16xi32> to vector<1024x16xi32>
    %swap3A_136 = vector.shape_cast %add3A_130 : vector<1024x16xi32> to vector<1x1024x16xi32>
    tpu.vector_store %arg3[%swap3A_131, %swap3A_132, %swap3A_133], %swap3A_136 {strides = array<i32>} : memref<2x1024x16xi32, #tpu.memory_space<vmem>>, vector<1x1024x16xi32>,
    return
  }
  func.func @transform_0(%arg0: i32) -> (i32, i32, i32) {
    %c0_i32 = arith.constant 0 : i32
    %c0_i32_0 = arith.constant 0 : i32
    %c0_i32_1 = arith.constant 0 : i32
    return %c0_i32, %arg0, %c0_i32_0 : i32, i32, i32
  }
  func.func @transform_1(%arg0: i32) -> (i32, i32) {
    %c0_i32 = arith.constant 0 : i32
    %c0_i32_0 = arith.constant 0 : i32
    %c0_i32_1 = arith.constant 0 : i32
    return %c0_i32, %c0_i32_0 : i32, i32
  }
  func.func @transform_2(%arg0: i32) -> (i32, i32, i32) {
    %c0_i32 = arith.constant 0 : i32
    %c0_i32_0 = arith.constant 0 : i32
    %c0_i32_1 = arith.constant 0 : i32
    return %c0_i32, %arg0, %c0_i32_0 : i32, i32, i32
  }
  func.func @transform_3(%arg0: i32) -> (i32, i32) {
    %c0_i32 = arith.constant 0 : i32
    %c0_i32_0 = arith.constant 0 : i32
    return %arg0, %c0_i32 : i32, i32
  }
}

module attributes {stable_mosaic.version = 14 : i64} {
  func.func @_mm_body(%arg0: i32, %arg1: i32, %arg2: memref<2048x16xi32, #tpu.memory_space<vmem>>, %arg3: memref<256x1024xf32, #tpu.memory_space<vmem>>, %arg4: memref<1x2048x512xf32, #tpu.memory_space<vmem>>, %arg5: memref<1x512x1024xf32, #tpu.memory_space<vmem>>, %arg6: memref<2048x1024xf32, #tpu.memory_space<vmem>>) attributes {dimension_semantics = [#tpu.dimension_semantics<arbitrary>, #tpu.dimension_semantics<arbitrary>], iteration_bounds = array<i64: 2, 4>, scalar_prefetch = 0 : i64, scratch_operands = 0 : i64, tpu.core_type = #tpu.core_type<tc>, window_params = [{pipeline_mode = #tpu.pipeline_mode<synchronous>, transform_indices = @transform_0, window_bounds = array<i64: 2048, 16>}, {pipeline_mode = #tpu.pipeline_mode<synchronous>, transform_indices = @transform_1, window_bounds = array<i64: 256, 1024>}, {transform_indices = @transform_2, window_bounds = array<i64: 1, 2048, 512>}, {transform_indices = @transform_3, window_bounds = array<i64: 1, 512, 1024>}, {pipeline_mode = #tpu.pipeline_mode<synchronous>, transform_indices = @transform_4, window_bounds = array<i64: 2048, 1024>}]} {
    %eq3A = arith.constant 0 : i32
    %eq3A_0 = arith.cmpi eq, %arg0, %eq3A : i32
    %eq3A_1 = arith.constant 0 : i32
    %eq3A_2 = arith.cmpi eq, %arg1, %eq3A_1 : i32
    %and3A = arith.andi %eq3A_0, %eq3A_2 : i1
    %convert_element_type3A = arith.extui %and3A : i1 to i32
    %cond3A = arith.constant 0 : i32
    %cond3A_3 = arith.cmpi ne, %convert_element_type3A, %cond3A : i32
    scf.if %cond3A_3 {
      %iota3A_22 = tpu.iota {dimensions = array<i32: 0>} : vector<16x256xi32>
      %iota3A_23 = tpu.iota {dimensions = array<i32: 1>} : vector<16x256xi32>
      %jit3A_24 = arith.constant 16 : i32
      %div3A = vector.broadcast %jit3A_24 : i32 to vector<16x256xi32>
      %div3A_25 = arith.divsi %iota3A_23, %div3A : vector<16x256xi32>
      %sign3A = arith.constant 0 : i32
      %sign3A_26 = vector.broadcast %sign3A : i32 to vector<16x256xi32>
      %sign3A_27 = arith.cmpi sgt, %iota3A_23, %sign3A_26 : vector<16x256xi32>
      %sign3A_28 = arith.extui %sign3A_27 : vector<16x256xi1> to vector<16x256xi32>
      %sign3A_29 = arith.constant 0 : i32
      %sign3A_30 = vector.broadcast %sign3A_29 : i32 to vector<16x256xi32>
      %sign3A_31 = arith.cmpi slt, %iota3A_23, %sign3A_30 : vector<16x256xi32>
      %sign3A_32 = arith.extui %sign3A_31 : vector<16x256xi1> to vector<16x256xi32>
      %sign3A_33 = arith.subi %sign3A_28, %sign3A_32 : vector<16x256xi32>
      %sign3A_34 = arith.constant 0 : i32
      %sign3A_35 = arith.cmpi sgt, %jit3A_24, %sign3A_34 : i32
      %sign3A_36 = arith.extui %sign3A_35 : i1 to i32
      %sign3A_37 = arith.constant 0 : i32
      %sign3A_38 = arith.cmpi slt, %jit3A_24, %sign3A_37 : i32
      %sign3A_39 = arith.extui %sign3A_38 : i1 to i32
      %sign3A_40 = arith.subi %sign3A_36, %sign3A_39 : i32
      %ne3A = vector.broadcast %sign3A_40 : i32 to vector<16x256xi32>
      %ne3A_41 = arith.cmpi ne, %sign3A_33, %ne3A : vector<16x256xi32>
      %rem3A = vector.broadcast %jit3A_24 : i32 to vector<16x256xi32>
      %rem3A_42 = arith.remsi %iota3A_23, %rem3A : vector<16x256xi32>
      %ne3A_43 = arith.constant 0 : i32
      %ne3A_44 = vector.broadcast %ne3A_43 : i32 to vector<16x256xi32>
      %ne3A_45 = arith.cmpi ne, %rem3A_42, %ne3A_44 : vector<16x256xi32>
      %and3A_46 = arith.andi %ne3A_41, %ne3A_45 : vector<16x256xi1>
      %sub3A = arith.constant 1 : i32
      %sub3A_47 = vector.broadcast %sub3A : i32 to vector<16x256xi32>
      %sub3A_48 = arith.subi %div3A_25, %sub3A_47 : vector<16x256xi32>
      %select_n3A_49 = arith.select %and3A_46, %sub3A_48, %div3A_25 : vector<16x256xi1>, vector<16x256xi32>
      %eq3A_50 = arith.cmpi eq, %select_n3A_49, %iota3A_22 : vector<16x256xi32>
      %jit3A_51 = arith.constant 1.000000e+00 : f32
      %jit3A_52 = arith.constant 0.000000e+00 : f32
      %broadcast_in_dim3A_53 = vector.broadcast %jit3A_51 : f32 to vector<16x256xf32>
      %broadcast_in_dim3A_54 = vector.broadcast %jit3A_52 : f32 to vector<16x256xf32>
      %select_n3A_55 = arith.select %eq3A_50, %broadcast_in_dim3A_53, %broadcast_in_dim3A_54 : vector<16x256xi1>, vector<16x256xf32>
      %get3A_56 = arith.constant 0 : index
      %get3A_57 = arith.constant 0 : index
      %get3A_58 = vector.load %arg2[%get3A_56, %get3A_57] : memref<2048x16xi32, #tpu.memory_space<vmem>>, vector<2048x16xi32>
      %convert_element_type3A_59 = arith.sitofp %get3A_58 : vector<2048x16xi32> to vector<2048x16xf32>
      %dot_general3A_60 = arith.constant dense<0.000000e+00> : vector<2048x256xf32>
      %dot_general3A_61 = tpu.matmul %convert_element_type3A_59, %select_n3A_55, %dot_general3A_60 {dimension_numbers = #tpu.dot_dimension_numbers<[1], [0], [0], [1], [0, 0, 1, 1], [], []>, transpose_lhs_hint = false} : vector<2048x16xf32>, vector<16x256xf32>, vector<2048x256xf32> -> vector<2048x256xf32>
      %iota3A_62 = tpu.iota {dimensions = array<i32: 1>} : vector<2048x256xi32>
      %jit3A_63 = arith.constant 16 : i32
      %eq3A_64 = arith.constant 0 : i32
      %eq3A_65 = arith.cmpi eq, %jit3A_63, %eq3A_64 : i32
      %jit3A_66 = arith.constant 1 : i32
      %select_n3A_67 = arith.select %eq3A_65, %jit3A_66, %jit3A_63 : i32
      %rem3A_68 = vector.broadcast %select_n3A_67 : i32 to vector<2048x256xi32>
      %rem3A_69 = arith.remsi %iota3A_62, %rem3A_68 : vector<2048x256xi32>
      %ne3A_70 = arith.constant 0 : i32
      %ne3A_71 = vector.broadcast %ne3A_70 : i32 to vector<2048x256xi32>
      %ne3A_72 = arith.cmpi ne, %rem3A_69, %ne3A_71 : vector<2048x256xi32>
      %lt3A = arith.constant 0 : i32
      %lt3A_73 = vector.broadcast %lt3A : i32 to vector<2048x256xi32>
      %lt3A_74 = arith.cmpi slt, %rem3A_69, %lt3A_73 : vector<2048x256xi32>
      %lt3A_75 = arith.constant 0 : i32
      %lt3A_76 = arith.cmpi slt, %select_n3A_67, %lt3A_75 : i32
      %ne3A_77 = vector.broadcast %lt3A_76 : i1 to vector<2048x256xi1>
      %ne3A_78 = vector.broadcast %ne3A_77 : vector<2048x256xi1> to vector<2048x256xi1>
      %ne3A_79 = arith.xori %lt3A_74, %ne3A_78 : vector<2048x256xi1>
      %and3A_80 = arith.andi %ne3A_79, %ne3A_72 : vector<2048x256xi1>
      %add3A_81 = vector.broadcast %select_n3A_67 : i32 to vector<2048x256xi32>
      %add3A_82 = arith.addi %rem3A_69, %add3A_81 : vector<2048x256xi32>
      %select_n3A_83 = arith.select %and3A_80, %add3A_82, %rem3A_69 : vector<2048x256xi1>, vector<2048x256xi32>
      %convert_element_type3A_84 = arith.fptosi %dot_general3A_61 : vector<2048x256xf32> to vector<2048x256xi32>
      %eq3A_85 = arith.cmpi eq, %convert_element_type3A_84, %select_n3A_83 : vector<2048x256xi32>
      %convert_element_type3A_86 = arith.extui %eq3A_85 : vector<2048x256xi1> to vector<2048x256xi32>
      %convert_element_type3A_87 = arith.sitofp %convert_element_type3A_86 : vector<2048x256xi32> to vector<2048x256xf32>
      %get3A_88 = arith.constant 0 : index
      %get3A_89 = arith.constant 0 : index
      %get3A_90 = vector.load %arg3[%get3A_88, %get3A_89] : memref<256x1024xf32, #tpu.memory_space<vmem>>, vector<256x1024xf32>
      %dot_general3A_91 = arith.constant dense<0.000000e+00> : vector<2048x1024xf32>
      %dot_general3A_92 = tpu.matmul %convert_element_type3A_87, %get3A_90, %dot_general3A_91 {dimension_numbers = #tpu.dot_dimension_numbers<[1], [0], [0], [1], [0, 0, 1, 1], [], []>, transpose_lhs_hint = false} : vector<2048x256xf32>, vector<256x1024xf32>, vector<2048x1024xf32> -> vector<2048x1024xf32>
      %swap3A_93 = arith.constant 0 : index
      %swap3A_94 = arith.constant 0 : index
      %swap3A_95 = vector.load %arg6[%swap3A_93, %swap3A_94] : memref<2048x1024xf32, #tpu.memory_space<vmem>>, vector<2048x1024xf32>
      tpu.vector_store %arg6[%swap3A_93, %swap3A_94], %dot_general3A_92 {strides = array<i32>} : memref<2048x1024xf32, #tpu.memory_space<vmem>>, vector<2048x1024xf32>,
    } else {
    }
    %get3A = arith.constant 0 : index
    %get3A_4 = arith.constant 0 : index
    %get3A_5 = arith.constant 0 : index
    %get3A_6 = vector.load %arg4[%get3A, %get3A_4, %get3A_5] : memref<1x2048x512xf32, #tpu.memory_space<vmem>>, vector<1x2048x512xf32>
    %get3A_7 = vector.shape_cast %get3A_6 : vector<1x2048x512xf32> to vector<2048x512xf32>
    %iota3A = tpu.iota {dimensions = array<i32: 0>} : vector<2048x512xi32>
    %add3A = arith.constant 1 : i32
    %add3A_8 = arith.addi %arg0, %add3A : i32
    %ge3A = vector.broadcast %add3A_8 : i32 to vector<2048x512xi32>
    %ge3A_9 = arith.cmpi sge, %iota3A, %ge3A : vector<2048x512xi32>
    %jit3A = arith.constant 0.000000e+00 : f32
    %broadcast_in_dim3A = vector.broadcast %jit3A : f32 to vector<2048x512xf32>
    %select_n3A = arith.select %ge3A_9, %get3A_7, %broadcast_in_dim3A : vector<2048x512xi1>, vector<2048x512xf32>
    %get3A_10 = arith.constant 0 : index
    %get3A_11 = arith.constant 0 : index
    %get3A_12 = vector.load %arg6[%get3A_10, %get3A_11] : memref<2048x1024xf32, #tpu.memory_space<vmem>>, vector<2048x1024xf32>
    %get3A_13 = arith.constant 0 : index
    %get3A_14 = arith.constant 0 : index
    %get3A_15 = arith.constant 0 : index
    %get3A_16 = vector.load %arg5[%get3A_13, %get3A_14, %get3A_15] : memref<1x512x1024xf32, #tpu.memory_space<vmem>>, vector<1x512x1024xf32>
    %get3A_17 = vector.shape_cast %get3A_16 : vector<1x512x1024xf32> to vector<512x1024xf32>
    %dot_general3A = arith.constant dense<0.000000e+00> : vector<2048x1024xf32>
    %dot_general3A_18 = tpu.matmul %select_n3A, %get3A_17, %dot_general3A {dimension_numbers = #tpu.dot_dimension_numbers<[1], [0], [0], [1], [0, 0, 1, 1], [], []>, transpose_lhs_hint = false} : vector<2048x512xf32>, vector<512x1024xf32>, vector<2048x1024xf32> -> vector<2048x1024xf32>
    %add3A_19 = arith.addf %get3A_12, %dot_general3A_18 : vector<2048x1024xf32>
    %swap3A = arith.constant 0 : index
    %swap3A_20 = arith.constant 0 : index
    %swap3A_21 = vector.load %arg6[%swap3A, %swap3A_20] : memref<2048x1024xf32, #tpu.memory_space<vmem>>, vector<2048x1024xf32>
    tpu.vector_store %arg6[%swap3A, %swap3A_20], %add3A_19 {strides = array<i32>} : memref<2048x1024xf32, #tpu.memory_space<vmem>>, vector<2048x1024xf32>,
    return
  }
  func.func @transform_0(%arg0: i32, %arg1: i32) -> (i32, i32) {
    %c0_i32 = arith.constant 0 : i32
    %c0_i32_0 = arith.constant 0 : i32
    %c0_i32_1 = arith.constant 0 : i32
    return %c0_i32, %c0_i32_0 : i32, i32
  }
  func.func @transform_1(%arg0: i32, %arg1: i32) -> (i32, i32) {
    %c0_i32 = arith.constant 0 : i32
    %c0_i32_0 = arith.constant 0 : i32
    %c0_i32_1 = arith.constant 0 : i32
    return %c0_i32, %c0_i32_0 : i32, i32
  }
  func.func @transform_2(%arg0: i32, %arg1: i32) -> (i32, i32, i32) {
    %c0_i32 = arith.constant 0 : i32
    %c0_i32_0 = arith.constant 0 : i32
    return %arg0, %c0_i32, %arg1 : i32, i32, i32
  }
  func.func @transform_3(%arg0: i32, %arg1: i32) -> (i32, i32, i32) {
    %add3A = arith.constant 1 : i32
    %add3A_0 = arith.addi %arg0, %add3A : i32
    %c0_i32 = arith.constant 0 : i32
    %c0_i32_1 = arith.constant 0 : i32
    return %add3A_0, %arg1, %c0_i32 : i32, i32, i32
  }
  func.func @transform_4(%arg0: i32, %arg1: i32) -> (i32, i32) {
    %c0_i32 = arith.constant 0 : i32
    %c0_i32_0 = arith.constant 0 : i32
    %c0_i32_1 = arith.constant 0 : i32
    return %c0_i32, %c0_i32_0 : i32, i32
  }
}

module attributes {stable_mosaic.version = 14 : i64} {
  func.func @_p1_body(%arg0: i32, %arg1: memref<256x128xf32, #tpu.memory_space<vmem>>, %arg2: memref<1x16x128x1024xf32, #tpu.memory_space<vmem>>, %arg3: memref<256x1024xf32, #tpu.memory_space<vmem>>) attributes {dimension_semantics = [#tpu.dimension_semantics<arbitrary>], iteration_bounds = array<i64: 1>, scalar_prefetch = 0 : i64, scratch_operands = 0 : i64, tpu.core_type = #tpu.core_type<tc>, window_params = [{pipeline_mode = #tpu.pipeline_mode<synchronous>, transform_indices = @transform_0, window_bounds = array<i64: 256, 128>}, {transform_indices = @transform_1, window_bounds = array<i64: 1, 16, 128, 1024>}, {pipeline_mode = #tpu.pipeline_mode<synchronous>, transform_indices = @transform_2, window_bounds = array<i64: 256, 1024>}]} {
    %get3A = arith.constant 0 : index
    %get3A_0 = arith.constant 0 : index
    %get3A_1 = vector.load %arg1[%get3A, %get3A_0] : memref<256x128xf32, #tpu.memory_space<vmem>>, vector<16x128xf32>
    %get3A_2 = arith.constant 0 : index
    %get3A_3 = arith.constant 0 : index
    %get3A_4 = arith.constant 0 : index
    %get3A_5 = arith.constant 0 : index
    %get3A_6 = vector.load %arg2[%get3A_2, %get3A_3, %get3A_4, %get3A_5] : memref<1x16x128x1024xf32, #tpu.memory_space<vmem>>, vector<1x1x128x1024xf32>
    %get3A_7 = vector.shape_cast %get3A_6 : vector<1x1x128x1024xf32> to vector<128x1024xf32>
    %dot_general3A = arith.constant dense<0.000000e+00> : vector<16x1024xf32>
    %dot_general3A_8 = tpu.matmul %get3A_1, %get3A_7, %dot_general3A {dimension_numbers = #tpu.dot_dimension_numbers<[1], [0], [0], [1], [0, 0, 1, 1], [], []>, transpose_lhs_hint = false} : vector<16x128xf32>, vector<128x1024xf32>, vector<16x1024xf32> -> vector<16x1024xf32>
    %swap3A = arith.constant 0 : index
    %swap3A_9 = arith.constant 0 : index
    %swap3A_10 = vector.load %arg3[%swap3A, %swap3A_9] : memref<256x1024xf32, #tpu.memory_space<vmem>>, vector<16x1024xf32>
    tpu.vector_store %arg3[%swap3A, %swap3A_9], %dot_general3A_8 {strides = array<i32>} : memref<256x1024xf32, #tpu.memory_space<vmem>>, vector<16x1024xf32>,
    %get3A_11 = arith.constant 16 : index
    %get3A_12 = arith.constant 0 : index
    %get3A_13 = vector.load %arg1[%get3A_11, %get3A_12] : memref<256x128xf32, #tpu.memory_space<vmem>>, vector<16x128xf32>
    %get3A_14 = arith.constant 0 : index
    %get3A_15 = arith.constant 1 : index
    %get3A_16 = arith.constant 0 : index
    %get3A_17 = arith.constant 0 : index
    %get3A_18 = vector.load %arg2[%get3A_14, %get3A_15, %get3A_16, %get3A_17] : memref<1x16x128x1024xf32, #tpu.memory_space<vmem>>, vector<1x1x128x1024xf32>
    %get3A_19 = vector.shape_cast %get3A_18 : vector<1x1x128x1024xf32> to vector<128x1024xf32>
    %dot_general3A_20 = arith.constant dense<0.000000e+00> : vector<16x1024xf32>
    %dot_general3A_21 = tpu.matmul %get3A_13, %get3A_19, %dot_general3A_20 {dimension_numbers = #tpu.dot_dimension_numbers<[1], [0], [0], [1], [0, 0, 1, 1], [], []>, transpose_lhs_hint = false} : vector<16x128xf32>, vector<128x1024xf32>, vector<16x1024xf32> -> vector<16x1024xf32>
    %swap3A_22 = arith.constant 16 : index
    %swap3A_23 = arith.constant 0 : index
    %swap3A_24 = vector.load %arg3[%swap3A_22, %swap3A_23] : memref<256x1024xf32, #tpu.memory_space<vmem>>, vector<16x1024xf32>
    tpu.vector_store %arg3[%swap3A_22, %swap3A_23], %dot_general3A_21 {strides = array<i32>} : memref<256x1024xf32, #tpu.memory_space<vmem>>, vector<16x1024xf32>,
    %get3A_25 = arith.constant 32 : index
    %get3A_26 = arith.constant 0 : index
    %get3A_27 = vector.load %arg1[%get3A_25, %get3A_26] : memref<256x128xf32, #tpu.memory_space<vmem>>, vector<16x128xf32>
    %get3A_28 = arith.constant 0 : index
    %get3A_29 = arith.constant 2 : index
    %get3A_30 = arith.constant 0 : index
    %get3A_31 = arith.constant 0 : index
    %get3A_32 = vector.load %arg2[%get3A_28, %get3A_29, %get3A_30, %get3A_31] : memref<1x16x128x1024xf32, #tpu.memory_space<vmem>>, vector<1x1x128x1024xf32>
    %get3A_33 = vector.shape_cast %get3A_32 : vector<1x1x128x1024xf32> to vector<128x1024xf32>
    %dot_general3A_34 = arith.constant dense<0.000000e+00> : vector<16x1024xf32>
    %dot_general3A_35 = tpu.matmul %get3A_27, %get3A_33, %dot_general3A_34 {dimension_numbers = #tpu.dot_dimension_numbers<[1], [0], [0], [1], [0, 0, 1, 1], [], []>, transpose_lhs_hint = false} : vector<16x128xf32>, vector<128x1024xf32>, vector<16x1024xf32> -> vector<16x1024xf32>
    %swap3A_36 = arith.constant 32 : index
    %swap3A_37 = arith.constant 0 : index
    %swap3A_38 = vector.load %arg3[%swap3A_36, %swap3A_37] : memref<256x1024xf32, #tpu.memory_space<vmem>>, vector<16x1024xf32>
    tpu.vector_store %arg3[%swap3A_36, %swap3A_37], %dot_general3A_35 {strides = array<i32>} : memref<256x1024xf32, #tpu.memory_space<vmem>>, vector<16x1024xf32>,
    %get3A_39 = arith.constant 48 : index
    %get3A_40 = arith.constant 0 : index
    %get3A_41 = vector.load %arg1[%get3A_39, %get3A_40] : memref<256x128xf32, #tpu.memory_space<vmem>>, vector<16x128xf32>
    %get3A_42 = arith.constant 0 : index
    %get3A_43 = arith.constant 3 : index
    %get3A_44 = arith.constant 0 : index
    %get3A_45 = arith.constant 0 : index
    %get3A_46 = vector.load %arg2[%get3A_42, %get3A_43, %get3A_44, %get3A_45] : memref<1x16x128x1024xf32, #tpu.memory_space<vmem>>, vector<1x1x128x1024xf32>
    %get3A_47 = vector.shape_cast %get3A_46 : vector<1x1x128x1024xf32> to vector<128x1024xf32>
    %dot_general3A_48 = arith.constant dense<0.000000e+00> : vector<16x1024xf32>
    %dot_general3A_49 = tpu.matmul %get3A_41, %get3A_47, %dot_general3A_48 {dimension_numbers = #tpu.dot_dimension_numbers<[1], [0], [0], [1], [0, 0, 1, 1], [], []>, transpose_lhs_hint = false} : vector<16x128xf32>, vector<128x1024xf32>, vector<16x1024xf32> -> vector<16x1024xf32>
    %swap3A_50 = arith.constant 48 : index
    %swap3A_51 = arith.constant 0 : index
    %swap3A_52 = vector.load %arg3[%swap3A_50, %swap3A_51] : memref<256x1024xf32, #tpu.memory_space<vmem>>, vector<16x1024xf32>
    tpu.vector_store %arg3[%swap3A_50, %swap3A_51], %dot_general3A_49 {strides = array<i32>} : memref<256x1024xf32, #tpu.memory_space<vmem>>, vector<16x1024xf32>,
    %get3A_53 = arith.constant 64 : index
    %get3A_54 = arith.constant 0 : index
    %get3A_55 = vector.load %arg1[%get3A_53, %get3A_54] : memref<256x128xf32, #tpu.memory_space<vmem>>, vector<16x128xf32>
    %get3A_56 = arith.constant 0 : index
    %get3A_57 = arith.constant 4 : index
    %get3A_58 = arith.constant 0 : index
    %get3A_59 = arith.constant 0 : index
    %get3A_60 = vector.load %arg2[%get3A_56, %get3A_57, %get3A_58, %get3A_59] : memref<1x16x128x1024xf32, #tpu.memory_space<vmem>>, vector<1x1x128x1024xf32>
    %get3A_61 = vector.shape_cast %get3A_60 : vector<1x1x128x1024xf32> to vector<128x1024xf32>
    %dot_general3A_62 = arith.constant dense<0.000000e+00> : vector<16x1024xf32>
    %dot_general3A_63 = tpu.matmul %get3A_55, %get3A_61, %dot_general3A_62 {dimension_numbers = #tpu.dot_dimension_numbers<[1], [0], [0], [1], [0, 0, 1, 1], [], []>, transpose_lhs_hint = false} : vector<16x128xf32>, vector<128x1024xf32>, vector<16x1024xf32> -> vector<16x1024xf32>
    %swap3A_64 = arith.constant 64 : index
    %swap3A_65 = arith.constant 0 : index
    %swap3A_66 = vector.load %arg3[%swap3A_64, %swap3A_65] : memref<256x1024xf32, #tpu.memory_space<vmem>>, vector<16x1024xf32>
    tpu.vector_store %arg3[%swap3A_64, %swap3A_65], %dot_general3A_63 {strides = array<i32>} : memref<256x1024xf32, #tpu.memory_space<vmem>>, vector<16x1024xf32>,
    %get3A_67 = arith.constant 80 : index
    %get3A_68 = arith.constant 0 : index
    %get3A_69 = vector.load %arg1[%get3A_67, %get3A_68] : memref<256x128xf32, #tpu.memory_space<vmem>>, vector<16x128xf32>
    %get3A_70 = arith.constant 0 : index
    %get3A_71 = arith.constant 5 : index
    %get3A_72 = arith.constant 0 : index
    %get3A_73 = arith.constant 0 : index
    %get3A_74 = vector.load %arg2[%get3A_70, %get3A_71, %get3A_72, %get3A_73] : memref<1x16x128x1024xf32, #tpu.memory_space<vmem>>, vector<1x1x128x1024xf32>
    %get3A_75 = vector.shape_cast %get3A_74 : vector<1x1x128x1024xf32> to vector<128x1024xf32>
    %dot_general3A_76 = arith.constant dense<0.000000e+00> : vector<16x1024xf32>
    %dot_general3A_77 = tpu.matmul %get3A_69, %get3A_75, %dot_general3A_76 {dimension_numbers = #tpu.dot_dimension_numbers<[1], [0], [0], [1], [0, 0, 1, 1], [], []>, transpose_lhs_hint = false} : vector<16x128xf32>, vector<128x1024xf32>, vector<16x1024xf32> -> vector<16x1024xf32>
    %swap3A_78 = arith.constant 80 : index
    %swap3A_79 = arith.constant 0 : index
    %swap3A_80 = vector.load %arg3[%swap3A_78, %swap3A_79] : memref<256x1024xf32, #tpu.memory_space<vmem>>, vector<16x1024xf32>
    tpu.vector_store %arg3[%swap3A_78, %swap3A_79], %dot_general3A_77 {strides = array<i32>} : memref<256x1024xf32, #tpu.memory_space<vmem>>, vector<16x1024xf32>,
    %get3A_81 = arith.constant 96 : index
    %get3A_82 = arith.constant 0 : index
    %get3A_83 = vector.load %arg1[%get3A_81, %get3A_82] : memref<256x128xf32, #tpu.memory_space<vmem>>, vector<16x128xf32>
    %get3A_84 = arith.constant 0 : index
    %get3A_85 = arith.constant 6 : index
    %get3A_86 = arith.constant 0 : index
    %get3A_87 = arith.constant 0 : index
    %get3A_88 = vector.load %arg2[%get3A_84, %get3A_85, %get3A_86, %get3A_87] : memref<1x16x128x1024xf32, #tpu.memory_space<vmem>>, vector<1x1x128x1024xf32>
    %get3A_89 = vector.shape_cast %get3A_88 : vector<1x1x128x1024xf32> to vector<128x1024xf32>
    %dot_general3A_90 = arith.constant dense<0.000000e+00> : vector<16x1024xf32>
    %dot_general3A_91 = tpu.matmul %get3A_83, %get3A_89, %dot_general3A_90 {dimension_numbers = #tpu.dot_dimension_numbers<[1], [0], [0], [1], [0, 0, 1, 1], [], []>, transpose_lhs_hint = false} : vector<16x128xf32>, vector<128x1024xf32>, vector<16x1024xf32> -> vector<16x1024xf32>
    %swap3A_92 = arith.constant 96 : index
    %swap3A_93 = arith.constant 0 : index
    %swap3A_94 = vector.load %arg3[%swap3A_92, %swap3A_93] : memref<256x1024xf32, #tpu.memory_space<vmem>>, vector<16x1024xf32>
    tpu.vector_store %arg3[%swap3A_92, %swap3A_93], %dot_general3A_91 {strides = array<i32>} : memref<256x1024xf32, #tpu.memory_space<vmem>>, vector<16x1024xf32>,
    %get3A_95 = arith.constant 112 : index
    %get3A_96 = arith.constant 0 : index
    %get3A_97 = vector.load %arg1[%get3A_95, %get3A_96] : memref<256x128xf32, #tpu.memory_space<vmem>>, vector<16x128xf32>
    %get3A_98 = arith.constant 0 : index
    %get3A_99 = arith.constant 7 : index
    %get3A_100 = arith.constant 0 : index
    %get3A_101 = arith.constant 0 : index
    %get3A_102 = vector.load %arg2[%get3A_98, %get3A_99, %get3A_100, %get3A_101] : memref<1x16x128x1024xf32, #tpu.memory_space<vmem>>, vector<1x1x128x1024xf32>
    %get3A_103 = vector.shape_cast %get3A_102 : vector<1x1x128x1024xf32> to vector<128x1024xf32>
    %dot_general3A_104 = arith.constant dense<0.000000e+00> : vector<16x1024xf32>
    %dot_general3A_105 = tpu.matmul %get3A_97, %get3A_103, %dot_general3A_104 {dimension_numbers = #tpu.dot_dimension_numbers<[1], [0], [0], [1], [0, 0, 1, 1], [], []>, transpose_lhs_hint = false} : vector<16x128xf32>, vector<128x1024xf32>, vector<16x1024xf32> -> vector<16x1024xf32>
    %swap3A_106 = arith.constant 112 : index
    %swap3A_107 = arith.constant 0 : index
    %swap3A_108 = vector.load %arg3[%swap3A_106, %swap3A_107] : memref<256x1024xf32, #tpu.memory_space<vmem>>, vector<16x1024xf32>
    tpu.vector_store %arg3[%swap3A_106, %swap3A_107], %dot_general3A_105 {strides = array<i32>} : memref<256x1024xf32, #tpu.memory_space<vmem>>, vector<16x1024xf32>,
    %get3A_109 = arith.constant 128 : index
    %get3A_110 = arith.constant 0 : index
    %get3A_111 = vector.load %arg1[%get3A_109, %get3A_110] : memref<256x128xf32, #tpu.memory_space<vmem>>, vector<16x128xf32>
    %get3A_112 = arith.constant 0 : index
    %get3A_113 = arith.constant 8 : index
    %get3A_114 = arith.constant 0 : index
    %get3A_115 = arith.constant 0 : index
    %get3A_116 = vector.load %arg2[%get3A_112, %get3A_113, %get3A_114, %get3A_115] : memref<1x16x128x1024xf32, #tpu.memory_space<vmem>>, vector<1x1x128x1024xf32>
    %get3A_117 = vector.shape_cast %get3A_116 : vector<1x1x128x1024xf32> to vector<128x1024xf32>
    %dot_general3A_118 = arith.constant dense<0.000000e+00> : vector<16x1024xf32>
    %dot_general3A_119 = tpu.matmul %get3A_111, %get3A_117, %dot_general3A_118 {dimension_numbers = #tpu.dot_dimension_numbers<[1], [0], [0], [1], [0, 0, 1, 1], [], []>, transpose_lhs_hint = false} : vector<16x128xf32>, vector<128x1024xf32>, vector<16x1024xf32> -> vector<16x1024xf32>
    %swap3A_120 = arith.constant 128 : index
    %swap3A_121 = arith.constant 0 : index
    %swap3A_122 = vector.load %arg3[%swap3A_120, %swap3A_121] : memref<256x1024xf32, #tpu.memory_space<vmem>>, vector<16x1024xf32>
    tpu.vector_store %arg3[%swap3A_120, %swap3A_121], %dot_general3A_119 {strides = array<i32>} : memref<256x1024xf32, #tpu.memory_space<vmem>>, vector<16x1024xf32>,
    %get3A_123 = arith.constant 144 : index
    %get3A_124 = arith.constant 0 : index
    %get3A_125 = vector.load %arg1[%get3A_123, %get3A_124] : memref<256x128xf32, #tpu.memory_space<vmem>>, vector<16x128xf32>
    %get3A_126 = arith.constant 0 : index
    %get3A_127 = arith.constant 9 : index
    %get3A_128 = arith.constant 0 : index
    %get3A_129 = arith.constant 0 : index
    %get3A_130 = vector.load %arg2[%get3A_126, %get3A_127, %get3A_128, %get3A_129] : memref<1x16x128x1024xf32, #tpu.memory_space<vmem>>, vector<1x1x128x1024xf32>
    %get3A_131 = vector.shape_cast %get3A_130 : vector<1x1x128x1024xf32> to vector<128x1024xf32>
    %dot_general3A_132 = arith.constant dense<0.000000e+00> : vector<16x1024xf32>
    %dot_general3A_133 = tpu.matmul %get3A_125, %get3A_131, %dot_general3A_132 {dimension_numbers = #tpu.dot_dimension_numbers<[1], [0], [0], [1], [0, 0, 1, 1], [], []>, transpose_lhs_hint = false} : vector<16x128xf32>, vector<128x1024xf32>, vector<16x1024xf32> -> vector<16x1024xf32>
    %swap3A_134 = arith.constant 144 : index
    %swap3A_135 = arith.constant 0 : index
    %swap3A_136 = vector.load %arg3[%swap3A_134, %swap3A_135] : memref<256x1024xf32, #tpu.memory_space<vmem>>, vector<16x1024xf32>
    tpu.vector_store %arg3[%swap3A_134, %swap3A_135], %dot_general3A_133 {strides = array<i32>} : memref<256x1024xf32, #tpu.memory_space<vmem>>, vector<16x1024xf32>,
    %get3A_137 = arith.constant 160 : index
    %get3A_138 = arith.constant 0 : index
    %get3A_139 = vector.load %arg1[%get3A_137, %get3A_138] : memref<256x128xf32, #tpu.memory_space<vmem>>, vector<16x128xf32>
    %get3A_140 = arith.constant 0 : index
    %get3A_141 = arith.constant 10 : index
    %get3A_142 = arith.constant 0 : index
    %get3A_143 = arith.constant 0 : index
    %get3A_144 = vector.load %arg2[%get3A_140, %get3A_141, %get3A_142, %get3A_143] : memref<1x16x128x1024xf32, #tpu.memory_space<vmem>>, vector<1x1x128x1024xf32>
    %get3A_145 = vector.shape_cast %get3A_144 : vector<1x1x128x1024xf32> to vector<128x1024xf32>
    %dot_general3A_146 = arith.constant dense<0.000000e+00> : vector<16x1024xf32>
    %dot_general3A_147 = tpu.matmul %get3A_139, %get3A_145, %dot_general3A_146 {dimension_numbers = #tpu.dot_dimension_numbers<[1], [0], [0], [1], [0, 0, 1, 1], [], []>, transpose_lhs_hint = false} : vector<16x128xf32>, vector<128x1024xf32>, vector<16x1024xf32> -> vector<16x1024xf32>
    %swap3A_148 = arith.constant 160 : index
    %swap3A_149 = arith.constant 0 : index
    %swap3A_150 = vector.load %arg3[%swap3A_148, %swap3A_149] : memref<256x1024xf32, #tpu.memory_space<vmem>>, vector<16x1024xf32>
    tpu.vector_store %arg3[%swap3A_148, %swap3A_149], %dot_general3A_147 {strides = array<i32>} : memref<256x1024xf32, #tpu.memory_space<vmem>>, vector<16x1024xf32>,
    %get3A_151 = arith.constant 176 : index
    %get3A_152 = arith.constant 0 : index
    %get3A_153 = vector.load %arg1[%get3A_151, %get3A_152] : memref<256x128xf32, #tpu.memory_space<vmem>>, vector<16x128xf32>
    %get3A_154 = arith.constant 0 : index
    %get3A_155 = arith.constant 11 : index
    %get3A_156 = arith.constant 0 : index
    %get3A_157 = arith.constant 0 : index
    %get3A_158 = vector.load %arg2[%get3A_154, %get3A_155, %get3A_156, %get3A_157] : memref<1x16x128x1024xf32, #tpu.memory_space<vmem>>, vector<1x1x128x1024xf32>
    %get3A_159 = vector.shape_cast %get3A_158 : vector<1x1x128x1024xf32> to vector<128x1024xf32>
    %dot_general3A_160 = arith.constant dense<0.000000e+00> : vector<16x1024xf32>
    %dot_general3A_161 = tpu.matmul %get3A_153, %get3A_159, %dot_general3A_160 {dimension_numbers = #tpu.dot_dimension_numbers<[1], [0], [0], [1], [0, 0, 1, 1], [], []>, transpose_lhs_hint = false} : vector<16x128xf32>, vector<128x1024xf32>, vector<16x1024xf32> -> vector<16x1024xf32>
    %swap3A_162 = arith.constant 176 : index
    %swap3A_163 = arith.constant 0 : index
    %swap3A_164 = vector.load %arg3[%swap3A_162, %swap3A_163] : memref<256x1024xf32, #tpu.memory_space<vmem>>, vector<16x1024xf32>
    tpu.vector_store %arg3[%swap3A_162, %swap3A_163], %dot_general3A_161 {strides = array<i32>} : memref<256x1024xf32, #tpu.memory_space<vmem>>, vector<16x1024xf32>,
    %get3A_165 = arith.constant 192 : index
    %get3A_166 = arith.constant 0 : index
    %get3A_167 = vector.load %arg1[%get3A_165, %get3A_166] : memref<256x128xf32, #tpu.memory_space<vmem>>, vector<16x128xf32>
    %get3A_168 = arith.constant 0 : index
    %get3A_169 = arith.constant 12 : index
    %get3A_170 = arith.constant 0 : index
    %get3A_171 = arith.constant 0 : index
    %get3A_172 = vector.load %arg2[%get3A_168, %get3A_169, %get3A_170, %get3A_171] : memref<1x16x128x1024xf32, #tpu.memory_space<vmem>>, vector<1x1x128x1024xf32>
    %get3A_173 = vector.shape_cast %get3A_172 : vector<1x1x128x1024xf32> to vector<128x1024xf32>
    %dot_general3A_174 = arith.constant dense<0.000000e+00> : vector<16x1024xf32>
    %dot_general3A_175 = tpu.matmul %get3A_167, %get3A_173, %dot_general3A_174 {dimension_numbers = #tpu.dot_dimension_numbers<[1], [0], [0], [1], [0, 0, 1, 1], [], []>, transpose_lhs_hint = false} : vector<16x128xf32>, vector<128x1024xf32>, vector<16x1024xf32> -> vector<16x1024xf32>
    %swap3A_176 = arith.constant 192 : index
    %swap3A_177 = arith.constant 0 : index
    %swap3A_178 = vector.load %arg3[%swap3A_176, %swap3A_177] : memref<256x1024xf32, #tpu.memory_space<vmem>>, vector<16x1024xf32>
    tpu.vector_store %arg3[%swap3A_176, %swap3A_177], %dot_general3A_175 {strides = array<i32>} : memref<256x1024xf32, #tpu.memory_space<vmem>>, vector<16x1024xf32>,
    %get3A_179 = arith.constant 208 : index
    %get3A_180 = arith.constant 0 : index
    %get3A_181 = vector.load %arg1[%get3A_179, %get3A_180] : memref<256x128xf32, #tpu.memory_space<vmem>>, vector<16x128xf32>
    %get3A_182 = arith.constant 0 : index
    %get3A_183 = arith.constant 13 : index
    %get3A_184 = arith.constant 0 : index
    %get3A_185 = arith.constant 0 : index
    %get3A_186 = vector.load %arg2[%get3A_182, %get3A_183, %get3A_184, %get3A_185] : memref<1x16x128x1024xf32, #tpu.memory_space<vmem>>, vector<1x1x128x1024xf32>
    %get3A_187 = vector.shape_cast %get3A_186 : vector<1x1x128x1024xf32> to vector<128x1024xf32>
    %dot_general3A_188 = arith.constant dense<0.000000e+00> : vector<16x1024xf32>
    %dot_general3A_189 = tpu.matmul %get3A_181, %get3A_187, %dot_general3A_188 {dimension_numbers = #tpu.dot_dimension_numbers<[1], [0], [0], [1], [0, 0, 1, 1], [], []>, transpose_lhs_hint = false} : vector<16x128xf32>, vector<128x1024xf32>, vector<16x1024xf32> -> vector<16x1024xf32>
    %swap3A_190 = arith.constant 208 : index
    %swap3A_191 = arith.constant 0 : index
    %swap3A_192 = vector.load %arg3[%swap3A_190, %swap3A_191] : memref<256x1024xf32, #tpu.memory_space<vmem>>, vector<16x1024xf32>
    tpu.vector_store %arg3[%swap3A_190, %swap3A_191], %dot_general3A_189 {strides = array<i32>} : memref<256x1024xf32, #tpu.memory_space<vmem>>, vector<16x1024xf32>,
    %get3A_193 = arith.constant 224 : index
    %get3A_194 = arith.constant 0 : index
    %get3A_195 = vector.load %arg1[%get3A_193, %get3A_194] : memref<256x128xf32, #tpu.memory_space<vmem>>, vector<16x128xf32>
    %get3A_196 = arith.constant 0 : index
    %get3A_197 = arith.constant 14 : index
    %get3A_198 = arith.constant 0 : index
    %get3A_199 = arith.constant 0 : index
    %get3A_200 = vector.load %arg2[%get3A_196, %get3A_197, %get3A_198, %get3A_199] : memref<1x16x128x1024xf32, #tpu.memory_space<vmem>>, vector<1x1x128x1024xf32>
    %get3A_201 = vector.shape_cast %get3A_200 : vector<1x1x128x1024xf32> to vector<128x1024xf32>
    %dot_general3A_202 = arith.constant dense<0.000000e+00> : vector<16x1024xf32>
    %dot_general3A_203 = tpu.matmul %get3A_195, %get3A_201, %dot_general3A_202 {dimension_numbers = #tpu.dot_dimension_numbers<[1], [0], [0], [1], [0, 0, 1, 1], [], []>, transpose_lhs_hint = false} : vector<16x128xf32>, vector<128x1024xf32>, vector<16x1024xf32> -> vector<16x1024xf32>
    %swap3A_204 = arith.constant 224 : index
    %swap3A_205 = arith.constant 0 : index
    %swap3A_206 = vector.load %arg3[%swap3A_204, %swap3A_205] : memref<256x1024xf32, #tpu.memory_space<vmem>>, vector<16x1024xf32>
    tpu.vector_store %arg3[%swap3A_204, %swap3A_205], %dot_general3A_203 {strides = array<i32>} : memref<256x1024xf32, #tpu.memory_space<vmem>>, vector<16x1024xf32>,
    %get3A_207 = arith.constant 240 : index
    %get3A_208 = arith.constant 0 : index
    %get3A_209 = vector.load %arg1[%get3A_207, %get3A_208] : memref<256x128xf32, #tpu.memory_space<vmem>>, vector<16x128xf32>
    %get3A_210 = arith.constant 0 : index
    %get3A_211 = arith.constant 15 : index
    %get3A_212 = arith.constant 0 : index
    %get3A_213 = arith.constant 0 : index
    %get3A_214 = vector.load %arg2[%get3A_210, %get3A_211, %get3A_212, %get3A_213] : memref<1x16x128x1024xf32, #tpu.memory_space<vmem>>, vector<1x1x128x1024xf32>
    %get3A_215 = vector.shape_cast %get3A_214 : vector<1x1x128x1024xf32> to vector<128x1024xf32>
    %dot_general3A_216 = arith.constant dense<0.000000e+00> : vector<16x1024xf32>
    %dot_general3A_217 = tpu.matmul %get3A_209, %get3A_215, %dot_general3A_216 {dimension_numbers = #tpu.dot_dimension_numbers<[1], [0], [0], [1], [0, 0, 1, 1], [], []>, transpose_lhs_hint = false} : vector<16x128xf32>, vector<128x1024xf32>, vector<16x1024xf32> -> vector<16x1024xf32>
    %swap3A_218 = arith.constant 240 : index
    %swap3A_219 = arith.constant 0 : index
    %swap3A_220 = vector.load %arg3[%swap3A_218, %swap3A_219] : memref<256x1024xf32, #tpu.memory_space<vmem>>, vector<16x1024xf32>
    tpu.vector_store %arg3[%swap3A_218, %swap3A_219], %dot_general3A_217 {strides = array<i32>} : memref<256x1024xf32, #tpu.memory_space<vmem>>, vector<16x1024xf32>,
    return
  }
  func.func @transform_0(%arg0: i32) -> (i32, i32) {
    %c0_i32 = arith.constant 0 : i32
    %c0_i32_0 = arith.constant 0 : i32
    %c0_i32_1 = arith.constant 0 : i32
    return %c0_i32, %c0_i32_0 : i32, i32
  }
  func.func @transform_1(%arg0: i32) -> (i32, i32, i32, i32) {
    %c0_i32 = arith.constant 0 : i32
    %c0_i32_0 = arith.constant 0 : i32
    %c0_i32_1 = arith.constant 0 : i32
    %c0_i32_2 = arith.constant 0 : i32
    %c0_i32_3 = arith.constant 0 : i32
    return %c0_i32, %c0_i32_0, %c0_i32_1, %c0_i32_2 : i32, i32, i32, i32
  }
  func.func @transform_2(%arg0: i32) -> (i32, i32) {
    %c0_i32 = arith.constant 0 : i32
    %c0_i32_0 = arith.constant 0 : i32
    %c0_i32_1 = arith.constant 0 : i32
    return %c0_i32, %c0_i32_0 : i32, i32
  }
}

</mosaic_0001>

<sc_bundles>
// kernel: kernel.6.cloned.1.call-start
scs
__scs_entry_jumppad:
0x0: {  	(pc) =	sbr.rel $0x88, $3  }
0x1: {  	(tag) =	ssettag $0x0;
	lr =	simm.s32 $0x1  }
0x2: {  	[smem:$0x3F9B] =	sst lr;
	_ =	strace $0xD0000000  }
0x3: {  	_ = 	snop  }
0x4: {  	_ = 	snop  }
0x5: {  	_ = 	snop  }
0x6: {  	_ = 	snop  }
0x7: {  	_ = 	snop  }
__scs_overlays_trampoline_lowered:
0x8: {  	[smem:$0x3FAA] =	sst s0  }
0x9: {  	[smem:$0x3FAB] =	sst s1  }
0xa: {  	[smem:$0x3FAC] =	sst s2  }
0xb: {  	[smem:$0x3FAD] =	sst s3  }
0xc: {  	[smem:$0x3FAE] =	sst s4  }
0xd: {  	[smem:$0x3FAF] =	sst s5  }
0xe: {  	[smem:$0x3FB0] =	sst s6  }
0xf: {  	[smem:$0x3FB1] =	sst s7  }
0x10: {  	[smem:$0x3FB2] =	sst s8  }
0x11: {  	[smem:$0x3FB3] =	sst s9;
	s0 =	simm.s32 @!p0 $0x0  }
0x12: {  	s1 =	sld [smem:$0x3F99];
	s0 =	simm.s32 @p0 $0x1  }
0x13: {  	[smem:$0x3FB4] =	sst s0;
	s0 =	simm.s32 @!p1 $0x0  }
0x14: {  	s2 =	sld [smem:$0x3F98];
	s0 =	simm.s32 @p1 $0x1  }
0x15: {  	[smem:$0x3FB5] =	sst s0;
	s0 =	simm.s32 @!p2 $0x0  }
0x16: {  	s3 =	sld [smem:$0x3FDB];
	s0 =	simm.s32 @p2 $0x1  }
0x17: {  	s4 =	simm.s32 $0x1BF5;
	[smem:$0x3FB7] =	sst s0  }
0x18: {  	s0 =	sld [smem:$0x3F9A];
	_ =	swait.ge [sflag:s4], $0x0  }
0x19: {  	s7 =	sld [smem:$0x3F9B]  }
0x1a: {  	s8 =	sadd.s32 $0xFFFFE003, lr  }
0x1b: {  	s9 =	sadd.s32 $0xFFFFFEF7, lr;
	s5 =	simm.s32 $0xFFFFFFFF;
	p2 =	slt.u32 s8, $0xFFFFF086  }
0x1c: {  	p1 =	slt.u32 s9, $0xF7A;
	s5 =	simm.s32 @!p2 $0x0  }
0x1d: {  	s5 =	simm.s32 @p1 $0x1;
	p0 =	seq.s32 s7, s2  }
0x1e: {  	s7 =	smul.u32 @!p0 $0xF7A, s2;
	p2 =	seq.s32 @!p0 s5, $0x0  }
0x1f: {  	s9 =	smul.u32 $0xF7A, s1;
	s8 =	simm.s32 @!p0 $0x1BF5;
	p2 =	por !p2, p0  }
0x20: {  	[sflag:s8] =	ssyncset.s32 @!p0 $0xFFFFF086;
	s6 =	sadd.s32 @!p0 s3, s7;
	s7 =	simm.s32 @!p0 $0x108  }
0x21: {  	s3 =	sadd.s32 s3, s9;
	s6 =	sadd.s32 @!p0 $0x88, s6;
	s7 =	simm.s32 @p2 $0x1082  }
0x22: {  	[simem:s7], [sflag:s8] =	dma.local @!p0 [hbm:s6], $0xF7A  }
0x23: {  	s9 =	sor.u32 $0xD0000000, s2;
	s6 =	simm.s32 $0x108;
	_ =	swait.ge @!p0 [sflag:s8], $0x0  }
0x24: {  	s3 =	sadd.s32 $0x88, s3;
	s6 =	simm.s32 @!p1 $0x1082;
	[sflag:s4] =	ssyncset.s32 $0xFFFFF086  }
0x25: {  	[simem:s6], [sflag:s4] =	dma.local [hbm:s3], $0xF7A  }
0x26: {  	[smem:$0x3F9B] =	sst s1;
	(tag) =	ssettag s2;
	_ =	strace s9  }
0x27: {  	s1 =	sld [smem:$0x3FAB]  }
0x28: {  	s2 =	sld [smem:$0x3FAC]  }
0x29: {  	s4 =	sld [smem:$0x3FAE]  }
0x2a: {  	p0 =	seq.s32 s5, $0x0;
	s5 =	sld [smem:$0x3FAF]  }
0x2b: {  	s6 =	sld [smem:$0x3FB0]  }
0x2c: {  	s7 =	sld [smem:$0x3FB1]  }
0x2d: {  	s3 =	simm.s32 $0x108;
	s8 =	sld [smem:$0x3FB2]  }
0x2e: {  	s3 =	simm.s32 @!p0 $0x1082;
	s9 =	sld [smem:$0x3FB3]  }
0x2f: {  	lr =	sadd.s32 s0, s3;
	s0 =	sld [smem:$0x3FAA]  }
0x30: {  	s3 =	sld [smem:$0x3FAD]  }
0x31: {  	[smem:$0x3FB6] =	sst s10  }
0x32: {  	s10 =	sld [smem:$0x3FB4];
	_ =	sdelay $0x3  }
0x33: {  	p0 =	seq.s32 s10, $0x1;
	s10 =	sld [smem:$0x3FB6];
	_ =	sdelay $0x3  }
0x34: {  	[smem:$0x3FB6] =	sst s10  }
0x35: {  	s10 =	sld [smem:$0x3FB5];
	_ =	sdelay $0x3  }
0x36: {  	p1 =	seq.s32 s10, $0x1;
	s10 =	sld [smem:$0x3FB6];
	_ =	sdelay $0x3  }
0x37: {  	[smem:$0x3FB6] =	sst s10  }
0x38: {  	s10 =	sld [smem:$0x3FB7]  }
0x39: {  	_ = 	snop;
	(pc) =	sbr.ind lr, $3  }
0x3a: {  	_ = 	snop  }
0x3b: {  	_ = 	snop  }
0x3c: {  	p2 =	seq.s32 s10, $0x1;
	s10 =	sld [smem:$0x3FB6]  }
0x3d: {  	_ =	shalt  }
0x3e: {  	_ =	shalt  }
0x3f: {  	_ =	shalt  }
0x40: {  	_ =	shalt  }
0x41: {  	_ =	shalt  }
0x42: {  	_ =	shalt  }
0x43: {  	_ =	shalt  }
0x44: {  	_ =	shalt  }
0x45: {  	_ =	shalt  }
0x46: {  	_ =	shalt  }
0x47: {  	_ =	shalt  }
0x48: {  	_ =	shalt  }
0x49: {  	_ =	shalt  }
0x4a: {  	_ =	shalt  }
0x4b: {  	_ =	shalt  }
0x4c: {  	_ =	shalt  }
0x4d: {  	_ =	shalt  }
0x4e: {  	_ =	shalt  }
0x4f: {  	_ =	shalt  }
0x50: {  	_ =	shalt  }
0x51: {  	_ =	shalt  }
0x52: {  	_ =	shalt  }
0x53: {  	_ =	shalt  }
0x54: {  	_ =	shalt  }
0x55: {  	_ =	shalt  }
0x56: {  	_ =	shalt  }
0x57: {  	_ =	shalt  }
0x58: {  	_ =	shalt  }
0x59: {  	_ =	shalt  }
0x5a: {  	_ =	shalt  }
0x5b: {  	_ =	shalt  }
0x5c: {  	_ =	shalt  }
0x5d: {  	_ =	shalt  }
0x5e: {  	_ =	shalt  }
0x5f: {  	_ =	shalt  }
0x60: {  	_ =	shalt  }
0x61: {  	_ =	shalt  }
0x62: {  	_ =	shalt  }
0x63: {  	_ =	shalt  }
0x64: {  	_ =	shalt  }
0x65: {  	_ =	shalt  }
0x66: {  	_ =	shalt  }
0x67: {  	_ =	shalt  }
0x68: {  	_ =	shalt  }
0x69: {  	_ =	shalt  }
0x6a: {  	_ =	shalt  }
0x6b: {  	_ =	shalt  }
0x6c: {  	_ =	shalt  }
0x6d: {  	_ =	shalt  }
0x6e: {  	_ =	shalt  }
0x6f: {  	_ =	shalt  }
0x70: {  	_ =	shalt  }
0x71: {  	_ =	shalt  }
0x72: {  	_ =	shalt  }
0x73: {  	_ =	shalt  }
0x74: {  	_ =	shalt  }
0x75: {  	_ =	shalt  }
0x76: {  	_ =	shalt  }
0x77: {  	_ =	shalt  }
0x78: {  	_ =	shalt  }
0x79: {  	_ =	shalt  }
0x7a: {  	_ =	shalt  }
0x7b: {  	_ =	shalt  }
0x7c: {  	_ =	shalt  }
0x7d: {  	_ =	shalt  }
0x7e: {  	_ =	shalt  }
0x7f: {  	_ =	shalt  }
0x80: {  	_ =	shalt  }
0x81: {  	_ =	shalt  }
0x82: {  	_ =	shalt  }
0x83: {  	_ =	shalt  }
0x84: {  	_ =	shalt  }
0x85: {  	_ =	shalt  }
0x86: {  	_ =	shalt  }
0x87: {  	_ =	shalt  }
.Lfunc_end0:
.L_simem_size_0:
called_computation_lowered:
.L_overlay_start_0:
0x88: {  	s2 =	sld [smem:$0x3FD9]  }
0x89: {  	s3 =	sld [smem:$0x3FFE];
	_ =	sdelay $0x1  }
0x8a: {  	s1 =	srdreg.scid  }
0x8b: {  	s0 =	sand.u32 $0x1, s1  }
0x8c: {  	s17 =	sshll.u32 s0, $0xA;
	s2 =	sadd.s32 s3, s2  }
0x8d: {  	s2 =	sadd.s32 s2, s17  }
0x8e: {  	[smem:$0x3FC2] =	sst s2  }
0x8f: {  	_ = 	snop  }
0x90: {  	s2 =	sld [smem:$0x3FC6]  }
0x91: {  	s18 =	sld [smem:$0x3FC5]  }
0x92: {  	s4 =	sld [smem:$0x3FD0];
	(tm) =	ssettm $0x1  }
0x93: {  	s5 =	sld [smem:$0x3FFB];
	_ =	sdelay $0x3  }
0x94: {  	_ =	strace s5  }
0x95: {  	s5 =	sld [smem:$0x3FFC];
	_ =	sdelay $0x3  }
0x96: {  	_ =	strace s5  }
0x97: {  	s5 =	sld [smem:$0x3FFD];
	_ =	sdelay $0x3  }
0x98: {  	_ =	strace s5  }
0x99: {  	_ =	strace $0x8FFFFFFF  }
0x9a: {  	s19 =	sld [smem:$0x3FDB];
	_ =	sdelay $0x1  }
0x9b: {  	s6 =	simm.s32 $_scs_section_size  }
0x9c: {  	s7 =	simm.s32 $_size__tile_overlayer_lowered;
	s8 =	simm.s32 $_tile_overlayer_lowered  }
0x9d: {  	s22 =	simm.s32 $0x1BFF;
	s21 =	sshll.u32 s8, $0x1;
	s5 =	sadd.s32 s6, s19  }
0x9e: {  	s9 =	simm.s32 $0x0;
	s20 =	sshll.u32 s7, $0x1;
	s7 =	sadd.s32 s21, s5  }
0x9f: {  	[timem:s9], [sflag:s22] =	dma.local [hbm:s7], s20  }
0xa0: {  	_ =	swait.ge [sflag:s22], s20  }
0xa1: {  	s6 =	ssub.s32 $0x0, s20;
	[sflag:s22] =	ssyncset.done $0x0  }
0xa2: {  	[sflag:s22] =	ssyncadd.s32 s6;
	_ =	sdelay $0x1  }
0xa3: {  	s23 =	simm.s32 $0x1B8B  }
0xa4: {  	_ =	swait.ge [sflag:s23], $0x1  }
0xa5: {  	[sflag:s23] =	ssyncset.done $0x0  }
0xa6: {  	s25 =	simm.s32 $0x1B8E;
	s24 =	sld [smem:$0x3FFE];
	[sflag:s23] =	ssyncadd.s32 $0xFFFFFFFF  }
0xa7: {  	s26 =	simm.s32 $execute0_lowered;
	[smem:$0x3FD2] =	sst s25  }
0xa8: {  	s7 =	sshll.u32 s26, $0x1;
	_ =	strace $0x80000046;
	[dreg:$0x1] =	wrdreg $0xFFFFFFFF  }
0xa9: {  	s28 =	simm.s32 $_size_execute0_lowered;
	s5 =	sadd.s32 s5, s7;
	[dreg:$0x0] =	wrdreg $0x0  }
0xaa: {  	s7 =	sshll.u32 s28, $0x1;
	[dreg:$0x2] =	wrdreg s5  }
0xab: {  	[dreg:$0x3] =	wrdreg s7  }
0xac: {  	[dreg:$0x4] =	wrdreg $0xC0  }
0xad: {  	_ =	task [dreg:s9], $0x5FFFF  }
0xae: {  	[dreg:$0x1] =	wrdreg $0xFFFFFFFF  }
0xaf: {  	[dreg:$0x0] =	wrdreg $0x60  }
0xb0: {  	[dreg:$0x2] =	wrdreg s2  }
0xb1: {  	[dreg:$0x3] =	wrdreg s18  }
0xb2: {  	[dreg:$0x4] =	wrdreg s4  }
0xb3: {  	[dreg:$0x5] =	wrdreg s24  }
0xb4: {  	[dreg:$0x6] =	wrdreg $0x9  }
0xb5: {  	_ =	task.clear_ibuf [dreg:s9], $0x7FFFF;
	_ =	strace $0x90000046  }
0xb6: {  	s29 =	simm.s32 $0x9;
	_ =	strace $0x80000048  }
0xb7: {  	_ =	swait.ge [sflag:s29], $0x1  }
0xb8: {  	[sflag:s29] =	ssyncadd.s32 $0xFFFFFFFF  }
0xb9: {  	_ =	strace $0x90000048  }
0xba: {  	_ =	sfence  }
0xbb: {  	s30 =	sld [smem:$0x0];
	_ =	sdelay $0x2  }
0xbc: {  	s31 =	sshll.u32 s1, $0xD;
	s1 =	sshrl.u32 s1, $0x2  }
0xbd: {  	s3 =	sand.u32 $0x4000, s31;
	s1 =	sadd.s32 s1, s30  }
0xbe: {  	s0 =	sor.u32 s3, s0;
	s1 =	sshll.u32 s1, $0x11  }
0xbf: {  	s0 =	sor.u32 s1, s0  }
0xc0: {  	s0 =	sadd.s32 $0x8F2B, s0  }
0xc1: {  	[sflag:s0] =	ssyncadd.remote.s32 $0x1  }
0xc2: {  	_ =	sfence.sel $0xFFFF  }
0xc3: {  	[dreg:$0x0] =	wrdreg $0xFFFFFFFF;
	(pc) =	sbr.abs _section_cstart, $3  }
0xc4: {  	[dreg:$0x1] =	wrdreg $0xFFFFFFFF  }
0xc5: {  	_ =	task.clear_ibuf [dreg:s9], $0x2FFFF;
	_ =	strace $0x9FFFFFFF  }
0xc6: {  	(tm) =	ssettm $0x7FFFFFFF  }
0xc7: {  	_ =	shalt  }
tec
execute0_lowered:
.L_overlay_start_1:
0x0: {  	(tag) =	ssettag $0x1  }
0x1: {  	s11 =	rddreg [dreg:$0x1]  }
0x2: {  	s0 =	rddreg [dreg:$0x2]  }
0x3: {  	s1 =	rddreg [dreg:$0x3];
	s7 =	simm.s32 $0x0;
	s2 =	srdreg.scid  }
0x4: {  	s3 =	stileid.u32;
	p0 =	por $0x0, $0x0;
	s31 =	simm.s32 $0x8A00  }
0x5: {  	s30 =	simm.s32 $0x9A00;
	s29 =	simm.s32 $0xA200;
	s28 =	simm.s32 $0xAA00  }
0x6: {  	[smem:$0x7FF] =	sst s7;
	s2 =	sand.u32 $0x1, s2;
	s3 =	sshll.u32 s3, $0x1  }
0x7: {  	s1 =	sadd.s32 $0xC00, s1;
	s9 =	sadd.s32 $0x1000, s0;
	s4 =	ssub.s32 $0x2, s2  }
0x8: {  	_ =	strace $0x80000047;
	s2 =	sor.u32 s2, s3;
	s25 =	sshrl.u32 s4, $0x1  }
0x9: {  	s5 =	sshll.u32 s2, $0x7;
	s6 =	sshll.u32 s2, $0x6;
	s2 =	sshll.u32 s2, $0xE  }
0xa: {  	s8 =	sadd.s32 s0, s5;
	s10 =	sor.u32 $0x10, s6;
	s5 =	sadd.s32 s5, s9  }
0xb: {  	s3 =	ssub.s32 s4, s25;
	s12 =	sadd.s32 s1, s2;
	s15 =	sor.u32 $0x20, s6  }
0xc: {  	s6 =	sor.u32 $0x30, s6;
	s4 =	simm.s32 $0x80;
	[dreg:$0x5] =	wrdreg s8  }
0xd: {  	s26 =	sshll.u32 s10, $0x1;
	[dreg:$0x6] =	wrdreg s5;
	s2 =	sadd.s32 $0x80000, s12  }
0xe: {  	s16 =	sshll.u32 s10, $0x8;
	s17 =	sshll.u32 s15, $0x1;
	s20 =	sshll.u32 s6, $0x1  }
0xf: {  	s21 =	sshll.u32 s15, $0x8;
	s22 =	sadd.s32 $0x81000, s12;
	s23 =	sadd.s32 $0x82000, s12  }
0x10: {  	s25 =	sshll.u32 s6, $0x8;
	[dreg:$0x12] =	wrdreg s12;
	s15 =	simm.s32 $0x200  }
0x11: {  	s8 =	simm.s32 $0x8200;
	s5 =	simm.s32 $0x400;
	s10 =	simm.s32 $0x5200  }
0x12: {  	s13 =	sadd.s32 s0, s26;
	[dreg:$0x11] =	wrdreg s2;
	s14 =	sadd.s32 s26, s9  }
0x13: {  	s2 =	sadd.s32 s1, s16;
	s18 =	sadd.s32 s0, s17;
	[dreg:$0xf] =	wrdreg s22  }
0x14: {  	s19 =	sadd.s32 s17, s9;
	s0 =	sadd.s32 s0, s20;
	[dreg:$0xd] =	wrdreg s23  }
0x15: {  	s24 =	sadd.s32 s20, s9;
	s20 =	sadd.s32 s1, s25;
	[dreg:$0x7] =	wrdreg s13  }
0x16: {  	s9 =	sadd.s32 $0x83000, s12;
	s26 =	smax.u32 s3, $0x1;
	[dreg:$0x8] =	wrdreg s14  }
0x17: {  	s16 =	simm.s32 $0x100;
	s17 =	simm.s32 $0x1;
	[dreg:$0x10] =	wrdreg s2  }
0x18: {  	s3 =	simm.s32 $0x4200;
	s25 =	simm.s32 $0x2;
	[dreg:$0x9] =	wrdreg s18  }
0x19: {  	s12 =	simm.s32 $0x9200;
	[dreg:$0xa] =	wrdreg s19;
	p1 =	sne.s32 s26, $0x1  }
.Ltmp0:
0x1a: {  	s23 =	simm.s32 $0xC200;
	[dreg:$0xb] =	wrdreg s0;
	(pc) =	sbr.rel @!p1 .LBB2_5-.Ltmp0, $4  }
0x1b: {  	s2 =	sadd.s32 s1, s21;
	[dreg:$0xc] =	wrdreg s24;
	s18 =	simm.s32 $0x2200  }
0x1c: {  	s14 =	simm.s32 $0x2A00;
	s0 =	sadd.s32 $0xFFFFFFFF, s26;
	s13 =	simm.s32 $0x4A00  }
0x1d: {  	s19 =	simm.s32 $0x6A00;
	s1 =	simm.s32 $0x7200;
	s26 =	simm.s32 $0xB200  }
0x1e: {  	s24 =	simm.s32 $0xBA00;
	[dreg:$0xe] =	wrdreg s2;
	s2 =	simm.s32 $0x3  }
0x1f: {  	[smem:$0x7FC] =	sst s0  }
0x20: {  	s6 =	rddreg [dreg:$0x5]  }
0x21: {  	[tilespmem:s7], [sflag:$0x3] =	stream.linear.gather [hbm4b:s6+s7], $0x100, $0x38;
	[tilespmem:$0x10200] =	vst v63  }
0x22: {  	_ =	swait.ge [sflag:s2], $0x100  }
0x23: {  	[sflag:s2] =	ssyncset.done $0x0  }
0x24: {  	[sflag:s2] =	ssyncadd.s32 $0xFFFFFF00  }
0x25: {  	s19 =	rddreg [dreg:$0x0]  }
0x26: {  	[tilespmem:s15], [sflag:$0x1] =	stream.indirect.gather [hbm4b:s19+s16], $0x80, s7, s16, $0xb8;
	[tilespmem:$0x10200] =	vst v63  }
0x27: {  	s12 =	rddreg [dreg:$0x6]  }
0x28: {  	[tilespmem:s16], [sflag:$0x3] =	stream.linear.gather [hbm4b:s12+s7], $0x100, $0x38;
	[tilespmem:$0x10200] =	vst v63  }
0x29: {  	_ =	swait.ge [sflag:s2], $0x100  }
0x2a: {  	[sflag:s2] =	ssyncset.done $0x0  }
0x2b: {  	[sflag:s2] =	ssyncadd.s32 $0xFFFFFF00  }
0x2c: {  	[tilespmem:s8], [sflag:$0x2] =	stream.indirect.gather [hbm4b:s11+s16], $0x80, s16, s16, $0xb8;
	[tilespmem:$0x10200] =	vst v63  }
0x2d: {  	_ =	swait.ge [sflag:s17], $0x8000  }
0x2e: {  	[sflag:s17] =	ssyncset.done $0x0  }
0x2f: {  	s0 =	rddreg [dreg:$0x12];
	[sflag:s17] =	ssyncadd.s32 $0xFFFF8000  }
0x30: {  	[hbm4b:s0+s4] =	stream.strided.scatter [tilespmem:s15], [sflag:$0x3], $0x800, s5, s4, $0x38;
	[tilespmem:$0x10200] =	vst v63  }
0x31: {  	s22 =	simm.s32 $0xA00;
	s1 =	sadd.s32 $0x10, s0  }
0x32: {  	[hbm4b:s1+s4] =	stream.strided.scatter [tilespmem:s22], [sflag:$0x3], $0x800, s5, s4, $0x38;
	[tilespmem:$0x10200] =	vst v63  }
0x33: {  	s24 =	simm.s32 $0x1200;
	s23 =	sadd.s32 $0x20, s0;
	[dreg:$0x13] =	wrdreg s1  }
0x34: {  	[hbm4b:s23+s4] =	stream.strided.scatter [tilespmem:s24], [sflag:$0x3], $0x800, s5, s4, $0x38;
	[tilespmem:$0x10200] =	vst v63  }
0x35: {  	s28 =	simm.s32 $0x1A00;
	s26 =	sadd.s32 $0x30, s0;
	[dreg:$0x14] =	wrdreg s23  }
0x36: {  	[hbm4b:s26+s4] =	stream.strided.scatter [tilespmem:s28], [sflag:$0x3], $0x800, s5, s4, $0x38;
	[tilespmem:$0x10200] =	vst v63  }
0x37: {  	s29 =	sadd.s32 $0x40, s0;
	[dreg:$0x15] =	wrdreg s26  }
0x38: {  	[hbm4b:s29+s4] =	stream.strided.scatter [tilespmem:s18], [sflag:$0x3], $0x800, s5, s4, $0x38;
	[tilespmem:$0x10200] =	vst v63  }
0x39: {  	s30 =	sadd.s32 $0x50, s0;
	[dreg:$0x16] =	wrdreg s29  }
0x3a: {  	[hbm4b:s30+s4] =	stream.strided.scatter [tilespmem:s14], [sflag:$0x3], $0x800, s5, s4, $0x38;
	[tilespmem:$0x10200] =	vst v63  }
0x3b: {  	s12 =	simm.s32 $0x3200;
	s8 =	sadd.s32 $0x60, s0;
	[dreg:$0x17] =	wrdreg s30  }
0x3c: {  	[hbm4b:s8+s4] =	stream.strided.scatter [tilespmem:s12], [sflag:$0x3], $0x800, s5, s4, $0x38;
	[tilespmem:$0x10200] =	vst v63  }
0x3d: {  	[dreg:$0x18] =	wrdreg s8;
	s22 =	sadd.s32 $0x70, s0;
	s23 =	simm.s32 $0x3A00  }
0x3e: {  	[hbm4b:s22+s4] =	stream.strided.scatter [tilespmem:s23], [sflag:$0x3], $0x800, s5, s4, $0x38;
	[tilespmem:$0x10200] =	vst v63  }
0x3f: {  	[dreg:$0x19] =	wrdreg s22;
	s24 =	sadd.s32 $0x800, s0  }
0x40: {  	[hbm4b:s24+s4] =	stream.strided.scatter [tilespmem:s3], [sflag:$0x3], $0x800, s5, s4, $0x38;
	[tilespmem:$0x10200] =	vst v63  }
0x41: {  	[dreg:$0x1a] =	wrdreg s24;
	s26 =	sadd.s32 $0x810, s0  }
0x42: {  	[hbm4b:s26+s4] =	stream.strided.scatter [tilespmem:s13], [sflag:$0x3], $0x800, s5, s4, $0x38;
	[tilespmem:$0x10200] =	vst v63  }
0x43: {  	s28 =	sadd.s32 $0x820, s0;
	[dreg:$0x1b] =	wrdreg s26  }
0x44: {  	[hbm4b:s28+s4] =	stream.strided.scatter [tilespmem:s10], [sflag:$0x3], $0x800, s5, s4, $0x38;
	[tilespmem:$0x10200] =	vst v63  }
0x45: {  	[dreg:$0x1c] =	wrdreg s28;
	s29 =	sadd.s32 $0x830, s0;
	s30 =	simm.s32 $0x5A00  }
0x46: {  	[hbm4b:s29+s4] =	stream.strided.scatter [tilespmem:s30], [sflag:$0x3], $0x800, s5, s4, $0x38;
	[tilespmem:$0x10200] =	vst v63  }
0x47: {  	[dreg:$0x1d] =	wrdreg s29;
	s8 =	sadd.s32 $0x840, s0;
	s23 =	simm.s32 $0x6200  }
0x48: {  	[hbm4b:s8+s4] =	stream.strided.scatter [tilespmem:s23], [sflag:$0x3], $0x800, s5, s4, $0x38;
	[tilespmem:$0x10200] =	vst v63  }
0x49: {  	[dreg:$0x1e] =	wrdreg s8;
	s8 =	sadd.s32 $0x850, s0  }
0x4a: {  	s21 =	simm.s32 $0x6A00;
	s23 =	sadd.s32 $0x860, s0;
	[dreg:$0x1f] =	wrdreg s8  }
0x4b: {  	[hbm4b:s8+s4] =	stream.strided.scatter [tilespmem:s21], [sflag:$0x3], $0x800, s5, s4, $0x38;
	[tilespmem:$0x10200] =	vst v63  }
0x4c: {  	s6 =	simm.s32 $0x7200;
	s0 =	sadd.s32 $0x870, s0;
	[smem:$0x790] =	sst s23  }
0x4d: {  	[hbm4b:s23+s4] =	stream.strided.scatter [tilespmem:s6], [sflag:$0x3], $0x800, s5, s4, $0x38;
	[tilespmem:$0x10200] =	vst v63  }
0x4e: {  	[smem:$0x791] =	sst s0;
	s6 =	simm.s32 $0x7A00  }
0x4f: {  	[hbm4b:s0+s4] =	stream.strided.scatter [tilespmem:s6], [sflag:$0x3], $0x800, s5, s4, $0x38;
	[tilespmem:$0x10200] =	vst v63  }
0x50: {  	_ =	swait.ge [sflag:s2], $0x8000  }
0x51: {  	[sflag:s2] =	ssyncset.done $0x0  }
0x52: {  	s21 =	rddreg [dreg:$0x7];
	[sflag:s2] =	ssyncadd.s32 $0xFFFF8000  }
0x53: {  	[tilespmem:s7], [sflag:$0x3] =	stream.linear.gather [hbm4b:s21+s7], $0x100, $0x38;
	[tilespmem:$0x10200] =	vst v63  }
0x54: {  	_ =	swait.ge [sflag:s2], $0x100  }
0x55: {  	[sflag:s2] =	ssyncset.done $0x0  }
0x56: {  	[sflag:s2] =	ssyncadd.s32 $0xFFFFFF00  }
0x57: {  	[tilespmem:s15], [sflag:$0x1] =	stream.indirect.gather [hbm4b:s19+s16], $0x80, s7, s16, $0xb8;
	[tilespmem:$0x10200] =	vst v63  }
0x58: {  	_ =	swait.ge [sflag:s25], $0x8000  }
0x59: {  	[sflag:s25] =	ssyncset.done $0x0;
	s0 =	rddreg [dreg:$0x11]  }
0x5a: {  	s10 =	simm.s32 $0x8200;
	[sflag:s25] =	ssyncadd.s32 $0xFFFF8000;
	s23 =	sadd.s32 $0x10, s0  }
0x5b: {  	[hbm4b:s0+s4] =	stream.strided.scatter [tilespmem:s10], [sflag:$0x3], $0x800, s5, s4, $0x38;
	[tilespmem:$0x10200] =	vst v63  }
0x5c: {  	s12 =	simm.s32 $0x9A00;
	s6 =	sadd.s32 $0x20, s0;
	[smem:$0x792] =	sst s23  }
0x5d: {  	[hbm4b:s23+s4] =	stream.strided.scatter [tilespmem:s31], [sflag:$0x3], $0x800, s5, s4, $0x38;
	[tilespmem:$0x10200] =	vst v63  }
0x5e: {  	s22 =	simm.s32 $0x9200;
	s21 =	sadd.s32 $0x30, s0;
	[smem:$0x793] =	sst s6  }
0x5f: {  	[hbm4b:s6+s4] =	stream.strided.scatter [tilespmem:s22], [sflag:$0x3], $0x800, s5, s4, $0x38;
	[tilespmem:$0x10200] =	vst v63  }
0x60: {  	s28 =	simm.s32 $0xB200;
	[smem:$0x794] =	sst s21;
	s23 =	sadd.s32 $0x50, s0  }
0x61: {  	[hbm4b:s21+s4] =	stream.strided.scatter [tilespmem:s12], [sflag:$0x3], $0x800, s5, s4, $0x38;
	[tilespmem:$0x10200] =	vst v63  }
0x62: {  	s30 =	simm.s32 $0xA200;
	[smem:$0x796] =	sst s23;
	s22 =	sadd.s32 $0x40, s0  }
0x63: {  	[hbm4b:s22+s4] =	stream.strided.scatter [tilespmem:s30], [sflag:$0x3], $0x800, s5, s4, $0x38;
	[tilespmem:$0x10200] =	vst v63  }
0x64: {  	s29 =	simm.s32 $0xAA00;
	s6 =	sadd.s32 $0x800, s0;
	[smem:$0x795] =	sst s22  }
0x65: {  	[hbm4b:s23+s4] =	stream.strided.scatter [tilespmem:s29], [sflag:$0x3], $0x800, s5, s4, $0x38;
	[tilespmem:$0x10200] =	vst v63  }
0x66: {  	[smem:$0x799] =	sst s6;
	s12 =	sadd.s32 $0x810, s0;
	s29 =	sadd.s32 $0x60, s0  }
0x67: {  	[hbm4b:s29+s4] =	stream.strided.scatter [tilespmem:s28], [sflag:$0x3], $0x800, s5, s4, $0x38;
	[tilespmem:$0x10200] =	vst v63  }
0x68: {  	s26 =	simm.s32 $0xBA00;
	[smem:$0x79A] =	sst s12;
	s30 =	sadd.s32 $0x70, s0  }
0x69: {  	[hbm4b:s30+s4] =	stream.strided.scatter [tilespmem:s26], [sflag:$0x3], $0x800, s5, s4, $0x38;
	[tilespmem:$0x10200] =	vst v63  }
0x6a: {  	s24 =	simm.s32 $0xC200;
	[smem:$0x798] =	sst s30  }
0x6b: {  	[hbm4b:s6+s4] =	stream.strided.scatter [tilespmem:s24], [sflag:$0x3], $0x800, s5, s4, $0x38;
	[tilespmem:$0x10200] =	vst v63  }
0x6c: {  	s22 =	simm.s32 $0xCA00;
	s23 =	sadd.s32 $0x820, s0;
	[smem:$0x797] =	sst s29  }
0x6d: {  	[hbm4b:s12+s4] =	stream.strided.scatter [tilespmem:s22], [sflag:$0x3], $0x800, s5, s4, $0x38;
	[tilespmem:$0x10200] =	vst v63  }
0x6e: {  	[smem:$0x79B] =	sst s23;
	s29 =	sadd.s32 $0x840, s0;
	s24 =	simm.s32 $0xD200  }
0x6f: {  	[hbm4b:s23+s4] =	stream.strided.scatter [tilespmem:s24], [sflag:$0x3], $0x800, s5, s4, $0x38;
	[tilespmem:$0x10200] =	vst v63  }
0x70: {  	s28 =	simm.s32 $0xDA00;
	[smem:$0x79D] =	sst s29;
	s26 =	sadd.s32 $0x830, s0  }
0x71: {  	[hbm4b:s26+s4] =	stream.strided.scatter [tilespmem:s28], [sflag:$0x3], $0x800, s5, s4, $0x38;
	[tilespmem:$0x10200] =	vst v63  }
0x72: {  	s30 =	simm.s32 $0xE200;
	[smem:$0x79C] =	sst s26;
	s6 =	sadd.s32 $0x850, s0  }
0x73: {  	[hbm4b:s29+s4] =	stream.strided.scatter [tilespmem:s30], [sflag:$0x3], $0x800, s5, s4, $0x38;
	[tilespmem:$0x10200] =	vst v63  }
0x74: {  	[smem:$0x79E] =	sst s6;
	s12 =	simm.s32 $0xEA00;
	s22 =	sadd.s32 $0x860, s0  }
0x75: {  	[hbm4b:s6+s4] =	stream.strided.scatter [tilespmem:s12], [sflag:$0x3], $0x800, s5, s4, $0x38;
	[tilespmem:$0x10200] =	vst v63  }
0x76: {  	s0 =	sadd.s32 $0x870, s0;
	[smem:$0x79F] =	sst s22;
	s23 =	simm.s32 $0xF200  }
0x77: {  	[hbm4b:s22+s4] =	stream.strided.scatter [tilespmem:s23], [sflag:$0x3], $0x800, s5, s4, $0x38;
	[tilespmem:$0x10200] =	vst v63  }
0x78: {  	[smem:$0x7A0] =	sst s0;
	s24 =	simm.s32 $0xFA00  }
0x79: {  	[hbm4b:s0+s4] =	stream.strided.scatter [tilespmem:s24], [sflag:$0x3], $0x800, s5, s4, $0x38;
	[tilespmem:$0x10200] =	vst v63  }
0x7a: {  	_ =	swait.ge [sflag:s2], $0x8000  }
0x7b: {  	[sflag:s2] =	ssyncset.done $0x0  }
0x7c: {  	s26 =	rddreg [dreg:$0x8];
	[sflag:s2] =	ssyncadd.s32 $0xFFFF8000  }
0x7d: {  	[tilespmem:s16], [sflag:$0x3] =	stream.linear.gather [hbm4b:s26+s7], $0x100, $0x38;
	[tilespmem:$0x10200] =	vst v63  }
0x7e: {  	_ =	swait.ge [sflag:s2], $0x100  }
0x7f: {  	[sflag:s2] =	ssyncset.done $0x0  }
0x80: {  	[sflag:s2] =	ssyncadd.s32 $0xFFFFFF00  }
0x81: {  	[tilespmem:s10], [sflag:$0x2] =	stream.indirect.gather [hbm4b:s11+s16], $0x80, s16, s16, $0xb8;
	[tilespmem:$0x10200] =	vst v63  }
0x82: {  	_ =	swait.ge [sflag:s17], $0x8000  }
0x83: {  	[sflag:s17] =	ssyncset.done $0x0  }
0x84: {  	s1 =	rddreg [dreg:$0x10];
	[sflag:s17] =	ssyncadd.s32 $0xFFFF8000  }
0x85: {  	[hbm4b:s1+s4] =	stream.strided.scatter [tilespmem:s15], [sflag:$0x3], $0x800, s5, s4, $0x38;
	[tilespmem:$0x10200] =	vst v63  }
0x86: {  	s30 =	simm.s32 $0xA00;
	s28 =	sadd.s32 $0x10, s1  }
0x87: {  	[hbm4b:s28+s4] =	stream.strided.scatter [tilespmem:s30], [sflag:$0x3], $0x800, s5, s4, $0x38;
	[tilespmem:$0x10200] =	vst v63  }
0x88: {  	s29 =	sadd.s32 $0x20, s1;
	[smem:$0x7A1] =	sst s28;
	s28 =	simm.s32 $0x1200  }
0x89: {  	[hbm4b:s29+s4] =	stream.strided.scatter [tilespmem:s28], [sflag:$0x3], $0x800, s5, s4, $0x38;
	[tilespmem:$0x10200] =	vst v63  }
0x8a: {  	s26 =	simm.s32 $0x1A00;
	s6 =	sadd.s32 $0x30, s1;
	[smem:$0x7A2] =	sst s29  }
0x8b: {  	[hbm4b:s6+s4] =	stream.strided.scatter [tilespmem:s26], [sflag:$0x3], $0x800, s5, s4, $0x38;
	[tilespmem:$0x10200] =	vst v63  }
0x8c: {  	s12 =	sadd.s32 $0x40, s1;
	[smem:$0x7A3] =	sst s6  }
0x8d: {  	[hbm4b:s12+s4] =	stream.strided.scatter [tilespmem:s18], [sflag:$0x3], $0x800, s5, s4, $0x38;
	[tilespmem:$0x10200] =	vst v63  }
0x8e: {  	s22 =	sadd.s32 $0x50, s1;
	[smem:$0x7A4] =	sst s12  }
0x8f: {  	[hbm4b:s22+s4] =	stream.strided.scatter [tilespmem:s14], [sflag:$0x3], $0x800, s5, s4, $0x38;
	[tilespmem:$0x10200] =	vst v63  }
0x90: {  	s23 =	sadd.s32 $0x60, s1;
	[smem:$0x7A5] =	sst s22;
	s29 =	simm.s32 $0x3200  }
0x91: {  	[hbm4b:s23+s4] =	stream.strided.scatter [tilespmem:s29], [sflag:$0x3], $0x800, s5, s4, $0x38;
	[tilespmem:$0x10200] =	vst v63  }
0x92: {  	s24 =	sadd.s32 $0x70, s1;
	[smem:$0x7A6] =	sst s23;
	s12 =	simm.s32 $0x3A00  }
0x93: {  	[hbm4b:s24+s4] =	stream.strided.scatter [tilespmem:s12], [sflag:$0x3], $0x800, s5, s4, $0x38;
	[tilespmem:$0x10200] =	vst v63  }
0x94: {  	[smem:$0x7A7] =	sst s24;
	s6 =	sadd.s32 $0x800, s1  }
0x95: {  	[hbm4b:s6+s4] =	stream.strided.scatter [tilespmem:s3], [sflag:$0x3], $0x800, s5, s4, $0x38;
	[tilespmem:$0x10200] =	vst v63  }
0x96: {  	[smem:$0x7A8] =	sst s6;
	s22 =	sadd.s32 $0x810, s1  }
0x97: {  	[hbm4b:s22+s4] =	stream.strided.scatter [tilespmem:s13], [sflag:$0x3], $0x800, s5, s4, $0x38;
	[tilespmem:$0x10200] =	vst v63  }
0x98: {  	[smem:$0x7A9] =	sst s22;
	s23 =	sadd.s32 $0x820, s1;
	s24 =	simm.s32 $0x5200  }
0x99: {  	[hbm4b:s23+s4] =	stream.strided.scatter [tilespmem:s24], [sflag:$0x3], $0x800, s5, s4, $0x38;
	[tilespmem:$0x10200] =	vst v63  }
0x9a: {  	[smem:$0x7AA] =	sst s23;
	s6 =	sadd.s32 $0x830, s1;
	s24 =	simm.s32 $0x5A00  }
0x9b: {  	[hbm4b:s6+s4] =	stream.strided.scatter [tilespmem:s24], [sflag:$0x3], $0x800, s5, s4, $0x38;
	[tilespmem:$0x10200] =	vst v63  }
0x9c: {  	[smem:$0x7AB] =	sst s6;
	s22 =	sadd.s32 $0x840, s1;
	s23 =	simm.s32 $0x6200  }
0x9d: {  	[hbm4b:s22+s4] =	stream.strided.scatter [tilespmem:s23], [sflag:$0x3], $0x800, s5, s4, $0x38;
	[tilespmem:$0x10200] =	vst v63  }
0x9e: {  	s8 =	simm.s32 $0x6A00;
	[smem:$0x7AC] =	sst s22;
	s6 =	sadd.s32 $0x850, s1  }
0x9f: {  	[hbm4b:s6+s4] =	stream.strided.scatter [tilespmem:s8], [sflag:$0x3], $0x800, s5, s4, $0x38;
	[tilespmem:$0x10200] =	vst v63  }
0xa0: {  	[smem:$0x7AD] =	sst s6;
	s8 =	sadd.s32 $0x860, s1  }
0xa1: {  	s22 =	simm.s32 $0x7200;
	s1 =	sadd.s32 $0x870, s1;
	[smem:$0x7AE] =	sst s8  }
0xa2: {  	[hbm4b:s8+s4] =	stream.strided.scatter [tilespmem:s22], [sflag:$0x3], $0x800, s5, s4, $0x38;
	[tilespmem:$0x10200] =	vst v63  }
0xa3: {  	[smem:$0x7AF] =	sst s1;
	s8 =	simm.s32 $0x7A00  }
0xa4: {  	[hbm4b:s1+s4] =	stream.strided.scatter [tilespmem:s8], [sflag:$0x3], $0x800, s5, s4, $0x38;
	[tilespmem:$0x10200] =	vst v63  }
0xa5: {  	_ =	swait.ge [sflag:s2], $0x8000  }
0xa6: {  	[sflag:s2] =	ssyncset.done $0x0  }
0xa7: {  	s6 =	rddreg [dreg:$0x9];
	[sflag:s2] =	ssyncadd.s32 $0xFFFF8000  }
0xa8: {  	[tilespmem:s7], [sflag:$0x3] =	stream.linear.gather [hbm4b:s6+s7], $0x100, $0x38;
	[tilespmem:$0x10200] =	vst v63  }
0xa9: {  	_ =	swait.ge [sflag:s2], $0x100  }
0xaa: {  	[sflag:s2] =	ssyncset.done $0x0  }
0xab: {  	[sflag:s2] =	ssyncadd.s32 $0xFFFFFF00  }
0xac: {  	[tilespmem:s15], [sflag:$0x1] =	stream.indirect.gather [hbm4b:s19+s16], $0x80, s7, s16, $0xb8;
	[tilespmem:$0x10200] =	vst v63  }
0xad: {  	_ =	swait.ge [sflag:s25], $0x8000  }
0xae: {  	[sflag:s25] =	ssyncset.done $0x0  }
0xaf: {  	s0 =	rddreg [dreg:$0xf];
	[sflag:s25] =	ssyncadd.s32 $0xFFFF8000  }
0xb0: {  	[hbm4b:s0+s4] =	stream.strided.scatter [tilespmem:s10], [sflag:$0x3], $0x800, s5, s4, $0x38;
	[tilespmem:$0x10200] =	vst v63  }
0xb1: {  	s22 =	sadd.s32 $0x10, s0  }
0xb2: {  	[hbm4b:s22+s4] =	stream.strided.scatter [tilespmem:s31], [sflag:$0x3], $0x800, s5, s4, $0x38;
	[tilespmem:$0x10200] =	vst v63  }
0xb3: {  	s6 =	sadd.s32 $0x20, s0;
	[smem:$0x7B0] =	sst s22;
	s22 =	simm.s32 $0x9200  }
0xb4: {  	[hbm4b:s6+s4] =	stream.strided.scatter [tilespmem:s22], [sflag:$0x3], $0x800, s5, s4, $0x38;
	[tilespmem:$0x10200] =	vst v63  }
0xb5: {  	[smem:$0x7B1] =	sst s6;
	s6 =	sadd.s32 $0x30, s0;
	s22 =	simm.s32 $0x9A00  }
0xb6: {  	[hbm4b:s6+s4] =	stream.strided.scatter [tilespmem:s22], [sflag:$0x3], $0x800, s5, s4, $0x38;
	[tilespmem:$0x10200] =	vst v63  }
0xb7: {  	s21 =	simm.s32 $0xA200;
	[smem:$0x7B2] =	sst s6;
	s6 =	sadd.s32 $0x40, s0  }
0xb8: {  	[hbm4b:s6+s4] =	stream.strided.scatter [tilespmem:s21], [sflag:$0x3], $0x800, s5, s4, $0x38;
	[tilespmem:$0x10200] =	vst v63  }
0xb9: {  	s22 =	sadd.s32 $0x50, s0;
	[smem:$0x7B3] =	sst s6;
	s21 =	simm.s32 $0xAA00  }
0xba: {  	[hbm4b:s22+s4] =	stream.strided.scatter [tilespmem:s21], [sflag:$0x3], $0x800, s5, s4, $0x38;
	[tilespmem:$0x10200] =	vst v63  }
0xbb: {  	[smem:$0x7B4] =	sst s22;
	s6 =	sadd.s32 $0x60, s0;
	s22 =	simm.s32 $0xB200  }
0xbc: {  	[hbm4b:s6+s4] =	stream.strided.scatter [tilespmem:s22], [sflag:$0x3], $0x800, s5, s4, $0x38;
	[tilespmem:$0x10200] =	vst v63  }
0xbd: {  	[smem:$0x7B5] =	sst s6;
	s6 =	sadd.s32 $0x70, s0;
	s22 =	simm.s32 $0xBA00  }
0xbe: {  	[hbm4b:s6+s4] =	stream.strided.scatter [tilespmem:s22], [sflag:$0x3], $0x800, s5, s4, $0x38;
	[tilespmem:$0x10200] =	vst v63  }
0xbf: {  	[smem:$0x7B6] =	sst s6;
	s22 =	sadd.s32 $0x800, s0;
	s6 =	simm.s32 $0xC200  }
0xc0: {  	[hbm4b:s22+s4] =	stream.strided.scatter [tilespmem:s6], [sflag:$0x3], $0x800, s5, s4, $0x38;
	[tilespmem:$0x10200] =	vst v63  }
0xc1: {  	s1 =	sadd.s32 $0x810, s0;
	[smem:$0x7B7] =	sst s22;
	s22 =	simm.s32 $0xCA00  }
0xc2: {  	[hbm4b:s1+s4] =	stream.strided.scatter [tilespmem:s22], [sflag:$0x3], $0x800, s5, s4, $0x38;
	[tilespmem:$0x10200] =	vst v63  }
0xc3: {  	[smem:$0x7B8] =	sst s1;
	s1 =	sadd.s32 $0x820, s0;
	s22 =	simm.s32 $0xD200  }
0xc4: {  	[hbm4b:s1+s4] =	stream.strided.scatter [tilespmem:s22], [sflag:$0x3], $0x800, s5, s4, $0x38;
	[tilespmem:$0x10200] =	vst v63  }
0xc5: {  	[smem:$0x7B9] =	sst s1;
	s1 =	sadd.s32 $0x830, s0;
	s22 =	simm.s32 $0xDA00  }
0xc6: {  	[hbm4b:s1+s4] =	stream.strided.scatter [tilespmem:s22], [sflag:$0x3], $0x800, s5, s4, $0x38;
	[tilespmem:$0x10200] =	vst v63  }
0xc7: {  	[smem:$0x7BA] =	sst s1;
	s1 =	sadd.s32 $0x840, s0;
	s22 =	simm.s32 $0xE200  }
0xc8: {  	[hbm4b:s1+s4] =	stream.strided.scatter [tilespmem:s22], [sflag:$0x3], $0x800, s5, s4, $0x38;
	[tilespmem:$0x10200] =	vst v63  }
0xc9: {  	[smem:$0x7BB] =	sst s1;
	s1 =	sadd.s32 $0x850, s0;
	s22 =	simm.s32 $0xEA00  }
0xca: {  	[hbm4b:s1+s4] =	stream.strided.scatter [tilespmem:s22], [sflag:$0x3], $0x800, s5, s4, $0x38;
	[tilespmem:$0x10200] =	vst v63  }
0xcb: {  	[smem:$0x7BC] =	sst s1;
	s1 =	sadd.s32 $0x860, s0  }
0xcc: {  	s22 =	simm.s32 $0xF200;
	s0 =	sadd.s32 $0x870, s0;
	[smem:$0x7BD] =	sst s1  }
0xcd: {  	[hbm4b:s1+s4] =	stream.strided.scatter [tilespmem:s22], [sflag:$0x3], $0x800, s5, s4, $0x38;
	[tilespmem:$0x10200] =	vst v63  }
0xce: {  	[smem:$0x7BE] =	sst s0;
	s22 =	simm.s32 $0xFA00  }
0xcf: {  	[hbm4b:s0+s4] =	stream.strided.scatter [tilespmem:s22], [sflag:$0x3], $0x800, s5, s4, $0x38;
	[tilespmem:$0x10200] =	vst v63  }
0xd0: {  	_ =	swait.ge [sflag:s2], $0x8000  }
0xd1: {  	[sflag:s2] =	ssyncset.done $0x0  }
0xd2: {  	s1 =	rddreg [dreg:$0xa];
	[sflag:s2] =	ssyncadd.s32 $0xFFFF8000  }
0xd3: {  	[tilespmem:s16], [sflag:$0x3] =	stream.linear.gather [hbm4b:s1+s7], $0x100, $0x38;
	[tilespmem:$0x10200] =	vst v63  }
0xd4: {  	_ =	swait.ge [sflag:s2], $0x100  }
0xd5: {  	[sflag:s2] =	ssyncset.done $0x0  }
0xd6: {  	[sflag:s2] =	ssyncadd.s32 $0xFFFFFF00  }
0xd7: {  	[tilespmem:s10], [sflag:$0x2] =	stream.indirect.gather [hbm4b:s11+s16], $0x80, s16, s16, $0xb8;
	[tilespmem:$0x10200] =	vst v63  }
0xd8: {  	_ =	swait.ge [sflag:s17], $0x8000  }
0xd9: {  	[sflag:s17] =	ssyncset.done $0x0;
	s1 =	rddreg [dreg:$0xe]  }
0xda: {  	[sflag:s17] =	ssyncadd.s32 $0xFFFF8000;
	s22 =	sadd.s32 $0x10, s1  }
0xdb: {  	[hbm4b:s1+s4] =	stream.strided.scatter [tilespmem:s15], [sflag:$0x3], $0x800, s5, s4, $0x38;
	[tilespmem:$0x10200] =	vst v63  }
0xdc: {  	s0 =	sadd.s32 $0x820, s1;
	[smem:$0x7BF] =	sst s22  }
0xdd: {  	[hbm4b:s22+s4] =	stream.strided.scatter [tilespmem:s30], [sflag:$0x3], $0x800, s5, s4, $0x38;
	[tilespmem:$0x10200] =	vst v63  }
0xde: {  	[smem:$0x7C8] =	sst s0;
	s22 =	sadd.s32 $0x20, s1  }
0xdf: {  	[hbm4b:s22+s4] =	stream.strided.scatter [tilespmem:s28], [sflag:$0x3], $0x800, s5, s4, $0x38;
	[tilespmem:$0x10200] =	vst v63  }
0xe0: {  	s30 =	sadd.s32 $0x40, s1;
	[smem:$0x7C0] =	sst s22;
	s28 =	sadd.s32 $0x30, s1  }
0xe1: {  	[hbm4b:s28+s4] =	stream.strided.scatter [tilespmem:s26], [sflag:$0x3], $0x800, s5, s4, $0x38;
	[tilespmem:$0x10200] =	vst v63  }
0xe2: {  	[smem:$0x7C2] =	sst s30  }
0xe3: {  	[hbm4b:s30+s4] =	stream.strided.scatter [tilespmem:s18], [sflag:$0x3], $0x800, s5, s4, $0x38;
	[tilespmem:$0x10200] =	vst v63  }
0xe4: {  	s22 =	sadd.s32 $0x50, s1;
	[smem:$0x7C1] =	sst s28  }
0xe5: {  	[hbm4b:s22+s4] =	stream.strided.scatter [tilespmem:s14], [sflag:$0x3], $0x800, s5, s4, $0x38;
	[tilespmem:$0x10200] =	vst v63  }
0xe6: {  	[smem:$0x7C3] =	sst s22;
	s26 =	sadd.s32 $0x60, s1  }
0xe7: {  	[hbm4b:s26+s4] =	stream.strided.scatter [tilespmem:s29], [sflag:$0x3], $0x800, s5, s4, $0x38;
	[tilespmem:$0x10200] =	vst v63  }
0xe8: {  	s28 =	sadd.s32 $0x70, s1;
	[smem:$0x7C4] =	sst s26  }
0xe9: {  	[hbm4b:s28+s4] =	stream.strided.scatter [tilespmem:s12], [sflag:$0x3], $0x800, s5, s4, $0x38;
	[tilespmem:$0x10200] =	vst v63  }
0xea: {  	[smem:$0x7C5] =	sst s28;
	s30 =	sadd.s32 $0x810, s1;
	s29 =	sadd.s32 $0x800, s1  }
0xeb: {  	[hbm4b:s29+s4] =	stream.strided.scatter [tilespmem:s3], [sflag:$0x3], $0x800, s5, s4, $0x38;
	[tilespmem:$0x10200] =	vst v63  }
0xec: {  	[smem:$0x7C7] =	sst s30  }
0xed: {  	[hbm4b:s30+s4] =	stream.strided.scatter [tilespmem:s13], [sflag:$0x3], $0x800, s5, s4, $0x38;
	[tilespmem:$0x10200] =	vst v63  }
0xee: {  	s26 =	sadd.s32 $0x830, s1;
	[smem:$0x7C6] =	sst s29;
	s12 =	simm.s32 $0x5200  }
0xef: {  	[hbm4b:s0+s4] =	stream.strided.scatter [tilespmem:s12], [sflag:$0x3], $0x800, s5, s4, $0x38;
	[tilespmem:$0x10200] =	vst v63  }
0xf0: {  	[smem:$0x7C9] =	sst s26;
	s28 =	sadd.s32 $0x840, s1  }
0xf1: {  	[hbm4b:s26+s4] =	stream.strided.scatter [tilespmem:s24], [sflag:$0x3], $0x800, s5, s4, $0x38;
	[tilespmem:$0x10200] =	vst v63  }
0xf2: {  	[smem:$0x7CA] =	sst s28;
	s29 =	sadd.s32 $0x850, s1  }
0xf3: {  	[hbm4b:s28+s4] =	stream.strided.scatter [tilespmem:s23], [sflag:$0x3], $0x800, s5, s4, $0x38;
	[tilespmem:$0x10200] =	vst v63  }
0xf4: {  	s22 =	simm.s32 $0x6A00;
	[smem:$0x7CB] =	sst s29;
	s30 =	sadd.s32 $0x860, s1  }
0xf5: {  	[hbm4b:s29+s4] =	stream.strided.scatter [tilespmem:s22], [sflag:$0x3], $0x800, s5, s4, $0x38;
	[tilespmem:$0x10200] =	vst v63  }
0xf6: {  	s1 =	sadd.s32 $0x870, s1;
	[smem:$0x7CC] =	sst s30;
	s23 =	simm.s32 $0x7200  }
0xf7: {  	[hbm4b:s30+s4] =	stream.strided.scatter [tilespmem:s23], [sflag:$0x3], $0x800, s5, s4, $0x38;
	[tilespmem:$0x10200] =	vst v63  }
0xf8: {  	[smem:$0x7CD] =	sst s1  }
0xf9: {  	[hbm4b:s1+s4] =	stream.strided.scatter [tilespmem:s8], [sflag:$0x3], $0x800, s5, s4, $0x38;
	[tilespmem:$0x10200] =	vst v63  }
0xfa: {  	_ =	swait.ge [sflag:s2], $0x8000  }
0xfb: {  	[sflag:s2] =	ssyncset.done $0x0  }
0xfc: {  	s12 =	rddreg [dreg:$0xb];
	[sflag:s2] =	ssyncadd.s32 $0xFFFF8000  }
0xfd: {  	[tilespmem:s7], [sflag:$0x3] =	stream.linear.gather [hbm4b:s12+s7], $0x100, $0x38;
	[tilespmem:$0x10200] =	vst v63  }
0xfe: {  	_ =	swait.ge [sflag:s2], $0x100  }
0xff: {  	[sflag:s2] =	ssyncset.done $0x0  }
0x100: {  	[sflag:s2] =	ssyncadd.s32 $0xFFFFFF00  }
0x101: {  	[tilespmem:s15], [sflag:$0x1] =	stream.indirect.gather [hbm4b:s19+s16], $0x80, s7, s16, $0xb8;
	[tilespmem:$0x10200] =	vst v63  }
0x102: {  	_ =	swait.ge [sflag:s25], $0x8000  }
0x103: {  	[sflag:s25] =	ssyncset.done $0x0;
	s0 =	rddreg [dreg:$0xd]  }
0x104: {  	[sflag:s25] =	ssyncadd.s32 $0xFFFF8000;
	s24 =	sadd.s32 $0x10, s0  }
0x105: {  	[hbm4b:s0+s4] =	stream.strided.scatter [tilespmem:s10], [sflag:$0x3], $0x800, s5, s4, $0x38;
	[tilespmem:$0x10200] =	vst v63  }
0x106: {  	s26 =	sadd.s32 $0x20, s0;
	[smem:$0x7CE] =	sst s24  }
0x107: {  	[hbm4b:s24+s4] =	stream.strided.scatter [tilespmem:s31], [sflag:$0x3], $0x800, s5, s4, $0x38;
	[tilespmem:$0x10200] =	vst v63  }
0x108: {  	s28 =	simm.s32 $0x9200;
	s29 =	sadd.s32 $0x30, s0;
	[smem:$0x7CF] =	sst s26  }
0x109: {  	[hbm4b:s26+s4] =	stream.strided.scatter [tilespmem:s28], [sflag:$0x3], $0x800, s5, s4, $0x38;
	[tilespmem:$0x10200] =	vst v63  }
0x10a: {  	s30 =	simm.s32 $0x9A00;
	s8 =	sadd.s32 $0x40, s0;
	[smem:$0x7D0] =	sst s29  }
0x10b: {  	[hbm4b:s29+s4] =	stream.strided.scatter [tilespmem:s30], [sflag:$0x3], $0x800, s5, s4, $0x38;
	[tilespmem:$0x10200] =	vst v63  }
0x10c: {  	s19 =	simm.s32 $0xA200;
	s12 =	sadd.s32 $0x50, s0;
	[smem:$0x7D1] =	sst s8  }
0x10d: {  	[hbm4b:s8+s4] =	stream.strided.scatter [tilespmem:s19], [sflag:$0x3], $0x800, s5, s4, $0x38;
	[tilespmem:$0x10200] =	vst v63  }
0x10e: {  	[smem:$0x7D2] =	sst s12;
	s26 =	sadd.s32 $0x60, s0  }
0x10f: {  	[hbm4b:s12+s4] =	stream.strided.scatter [tilespmem:s21], [sflag:$0x3], $0x800, s5, s4, $0x38;
	[tilespmem:$0x10200] =	vst v63  }
0x110: {  	s28 =	sadd.s32 $0x70, s0;
	[smem:$0x7D3] =	sst s26;
	s12 =	simm.s32 $0xB200  }
0x111: {  	[hbm4b:s26+s4] =	stream.strided.scatter [tilespmem:s12], [sflag:$0x3], $0x800, s5, s4, $0x38;
	[tilespmem:$0x10200] =	vst v63  }
0x112: {  	[smem:$0x7D4] =	sst s28;
	s29 =	simm.s32 $0xBA00;
	s30 =	sadd.s32 $0x800, s0  }
0x113: {  	[hbm4b:s28+s4] =	stream.strided.scatter [tilespmem:s29], [sflag:$0x3], $0x800, s5, s4, $0x38;
	[tilespmem:$0x10200] =	vst v63  }
0x114: {  	[smem:$0x7D5] =	sst s30;
	s8 =	sadd.s32 $0x810, s0  }
0x115: {  	[hbm4b:s30+s4] =	stream.strided.scatter [tilespmem:s6], [sflag:$0x3], $0x800, s5, s4, $0x38;
	[tilespmem:$0x10200] =	vst v63  }
0x116: {  	[smem:$0x7D6] =	sst s8;
	s21 =	simm.s32 $0xCA00;
	s26 =	sadd.s32 $0x820, s0  }
0x117: {  	[hbm4b:s8+s4] =	stream.strided.scatter [tilespmem:s21], [sflag:$0x3], $0x800, s5, s4, $0x38;
	[tilespmem:$0x10200] =	vst v63  }
0x118: {  	[smem:$0x7D7] =	sst s26;
	s28 =	simm.s32 $0xD200;
	s29 =	sadd.s32 $0x830, s0  }
0x119: {  	[hbm4b:s26+s4] =	stream.strided.scatter [tilespmem:s28], [sflag:$0x3], $0x800, s5, s4, $0x38;
	[tilespmem:$0x10200] =	vst v63  }
0x11a: {  	[smem:$0x7D8] =	sst s29;
	s6 =	simm.s32 $0xDA00;
	s21 =	sadd.s32 $0x840, s0  }
0x11b: {  	[hbm4b:s29+s4] =	stream.strided.scatter [tilespmem:s6], [sflag:$0x3], $0x800, s5, s4, $0x38;
	[tilespmem:$0x10200] =	vst v63  }
0x11c: {  	s8 =	sadd.s32 $0x860, s0;
	[smem:$0x7D9] =	sst s21;
	s26 =	simm.s32 $0xE200  }
0x11d: {  	[hbm4b:s21+s4] =	stream.strided.scatter [tilespmem:s26], [sflag:$0x3], $0x800, s5, s4, $0x38;
	[tilespmem:$0x10200] =	vst v63  }
0x11e: {  	[smem:$0x7DB] =	sst s8;
	s6 =	sadd.s32 $0x850, s0;
	s21 =	simm.s32 $0xEA00  }
0x11f: {  	[hbm4b:s6+s4] =	stream.strided.scatter [tilespmem:s21], [sflag:$0x3], $0x800, s5, s4, $0x38;
	[tilespmem:$0x10200] =	vst v63  }
0x120: {  	s0 =	sadd.s32 $0x870, s0;
	[smem:$0x7DA] =	sst s6;
	s6 =	simm.s32 $0xF200  }
0x121: {  	[hbm4b:s8+s4] =	stream.strided.scatter [tilespmem:s6], [sflag:$0x3], $0x800, s5, s4, $0x38;
	[tilespmem:$0x10200] =	vst v63  }
0x122: {  	[smem:$0x7DC] =	sst s0;
	s8 =	simm.s32 $0xFA00  }
0x123: {  	[hbm4b:s0+s4] =	stream.strided.scatter [tilespmem:s8], [sflag:$0x3], $0x800, s5, s4, $0x38;
	[tilespmem:$0x10200] =	vst v63  }
0x124: {  	_ =	swait.ge [sflag:s2], $0x8000  }
0x125: {  	[sflag:s2] =	ssyncset.done $0x0  }
0x126: {  	s8 =	rddreg [dreg:$0xc];
	[sflag:s2] =	ssyncadd.s32 $0xFFFF8000  }
0x127: {  	[tilespmem:s16], [sflag:$0x3] =	stream.linear.gather [hbm4b:s8+s7], $0x100, $0x38;
	[tilespmem:$0x10200] =	vst v63  }
0x128: {  	_ =	swait.ge [sflag:s2], $0x100  }
0x129: {  	[sflag:s2] =	ssyncset.done $0x0  }
0x12a: {  	[sflag:s2] =	ssyncadd.s32 $0xFFFFFF00  }
0x12b: {  	[tilespmem:s10], [sflag:$0x2] =	stream.indirect.gather [hbm4b:s11+s16], $0x80, s16, s16, $0xb8;
	[tilespmem:$0x10200] =	vst v63  }
0x12c: {  	_ =	swait.ge [sflag:s17], $0x8000  }
0x12d: {  	[sflag:s17] =	ssyncset.done $0x0  }
0x12e: {  	s11 =	sadd.s32 $0x10, s20;
	[sflag:s17] =	ssyncadd.s32 $0xFFFF8000  }
0x12f: {  	[hbm4b:s20+s4] =	stream.strided.scatter [tilespmem:s15], [sflag:$0x3], $0x800, s5, s4, $0x38;
	[tilespmem:$0x10200] =	vst v63  }
0x130: {  	s16 =	sadd.s32 $0x20, s20;
	[smem:$0x7DD] =	sst s11;
	s15 =	simm.s32 $0xA00  }
0x131: {  	[hbm4b:s11+s4] =	stream.strided.scatter [tilespmem:s15], [sflag:$0x3], $0x800, s5, s4, $0x38;
	[tilespmem:$0x10200] =	vst v63  }
0x132: {  	s1 =	sadd.s32 $0x30, s20;
	[smem:$0x7DE] =	sst s16;
	s17 =	simm.s32 $0x1200  }
0x133: {  	[hbm4b:s16+s4] =	stream.strided.scatter [tilespmem:s17], [sflag:$0x3], $0x800, s5, s4, $0x38;
	[tilespmem:$0x10200] =	vst v63  }
0x134: {  	s7 =	simm.s32 $0x1A00;
	s8 =	sadd.s32 $0x40, s20;
	[smem:$0x7DF] =	sst s1  }
0x135: {  	[hbm4b:s1+s4] =	stream.strided.scatter [tilespmem:s7], [sflag:$0x3], $0x800, s5, s4, $0x38;
	[tilespmem:$0x10200] =	vst v63  }
0x136: {  	[smem:$0x7E0] =	sst s8;
	s11 =	sadd.s32 $0x50, s20  }
0x137: {  	[hbm4b:s8+s4] =	stream.strided.scatter [tilespmem:s18], [sflag:$0x3], $0x800, s5, s4, $0x38;
	[tilespmem:$0x10200] =	vst v63  }
0x138: {  	s15 =	sadd.s32 $0x60, s20;
	[smem:$0x7E1] =	sst s11  }
0x139: {  	[hbm4b:s11+s4] =	stream.strided.scatter [tilespmem:s14], [sflag:$0x3], $0x800, s5, s4, $0x38;
	[tilespmem:$0x10200] =	vst v63  }
0x13a: {  	[smem:$0x7E2] =	sst s15;
	s16 =	simm.s32 $0x3200;
	s17 =	sadd.s32 $0x70, s20  }
0x13b: {  	[hbm4b:s15+s4] =	stream.strided.scatter [tilespmem:s16], [sflag:$0x3], $0x800, s5, s4, $0x38;
	[tilespmem:$0x10200] =	vst v63  }
0x13c: {  	[smem:$0x7E3] =	sst s17;
	s1 =	sadd.s32 $0x800, s20;
	s18 =	simm.s32 $0x3A00  }
0x13d: {  	[hbm4b:s17+s4] =	stream.strided.scatter [tilespmem:s18], [sflag:$0x3], $0x800, s5, s4, $0x38;
	[tilespmem:$0x10200] =	vst v63  }
0x13e: {  	s7 =	sadd.s32 $0x810, s20;
	[smem:$0x7E4] =	sst s1  }
0x13f: {  	[hbm4b:s1+s4] =	stream.strided.scatter [tilespmem:s3], [sflag:$0x3], $0x800, s5, s4, $0x38;
	[tilespmem:$0x10200] =	vst v63  }
0x140: {  	[smem:$0x7E5] =	sst s7;
	s8 =	sadd.s32 $0x820, s20  }
0x141: {  	[hbm4b:s7+s4] =	stream.strided.scatter [tilespmem:s13], [sflag:$0x3], $0x800, s5, s4, $0x38;
	[tilespmem:$0x10200] =	vst v63  }
0x142: {  	s10 =	simm.s32 $0x5200;
	[smem:$0x7E6] =	sst s8;
	s11 =	sadd.s32 $0x830, s20  }
0x143: {  	[hbm4b:s8+s4] =	stream.strided.scatter [tilespmem:s10], [sflag:$0x3], $0x800, s5, s4, $0x38;
	[tilespmem:$0x10200] =	vst v63  }
0x144: {  	s14 =	sadd.s32 $0x840, s20;
	[smem:$0x7E7] =	sst s11;
	s13 =	simm.s32 $0x5A00  }
0x145: {  	[hbm4b:s11+s4] =	stream.strided.scatter [tilespmem:s13], [sflag:$0x3], $0x800, s5, s4, $0x38;
	[tilespmem:$0x10200] =	vst v63  }
0x146: {  	[smem:$0x7E8] =	sst s14;
	s15 =	simm.s32 $0x6200;
	s16 =	sadd.s32 $0x850, s20  }
0x147: {  	[hbm4b:s14+s4] =	stream.strided.scatter [tilespmem:s15], [sflag:$0x3], $0x800, s5, s4, $0x38;
	[tilespmem:$0x10200] =	vst v63  }
0x148: {  	[smem:$0x7E9] =	sst s16;
	s17 =	sadd.s32 $0x860, s20  }
0x149: {  	[hbm4b:s16+s4] =	stream.strided.scatter [tilespmem:s22], [sflag:$0x3], $0x800, s5, s4, $0x38;
	[tilespmem:$0x10200] =	vst v63  }
0x14a: {  	s18 =	sadd.s32 $0x870, s20;
	[smem:$0x7EA] =	sst s17  }
0x14b: {  	[hbm4b:s17+s4] =	stream.strided.scatter [tilespmem:s23], [sflag:$0x3], $0x800, s5, s4, $0x38;
	[tilespmem:$0x10200] =	vst v63  }
0x14c: {  	[smem:$0x7EB] =	sst s18;
	s22 =	simm.s32 $0x7A00  }
0x14d: {  	[hbm4b:s18+s4] =	stream.strided.scatter [tilespmem:s22], [sflag:$0x3], $0x800, s5, s4, $0x38;
	[tilespmem:$0x10200] =	vst v63  }
0x14e: {  	_ =	swait.ge [sflag:s2], $0x8000  }
0x14f: {  	[sflag:s2] =	ssyncset.done $0x0  }
0x150: {  	[sflag:s2] =	ssyncadd.s32 $0xFFFF8000  }
0x151: {  	s1 =	sadd.s32 $0x30, s9;
	s23 =	sadd.s32 $0x10, s9;
	_ =	swait.ge [sflag:s25], $0x8000  }
0x152: {  	s7 =	sadd.s32 $0x40, s9;
	[sflag:s25] =	ssyncset.done $0x0;
	[smem:$0x7EC] =	sst s23  }
0x153: {  	s8 =	simm.s32 $0x8200;
	[smem:$0x7EE] =	sst s1;
	[sflag:s25] =	ssyncadd.s32 $0xFFFF8000  }
0x154: {  	[hbm4b:s9+s4] =	stream.strided.scatter [tilespmem:s8], [sflag:$0x3], $0x800, s5, s4, $0x38;
	[tilespmem:$0x10200] =	vst v63  }
0x155: {  	s24 =	simm.s32 $0x9200;
	s11 =	sadd.s32 $0x50, s9;
	[smem:$0x7EF] =	sst s7  }
0x156: {  	[hbm4b:s23+s4] =	stream.strided.scatter [tilespmem:s31], [sflag:$0x3], $0x800, s5, s4, $0x38;
	[tilespmem:$0x10200] =	vst v63  }
0x157: {  	s14 =	sadd.s32 $0x60, s9;
	[smem:$0x7F0] =	sst s11;
	s31 =	sadd.s32 $0x20, s9  }
0x158: {  	[hbm4b:s31+s4] =	stream.strided.scatter [tilespmem:s24], [sflag:$0x3], $0x800, s5, s4, $0x38;
	[tilespmem:$0x10200] =	vst v63  }
0x159: {  	s3 =	simm.s32 $0x9A00;
	s15 =	sadd.s32 $0x70, s9;
	[smem:$0x7F1] =	sst s14  }
0x15a: {  	[hbm4b:s1+s4] =	stream.strided.scatter [tilespmem:s3], [sflag:$0x3], $0x800, s5, s4, $0x38;
	[tilespmem:$0x10200] =	vst v63  }
0x15b: {  	s17 =	sadd.s32 $0x800, s9;
	[smem:$0x7F2] =	sst s15  }
0x15c: {  	[hbm4b:s7+s4] =	stream.strided.scatter [tilespmem:s19], [sflag:$0x3], $0x800, s5, s4, $0x38;
	[tilespmem:$0x10200] =	vst v63  }
0x15d: {  	s13 =	simm.s32 $0xAA00;
	s22 =	sadd.s32 $0x820, s9;
	[smem:$0x7F3] =	sst s17  }
0x15e: {  	[hbm4b:s11+s4] =	stream.strided.scatter [tilespmem:s13], [sflag:$0x3], $0x800, s5, s4, $0x38;
	[tilespmem:$0x10200] =	vst v63  }
0x15f: {  	p0 =	por $0x1, $0x1;
	[smem:$0x7F5] =	sst s22  }
0x160: {  	[hbm4b:s14+s4] =	stream.strided.scatter [tilespmem:s12], [sflag:$0x3], $0x800, s5, s4, $0x38;
	[tilespmem:$0x10200] =	vst v63  }
0x161: {  	s30 =	simm.s32 $0xCA00;
	s16 =	simm.s32 $0xBA00;
	[smem:$0x7F9] =	sst s20  }
0x162: {  	[hbm4b:s15+s4] =	stream.strided.scatter [tilespmem:s16], [sflag:$0x3], $0x800, s5, s4, $0x38;
	[tilespmem:$0x10200] =	vst v63  }
0x163: {  	s18 =	simm.s32 $0xC200;
	s23 =	sadd.s32 $0x830, s9;
	[smem:$0x7ED] =	sst s31  }
0x164: {  	[hbm4b:s17+s4] =	stream.strided.scatter [tilespmem:s18], [sflag:$0x3], $0x800, s5, s4, $0x38;
	[tilespmem:$0x10200] =	vst v63  }
0x165: {  	s28 =	simm.s32 $0xD200;
	[smem:$0x7F6] =	sst s23;
	s19 =	sadd.s32 $0x810, s9  }
0x166: {  	[hbm4b:s19+s4] =	stream.strided.scatter [tilespmem:s30], [sflag:$0x3], $0x800, s5, s4, $0x38;
	[tilespmem:$0x10200] =	vst v63  }
0x167: {  	s29 =	simm.s32 $0xDA00;
	s24 =	sadd.s32 $0x840, s9;
	s31 =	sld [smem:$0x7FC]  }
0x168: {  	[hbm4b:s22+s4] =	stream.strided.scatter [tilespmem:s28], [sflag:$0x3], $0x800, s5, s4, $0x38;
	[tilespmem:$0x10200] =	vst v63  }
0x169: {  	s26 =	simm.s32 $0xE200;
	s0 =	simm.s32 $0x4A00;
	[smem:$0x7F7] =	sst s24  }
0x16a: {  	[hbm4b:s23+s4] =	stream.strided.scatter [tilespmem:s29], [sflag:$0x3], $0x800, s5, s4, $0x38;
	[tilespmem:$0x10200] =	vst v63  }
0x16b: {  	s20 =	simm.s32 $0x0;
	p1 =	sne.s32 s31, $0x1;
	[smem:$0x7F4] =	sst s19  }
0x16c: {  	[hbm4b:s24+s4] =	stream.strided.scatter [tilespmem:s26], [sflag:$0x3], $0x800, s5, s4, $0x38;
	[tilespmem:$0x10200] =	vst v63  }
0x16d: {  	s13 =	simm.s32 $0x200;
	s30 =	sadd.s32 $0x870, s9;
	s26 =	sadd.s32 $0x850, s9  }
0x16e: {  	[hbm4b:s26+s4] =	stream.strided.scatter [tilespmem:s21], [sflag:$0x3], $0x800, s5, s4, $0x38;
	[tilespmem:$0x10200] =	vst v63  }
0x16f: {  	s12 =	simm.s32 $0x2A00;
	[smem:$0x7FB] =	sst s30;
	s28 =	sadd.s32 $0x860, s9  }
0x170: {  	[hbm4b:s28+s4] =	stream.strided.scatter [tilespmem:s6], [sflag:$0x3], $0x800, s5, s4, $0x38;
	[tilespmem:$0x10200] =	vst v63  }
.Ltmp1:
0x171: {  	s14 =	simm.s32 $0x4200;
	[smem:$0x7FA] =	sst s28;
	(pc) =	sbr.rel @!p1 .LBB2_6-.Ltmp1, $4  }
0x172: {  	s15 =	simm.s32 $0x1;
	s29 =	simm.s32 $0xFA00;
	[smem:$0x7F8] =	sst s26  }
0x173: {  	[hbm4b:s30+s4] =	stream.strided.scatter [tilespmem:s29], [sflag:$0x3], $0x800, s5, s4, $0x38;
	[tilespmem:$0x10200] =	vst v63  }
0x174: {  	s18 =	simm.s32 $0x2200;
	s17 =	simm.s32 $0x100;
	_ =	swait.ge [sflag:s2], $0x8000  }
0x175: {  	s6 =	sadd.s32 $0xFFFFFFFF, s31;
	[sflag:s2] =	ssyncset.done $0x0;
	[smem:$0x7FD] =	sst s9  }
0x176: {  	s29 =	simm.s32 $0x8200  }
.LBB2_3:
0x177: {  	s9 =	rddreg [dreg:$0x5];
	[sflag:s2] =	ssyncadd.s32 $0xFFFF8000  }
0x178: {  	[tilespmem:s20], [sflag:$0x3] =	stream.linear.gather [hbm4b:s9+s20], $0x100, $0x38;
	[tilespmem:$0x10200] =	vst v63  }
0x179: {  	_ =	swait.ge [sflag:s2], $0x100  }
0x17a: {  	[sflag:s2] =	ssyncset.done $0x0  }
0x17b: {  	[sflag:s2] =	ssyncadd.s32 $0xFFFFFF00  }
0x17c: {  	s25 =	simm.s32 $0x0;
	s20 =	rddreg [dreg:$0x0]  }
0x17d: {  	[tilespmem:s13], [sflag:$0x1] =	stream.indirect.gather [hbm4b:s20+s17], $0x80, s25, s17, $0xb8;
	[tilespmem:$0x10200] =	vst v63  }
0x17e: {  	s26 =	rddreg [dreg:$0x6]  }
0x17f: {  	[tilespmem:s17], [sflag:$0x3] =	stream.linear.gather [hbm4b:s26+s25], $0x100, $0x38;
	[tilespmem:$0x10200] =	vst v63  }
0x180: {  	_ =	swait.ge [sflag:s2], $0x100  }
0x181: {  	[sflag:s2] =	ssyncset.done $0x0  }
0x182: {  	[sflag:s2] =	ssyncadd.s32 $0xFFFFFF00  }
0x183: {  	s17 =	simm.s32 $0x100;
	s21 =	rddreg [dreg:$0x1]  }
0x184: {  	[tilespmem:s8], [sflag:$0x2] =	stream.indirect.gather [hbm4b:s21+s17], $0x80, s17, s17, $0xb8;
	[tilespmem:$0x10200] =	vst v63  }
0x185: {  	_ =	swait.ge [sflag:s15], $0x8000  }
0x186: {  	[sflag:s15] =	ssyncset.done $0x0;
	s1 =	rddreg [dreg:$0x12]  }
0x187: {  	s28 =	rddreg [dreg:$0x13];
	[sflag:s15] =	ssyncadd.s32 $0xFFFF8000  }
0x188: {  	[hbm4b:s1+s4] =	stream.strided.scatter [tilespmem:s13], [sflag:$0x3], $0x800, s5, s4, $0x38;
	[tilespmem:$0x10200] =	vst v63  }
0x189: {  	s3 =	simm.s32 $0xA00;
	s31 =	rddreg [dreg:$0x14]  }
0x18a: {  	[hbm4b:s28+s4] =	stream.strided.scatter [tilespmem:s3], [sflag:$0x3], $0x800, s5, s4, $0x38;
	[tilespmem:$0x10200] =	vst v63  }
0x18b: {  	s30 =	simm.s32 $0x1200;
	s7 =	rddreg [dreg:$0x15]  }
0x18c: {  	[hbm4b:s31+s4] =	stream.strided.scatter [tilespmem:s30], [sflag:$0x3], $0x800, s5, s4, $0x38;
	[tilespmem:$0x10200] =	vst v63  }
0x18d: {  	s9 =	rddreg [dreg:$0x16];
	s1 =	simm.s32 $0x1A00  }
0x18e: {  	[hbm4b:s7+s4] =	stream.strided.scatter [tilespmem:s1], [sflag:$0x3], $0x800, s5, s4, $0x38;
	[tilespmem:$0x10200] =	vst v63  }
0x18f: {  	s11 =	rddreg [dreg:$0x17]  }
0x190: {  	[hbm4b:s9+s4] =	stream.strided.scatter [tilespmem:s18], [sflag:$0x3], $0x800, s5, s4, $0x38;
	[tilespmem:$0x10200] =	vst v63  }
0x191: {  	s23 =	rddreg [dreg:$0x19]  }
0x192: {  	[hbm4b:s11+s4] =	stream.strided.scatter [tilespmem:s12], [sflag:$0x3], $0x800, s5, s4, $0x38;
	[tilespmem:$0x10200] =	vst v63  }
0x193: {  	s13 =	simm.s32 $0x3200;
	s18 =	rddreg [dreg:$0x18]  }
0x194: {  	[hbm4b:s18+s4] =	stream.strided.scatter [tilespmem:s13], [sflag:$0x3], $0x800, s5, s4, $0x38;
	[tilespmem:$0x10200] =	vst v63  }
0x195: {  	s19 =	simm.s32 $0x3A00;
	s24 =	rddreg [dreg:$0x1a]  }
0x196: {  	[hbm4b:s23+s4] =	stream.strided.scatter [tilespmem:s19], [sflag:$0x3], $0x800, s5, s4, $0x38;
	[tilespmem:$0x10200] =	vst v63  }
0x197: {  	s26 =	rddreg [dreg:$0x1b]  }
0x198: {  	[hbm4b:s24+s4] =	stream.strided.scatter [tilespmem:s14], [sflag:$0x3], $0x800, s5, s4, $0x38;
	[tilespmem:$0x10200] =	vst v63  }
0x199: {  	s28 =	rddreg [dreg:$0x1c]  }
0x19a: {  	[hbm4b:s26+s4] =	stream.strided.scatter [tilespmem:s0], [sflag:$0x3], $0x800, s5, s4, $0x38;
	[tilespmem:$0x10200] =	vst v63  }
0x19b: {  	s31 =	rddreg [dreg:$0x1d]  }
0x19c: {  	[hbm4b:s28+s4] =	stream.strided.scatter [tilespmem:s10], [sflag:$0x3], $0x800, s5, s4, $0x38;
	[tilespmem:$0x10200] =	vst v63  }
0x19d: {  	s30 =	simm.s32 $0x5A00;
	s7 =	rddreg [dreg:$0x1e]  }
0x19e: {  	[hbm4b:s31+s4] =	stream.strided.scatter [tilespmem:s30], [sflag:$0x3], $0x800, s5, s4, $0x38;
	[tilespmem:$0x10200] =	vst v63  }
0x19f: {  	s3 =	simm.s32 $0x6200;
	s9 =	rddreg [dreg:$0x1f]  }
0x1a0: {  	[hbm4b:s7+s4] =	stream.strided.scatter [tilespmem:s3], [sflag:$0x3], $0x800, s5, s4, $0x38;
	[tilespmem:$0x10200] =	vst v63  }
0x1a1: {  	s11 =	sld [smem:$0x790];
	s7 =	simm.s32 $0x6A00  }
0x1a2: {  	[hbm4b:s9+s4] =	stream.strided.scatter [tilespmem:s7], [sflag:$0x3], $0x800, s5, s4, $0x38;
	[tilespmem:$0x10200] =	vst v63  }
0x1a3: {  	s19 =	sld [smem:$0x791];
	s10 =	simm.s32 $0x7200  }
0x1a4: {  	[hbm4b:s11+s4] =	stream.strided.scatter [tilespmem:s10], [sflag:$0x3], $0x800, s5, s4, $0x38;
	[tilespmem:$0x10200] =	vst v63  }
0x1a5: {  	s14 =	simm.s32 $0x7A00  }
0x1a6: {  	[hbm4b:s19+s4] =	stream.strided.scatter [tilespmem:s14], [sflag:$0x3], $0x800, s5, s4, $0x38;
	[tilespmem:$0x10200] =	vst v63  }
0x1a7: {  	_ =	swait.ge [sflag:s2], $0x8000  }
0x1a8: {  	[sflag:s2] =	ssyncset.done $0x0  }
0x1a9: {  	s23 =	rddreg [dreg:$0x7];
	[sflag:s2] =	ssyncadd.s32 $0xFFFF8000  }
0x1aa: {  	[tilespmem:s25], [sflag:$0x3] =	stream.linear.gather [hbm4b:s23+s25], $0x100, $0x38;
	[tilespmem:$0x10200] =	vst v63  }
0x1ab: {  	_ =	swait.ge [sflag:s2], $0x100  }
0x1ac: {  	[sflag:s2] =	ssyncset.done $0x0  }
0x1ad: {  	s16 =	simm.s32 $0x2;
	s18 =	simm.s32 $0x200;
	[sflag:s2] =	ssyncadd.s32 $0xFFFFFF00  }
0x1ae: {  	[tilespmem:s18], [sflag:$0x1] =	stream.indirect.gather [hbm4b:s20+s17], $0x80, s25, s17, $0xb8;
	[tilespmem:$0x10200] =	vst v63  }
0x1af: {  	_ =	swait.ge [sflag:s16], $0x8000  }
0x1b0: {  	[sflag:s16] =	ssyncset.done $0x0;
	s24 =	rddreg [dreg:$0x11]  }
0x1b1: {  	s26 =	sld [smem:$0x792];
	[sflag:s16] =	ssyncadd.s32 $0xFFFF8000  }
0x1b2: {  	[hbm4b:s24+s4] =	stream.strided.scatter [tilespmem:s29], [sflag:$0x3], $0x800, s5, s4, $0x38;
	[tilespmem:$0x10200] =	vst v63  }
0x1b3: {  	s28 =	simm.s32 $0x8A00;
	s30 =	sld [smem:$0x793]  }
0x1b4: {  	[hbm4b:s26+s4] =	stream.strided.scatter [tilespmem:s28], [sflag:$0x3], $0x800, s5, s4, $0x38;
	[tilespmem:$0x10200] =	vst v63  }
0x1b5: {  	s31 =	simm.s32 $0x9200;
	s3 =	sld [smem:$0x794]  }
0x1b6: {  	[hbm4b:s30+s4] =	stream.strided.scatter [tilespmem:s31], [sflag:$0x3], $0x800, s5, s4, $0x38;
	[tilespmem:$0x10200] =	vst v63  }
0x1b7: {  	s7 =	simm.s32 $0x9A00;
	s14 =	sld [smem:$0x795]  }
0x1b8: {  	[hbm4b:s3+s4] =	stream.strided.scatter [tilespmem:s7], [sflag:$0x3], $0x800, s5, s4, $0x38;
	[tilespmem:$0x10200] =	vst v63  }
0x1b9: {  	s19 =	simm.s32 $0xA200;
	s23 =	sld [smem:$0x796]  }
0x1ba: {  	[hbm4b:s14+s4] =	stream.strided.scatter [tilespmem:s19], [sflag:$0x3], $0x800, s5, s4, $0x38;
	[tilespmem:$0x10200] =	vst v63  }
0x1bb: {  	s24 =	simm.s32 $0xAA00;
	s26 =	sld [smem:$0x797]  }
0x1bc: {  	[hbm4b:s23+s4] =	stream.strided.scatter [tilespmem:s24], [sflag:$0x3], $0x800, s5, s4, $0x38;
	[tilespmem:$0x10200] =	vst v63  }
0x1bd: {  	s28 =	simm.s32 $0xB200;
	s30 =	sld [smem:$0x798]  }
0x1be: {  	[hbm4b:s26+s4] =	stream.strided.scatter [tilespmem:s28], [sflag:$0x3], $0x800, s5, s4, $0x38;
	[tilespmem:$0x10200] =	vst v63  }
0x1bf: {  	s0 =	sld [smem:$0x799];
	s31 =	simm.s32 $0xBA00  }
0x1c0: {  	[hbm4b:s30+s4] =	stream.strided.scatter [tilespmem:s31], [sflag:$0x3], $0x800, s5, s4, $0x38;
	[tilespmem:$0x10200] =	vst v63  }
0x1c1: {  	s3 =	simm.s32 $0xC200;
	s7 =	sld [smem:$0x79A]  }
0x1c2: {  	[hbm4b:s0+s4] =	stream.strided.scatter [tilespmem:s3], [sflag:$0x3], $0x800, s5, s4, $0x38;
	[tilespmem:$0x10200] =	vst v63  }
0x1c3: {  	s24 =	simm.s32 $0xCA00;
	s26 =	sld [smem:$0x79B]  }
0x1c4: {  	[hbm4b:s7+s4] =	stream.strided.scatter [tilespmem:s24], [sflag:$0x3], $0x800, s5, s4, $0x38;
	[tilespmem:$0x10200] =	vst v63  }
0x1c5: {  	s28 =	simm.s32 $0xD200;
	s30 =	sld [smem:$0x79C]  }
0x1c6: {  	[hbm4b:s26+s4] =	stream.strided.scatter [tilespmem:s28], [sflag:$0x3], $0x800, s5, s4, $0x38;
	[tilespmem:$0x10200] =	vst v63  }
0x1c7: {  	s31 =	simm.s32 $0xDA00;
	s0 =	sld [smem:$0x79D]  }
0x1c8: {  	[hbm4b:s30+s4] =	stream.strided.scatter [tilespmem:s31], [sflag:$0x3], $0x800, s5, s4, $0x38;
	[tilespmem:$0x10200] =	vst v63  }
0x1c9: {  	s3 =	simm.s32 $0xE200;
	s7 =	sld [smem:$0x79E]  }
0x1ca: {  	[hbm4b:s0+s4] =	stream.strided.scatter [tilespmem:s3], [sflag:$0x3], $0x800, s5, s4, $0x38;
	[tilespmem:$0x10200] =	vst v63  }
0x1cb: {  	s24 =	simm.s32 $0xEA00;
	s26 =	sld [smem:$0x79F]  }
0x1cc: {  	[hbm4b:s7+s4] =	stream.strided.scatter [tilespmem:s24], [sflag:$0x3], $0x800, s5, s4, $0x38;
	[tilespmem:$0x10200] =	vst v63  }
0x1cd: {  	s30 =	simm.s32 $0xF200;
	s0 =	sld [smem:$0x7A0]  }
0x1ce: {  	[hbm4b:s26+s4] =	stream.strided.scatter [tilespmem:s30], [sflag:$0x3], $0x800, s5, s4, $0x38;
	[tilespmem:$0x10200] =	vst v63  }
0x1cf: {  	s3 =	simm.s32 $0xFA00  }
0x1d0: {  	[hbm4b:s0+s4] =	stream.strided.scatter [tilespmem:s3], [sflag:$0x3], $0x800, s5, s4, $0x38;
	[tilespmem:$0x10200] =	vst v63  }
0x1d1: {  	_ =	swait.ge [sflag:s2], $0x8000  }
0x1d2: {  	[sflag:s2] =	ssyncset.done $0x0  }
0x1d3: {  	s7 =	rddreg [dreg:$0x8];
	[sflag:s2] =	ssyncadd.s32 $0xFFFF8000  }
0x1d4: {  	[tilespmem:s17], [sflag:$0x3] =	stream.linear.gather [hbm4b:s7+s25], $0x100, $0x38;
	[tilespmem:$0x10200] =	vst v63  }
0x1d5: {  	_ =	swait.ge [sflag:s2], $0x100  }
0x1d6: {  	[sflag:s2] =	ssyncset.done $0x0  }
0x1d7: {  	[sflag:s2] =	ssyncadd.s32 $0xFFFFFF00  }
0x1d8: {  	[tilespmem:s29], [sflag:$0x2] =	stream.indirect.gather [hbm4b:s21+s17], $0x80, s17, s17, $0xb8;
	[tilespmem:$0x10200] =	vst v63  }
0x1d9: {  	_ =	swait.ge [sflag:s15], $0x8000  }
0x1da: {  	[sflag:s15] =	ssyncset.done $0x0;
	s24 =	rddreg [dreg:$0x10]  }
0x1db: {  	s26 =	sld [smem:$0x7A1];
	[sflag:s15] =	ssyncadd.s32 $0xFFFF8000  }
0x1dc: {  	[hbm4b:s24+s4] =	stream.strided.scatter [tilespmem:s18], [sflag:$0x3], $0x800, s5, s4, $0x38;
	[tilespmem:$0x10200] =	vst v63  }
0x1dd: {  	s8 =	simm.s32 $0xA00;
	s0 =	sld [smem:$0x7A2]  }
0x1de: {  	[hbm4b:s26+s4] =	stream.strided.scatter [tilespmem:s8], [sflag:$0x3], $0x800, s5, s4, $0x38;
	[tilespmem:$0x10200] =	vst v63  }
0x1df: {  	s3 =	sld [smem:$0x7A3];
	s8 =	simm.s32 $0x1200  }
0x1e0: {  	[hbm4b:s0+s4] =	stream.strided.scatter [tilespmem:s8], [sflag:$0x3], $0x800, s5, s4, $0x38;
	[tilespmem:$0x10200] =	vst v63  }
0x1e1: {  	s7 =	sld [smem:$0x7A4];
	s0 =	simm.s32 $0x1A00  }
0x1e2: {  	[hbm4b:s3+s4] =	stream.strided.scatter [tilespmem:s0], [sflag:$0x3], $0x800, s5, s4, $0x38;
	[tilespmem:$0x10200] =	vst v63  }
0x1e3: {  	s18 =	simm.s32 $0x2200;
	s24 =	sld [smem:$0x7A5]  }
0x1e4: {  	[hbm4b:s7+s4] =	stream.strided.scatter [tilespmem:s18], [sflag:$0x3], $0x800, s5, s4, $0x38;
	[tilespmem:$0x10200] =	vst v63  }
0x1e5: {  	s26 =	simm.s32 $0x2A00;
	s3 =	sld [smem:$0x7A6]  }
0x1e6: {  	[hbm4b:s24+s4] =	stream.strided.scatter [tilespmem:s26], [sflag:$0x3], $0x800, s5, s4, $0x38;
	[tilespmem:$0x10200] =	vst v63  }
0x1e7: {  	s22 =	simm.s32 $0x3200;
	s7 =	sld [smem:$0x7A7]  }
0x1e8: {  	[hbm4b:s3+s4] =	stream.strided.scatter [tilespmem:s22], [sflag:$0x3], $0x800, s5, s4, $0x38;
	[tilespmem:$0x10200] =	vst v63  }
0x1e9: {  	s12 =	simm.s32 $0x3A00;
	s22 =	sld [smem:$0x7A8]  }
0x1ea: {  	[hbm4b:s7+s4] =	stream.strided.scatter [tilespmem:s12], [sflag:$0x3], $0x800, s5, s4, $0x38;
	[tilespmem:$0x10200] =	vst v63  }
0x1eb: {  	s13 =	simm.s32 $0x4200;
	s24 =	sld [smem:$0x7A9]  }
0x1ec: {  	[hbm4b:s22+s4] =	stream.strided.scatter [tilespmem:s13], [sflag:$0x3], $0x800, s5, s4, $0x38;
	[tilespmem:$0x10200] =	vst v63  }
0x1ed: {  	s26 =	simm.s32 $0x4A00;
	s3 =	sld [smem:$0x7AA]  }
0x1ee: {  	[hbm4b:s24+s4] =	stream.strided.scatter [tilespmem:s26], [sflag:$0x3], $0x800, s5, s4, $0x38;
	[tilespmem:$0x10200] =	vst v63  }
0x1ef: {  	s7 =	simm.s32 $0x5200;
	s12 =	sld [smem:$0x7AB]  }
0x1f0: {  	[hbm4b:s3+s4] =	stream.strided.scatter [tilespmem:s7], [sflag:$0x3], $0x800, s5, s4, $0x38;
	[tilespmem:$0x10200] =	vst v63  }
0x1f1: {  	s1 =	simm.s32 $0x5A00;
	s22 =	sld [smem:$0x7AC]  }
0x1f2: {  	[hbm4b:s12+s4] =	stream.strided.scatter [tilespmem:s1], [sflag:$0x3], $0x800, s5, s4, $0x38;
	[tilespmem:$0x10200] =	vst v63  }
0x1f3: {  	s24 =	sld [smem:$0x7AD];
	s7 =	simm.s32 $0x6200  }
0x1f4: {  	[hbm4b:s22+s4] =	stream.strided.scatter [tilespmem:s7], [sflag:$0x3], $0x800, s5, s4, $0x38;
	[tilespmem:$0x10200] =	vst v63  }
0x1f5: {  	s26 =	sld [smem:$0x7AE];
	s3 =	simm.s32 $0x6A00  }
0x1f6: {  	[hbm4b:s24+s4] =	stream.strided.scatter [tilespmem:s3], [sflag:$0x3], $0x800, s5, s4, $0x38;
	[tilespmem:$0x10200] =	vst v63  }
0x1f7: {  	s1 =	simm.s32 $0x7200;
	s12 =	sld [smem:$0x7AF]  }
0x1f8: {  	[hbm4b:s26+s4] =	stream.strided.scatter [tilespmem:s1], [sflag:$0x3], $0x800, s5, s4, $0x38;
	[tilespmem:$0x10200] =	vst v63  }
0x1f9: {  	s11 =	simm.s32 $0x7A00  }
0x1fa: {  	[hbm4b:s12+s4] =	stream.strided.scatter [tilespmem:s11], [sflag:$0x3], $0x800, s5, s4, $0x38;
	[tilespmem:$0x10200] =	vst v63  }
0x1fb: {  	_ =	swait.ge [sflag:s2], $0x8000  }
0x1fc: {  	[sflag:s2] =	ssyncset.done $0x0  }
0x1fd: {  	s22 =	rddreg [dreg:$0x9];
	[sflag:s2] =	ssyncadd.s32 $0xFFFF8000  }
0x1fe: {  	[tilespmem:s25], [sflag:$0x3] =	stream.linear.gather [hbm4b:s22+s25], $0x100, $0x38;
	[tilespmem:$0x10200] =	vst v63  }
0x1ff: {  	_ =	swait.ge [sflag:s2], $0x100  }
0x200: {  	[sflag:s2] =	ssyncset.done $0x0  }
0x201: {  	s13 =	simm.s32 $0x200;
	[sflag:s2] =	ssyncadd.s32 $0xFFFFFF00  }
0x202: {  	[tilespmem:s13], [sflag:$0x1] =	stream.indirect.gather [hbm4b:s20+s17], $0x80, s25, s17, $0xb8;
	[tilespmem:$0x10200] =	vst v63  }
0x203: {  	_ =	swait.ge [sflag:s16], $0x8000  }
0x204: {  	[sflag:s16] =	ssyncset.done $0x0;
	s24 =	rddreg [dreg:$0xf]  }
0x205: {  	s26 =	sld [smem:$0x7B0];
	[sflag:s16] =	ssyncadd.s32 $0xFFFF8000  }
0x206: {  	[hbm4b:s24+s4] =	stream.strided.scatter [tilespmem:s29], [sflag:$0x3], $0x800, s5, s4, $0x38;
	[tilespmem:$0x10200] =	vst v63  }
0x207: {  	s10 =	simm.s32 $0x8A00;
	s11 =	sld [smem:$0x7B1]  }
0x208: {  	[hbm4b:s26+s4] =	stream.strided.scatter [tilespmem:s10], [sflag:$0x3], $0x800, s5, s4, $0x38;
	[tilespmem:$0x10200] =	vst v63  }
0x209: {  	s12 =	sld [smem:$0x7B2];
	s24 =	simm.s32 $0x9200  }
0x20a: {  	[hbm4b:s11+s4] =	stream.strided.scatter [tilespmem:s24], [sflag:$0x3], $0x800, s5, s4, $0x38;
	[tilespmem:$0x10200] =	vst v63  }
0x20b: {  	s16 =	sld [smem:$0x7B3];
	s11 =	simm.s32 $0x9A00  }
0x20c: {  	[hbm4b:s12+s4] =	stream.strided.scatter [tilespmem:s11], [sflag:$0x3], $0x800, s5, s4, $0x38;
	[tilespmem:$0x10200] =	vst v63  }
0x20d: {  	s22 =	sld [smem:$0x7B4];
	s26 =	simm.s32 $0xA200  }
0x20e: {  	[hbm4b:s16+s4] =	stream.strided.scatter [tilespmem:s26], [sflag:$0x3], $0x800, s5, s4, $0x38;
	[tilespmem:$0x10200] =	vst v63  }
0x20f: {  	s10 =	simm.s32 $0xAA00;
	s12 =	sld [smem:$0x7B5]  }
0x210: {  	[hbm4b:s22+s4] =	stream.strided.scatter [tilespmem:s10], [sflag:$0x3], $0x800, s5, s4, $0x38;
	[tilespmem:$0x10200] =	vst v63  }
0x211: {  	s23 =	simm.s32 $0xB200;
	s16 =	sld [smem:$0x7B6]  }
0x212: {  	[hbm4b:s12+s4] =	stream.strided.scatter [tilespmem:s23], [sflag:$0x3], $0x800, s5, s4, $0x38;
	[tilespmem:$0x10200] =	vst v63  }
0x213: {  	s19 =	simm.s32 $0xBA00;
	s22 =	sld [smem:$0x7B7]  }
0x214: {  	[hbm4b:s16+s4] =	stream.strided.scatter [tilespmem:s19], [sflag:$0x3], $0x800, s5, s4, $0x38;
	[tilespmem:$0x10200] =	vst v63  }
0x215: {  	s14 =	simm.s32 $0xC200;
	s23 =	sld [smem:$0x7B8]  }
0x216: {  	[hbm4b:s22+s4] =	stream.strided.scatter [tilespmem:s14], [sflag:$0x3], $0x800, s5, s4, $0x38;
	[tilespmem:$0x10200] =	vst v63  }
0x217: {  	s12 =	sld [smem:$0x7B9];
	s22 =	simm.s32 $0xCA00  }
0x218: {  	[hbm4b:s23+s4] =	stream.strided.scatter [tilespmem:s22], [sflag:$0x3], $0x800, s5, s4, $0x38;
	[tilespmem:$0x10200] =	vst v63  }
0x219: {  	s28 =	simm.s32 $0xD200;
	s14 =	sld [smem:$0x7BA]  }
0x21a: {  	[hbm4b:s12+s4] =	stream.strided.scatter [tilespmem:s28], [sflag:$0x3], $0x800, s5, s4, $0x38;
	[tilespmem:$0x10200] =	vst v63  }
0x21b: {  	s16 =	sld [smem:$0x7BB];
	s23 =	simm.s32 $0xDA00  }
0x21c: {  	[hbm4b:s14+s4] =	stream.strided.scatter [tilespmem:s23], [sflag:$0x3], $0x800, s5, s4, $0x38;
	[tilespmem:$0x10200] =	vst v63  }
0x21d: {  	s19 =	simm.s32 $0xE200;
	s28 =	sld [smem:$0x7BC]  }
0x21e: {  	[hbm4b:s16+s4] =	stream.strided.scatter [tilespmem:s19], [sflag:$0x3], $0x800, s5, s4, $0x38;
	[tilespmem:$0x10200] =	vst v63  }
0x21f: {  	s31 =	simm.s32 $0xEA00;
	s12 =	sld [smem:$0x7BD]  }
0x220: {  	[hbm4b:s28+s4] =	stream.strided.scatter [tilespmem:s31], [sflag:$0x3], $0x800, s5, s4, $0x38;
	[tilespmem:$0x10200] =	vst v63  }
0x221: {  	s30 =	simm.s32 $0xF200;
	s14 =	sld [smem:$0x7BE]  }
0x222: {  	[hbm4b:s12+s4] =	stream.strided.scatter [tilespmem:s30], [sflag:$0x3], $0x800, s5, s4, $0x38;
	[tilespmem:$0x10200] =	vst v63  }
0x223: {  	s28 =	simm.s32 $0xFA00  }
0x224: {  	[hbm4b:s14+s4] =	stream.strided.scatter [tilespmem:s28], [sflag:$0x3], $0x800, s5, s4, $0x38;
	[tilespmem:$0x10200] =	vst v63  }
0x225: {  	_ =	swait.ge [sflag:s2], $0x8000  }
0x226: {  	[sflag:s2] =	ssyncset.done $0x0  }
0x227: {  	s16 =	rddreg [dreg:$0xa];
	[sflag:s2] =	ssyncadd.s32 $0xFFFF8000  }
0x228: {  	[tilespmem:s17], [sflag:$0x3] =	stream.linear.gather [hbm4b:s16+s25], $0x100, $0x38;
	[tilespmem:$0x10200] =	vst v63  }
0x229: {  	_ =	swait.ge [sflag:s2], $0x100  }
0x22a: {  	[sflag:s2] =	ssyncset.done $0x0  }
0x22b: {  	[sflag:s2] =	ssyncadd.s32 $0xFFFFFF00  }
0x22c: {  	[tilespmem:s29], [sflag:$0x2] =	stream.indirect.gather [hbm4b:s21+s17], $0x80, s17, s17, $0xb8;
	[tilespmem:$0x10200] =	vst v63  }
0x22d: {  	_ =	swait.ge [sflag:s15], $0x8000  }
0x22e: {  	[sflag:s15] =	ssyncset.done $0x0;
	s21 =	rddreg [dreg:$0xe]  }
0x22f: {  	s30 =	sld [smem:$0x7BF];
	[sflag:s15] =	ssyncadd.s32 $0xFFFF8000  }
0x230: {  	[hbm4b:s21+s4] =	stream.strided.scatter [tilespmem:s13], [sflag:$0x3], $0x800, s5, s4, $0x38;
	[tilespmem:$0x10200] =	vst v63  }
0x231: {  	s31 =	simm.s32 $0xA00;
	s14 =	sld [smem:$0x7C0]  }
0x232: {  	[hbm4b:s30+s4] =	stream.strided.scatter [tilespmem:s31], [sflag:$0x3], $0x800, s5, s4, $0x38;
	[tilespmem:$0x10200] =	vst v63  }
0x233: {  	s16 =	sld [smem:$0x7C1]  }
0x234: {  	[hbm4b:s14+s4] =	stream.strided.scatter [tilespmem:s8], [sflag:$0x3], $0x800, s5, s4, $0x38;
	[tilespmem:$0x10200] =	vst v63  }
0x235: {  	s21 =	sld [smem:$0x7C2]  }
0x236: {  	[hbm4b:s16+s4] =	stream.strided.scatter [tilespmem:s0], [sflag:$0x3], $0x800, s5, s4, $0x38;
	[tilespmem:$0x10200] =	vst v63  }
0x237: {  	s30 =	sld [smem:$0x7C3]  }
0x238: {  	[hbm4b:s21+s4] =	stream.strided.scatter [tilespmem:s18], [sflag:$0x3], $0x800, s5, s4, $0x38;
	[tilespmem:$0x10200] =	vst v63  }
0x239: {  	s12 =	sld [smem:$0x7C4];
	s31 =	simm.s32 $0x2A00  }
0x23a: {  	[hbm4b:s30+s4] =	stream.strided.scatter [tilespmem:s31], [sflag:$0x3], $0x800, s5, s4, $0x38;
	[tilespmem:$0x10200] =	vst v63  }
0x23b: {  	s16 =	simm.s32 $0x3200;
	s21 =	sld [smem:$0x7C5]  }
0x23c: {  	[hbm4b:s12+s4] =	stream.strided.scatter [tilespmem:s16], [sflag:$0x3], $0x800, s5, s4, $0x38;
	[tilespmem:$0x10200] =	vst v63  }
0x23d: {  	s30 =	simm.s32 $0x3A00;
	s31 =	sld [smem:$0x7C6]  }
0x23e: {  	[hbm4b:s21+s4] =	stream.strided.scatter [tilespmem:s30], [sflag:$0x3], $0x800, s5, s4, $0x38;
	[tilespmem:$0x10200] =	vst v63  }
0x23f: {  	s14 =	simm.s32 $0x4200;
	s0 =	sld [smem:$0x7C7]  }
0x240: {  	[hbm4b:s31+s4] =	stream.strided.scatter [tilespmem:s14], [sflag:$0x3], $0x800, s5, s4, $0x38;
	[tilespmem:$0x10200] =	vst v63  }
0x241: {  	s12 =	simm.s32 $0x4A00;
	s16 =	sld [smem:$0x7C8]  }
0x242: {  	[hbm4b:s0+s4] =	stream.strided.scatter [tilespmem:s12], [sflag:$0x3], $0x800, s5, s4, $0x38;
	[tilespmem:$0x10200] =	vst v63  }
0x243: {  	s21 =	simm.s32 $0x5200;
	s30 =	sld [smem:$0x7C9]  }
0x244: {  	[hbm4b:s16+s4] =	stream.strided.scatter [tilespmem:s21], [sflag:$0x3], $0x800, s5, s4, $0x38;
	[tilespmem:$0x10200] =	vst v63  }
0x245: {  	s31 =	simm.s32 $0x5A00;
	s21 =	sld [smem:$0x7CA]  }
0x246: {  	[hbm4b:s30+s4] =	stream.strided.scatter [tilespmem:s31], [sflag:$0x3], $0x800, s5, s4, $0x38;
	[tilespmem:$0x10200] =	vst v63  }
0x247: {  	s30 =	sld [smem:$0x7CB]  }
0x248: {  	[hbm4b:s21+s4] =	stream.strided.scatter [tilespmem:s7], [sflag:$0x3], $0x800, s5, s4, $0x38;
	[tilespmem:$0x10200] =	vst v63  }
0x249: {  	s31 =	sld [smem:$0x7CC]  }
0x24a: {  	[hbm4b:s30+s4] =	stream.strided.scatter [tilespmem:s3], [sflag:$0x3], $0x800, s5, s4, $0x38;
	[tilespmem:$0x10200] =	vst v63  }
0x24b: {  	s3 =	sld [smem:$0x7CD]  }
0x24c: {  	[hbm4b:s31+s4] =	stream.strided.scatter [tilespmem:s1], [sflag:$0x3], $0x800, s5, s4, $0x38;
	[tilespmem:$0x10200] =	vst v63  }
0x24d: {  	s16 =	simm.s32 $0x7A00  }
0x24e: {  	[hbm4b:s3+s4] =	stream.strided.scatter [tilespmem:s16], [sflag:$0x3], $0x800, s5, s4, $0x38;
	[tilespmem:$0x10200] =	vst v63  }
0x24f: {  	_ =	swait.ge [sflag:s2], $0x8000  }
0x250: {  	[sflag:s2] =	ssyncset.done $0x0  }
0x251: {  	s7 =	rddreg [dreg:$0xb];
	[sflag:s2] =	ssyncadd.s32 $0xFFFF8000  }
0x252: {  	[tilespmem:s25], [sflag:$0x3] =	stream.linear.gather [hbm4b:s7+s25], $0x100, $0x38;
	[tilespmem:$0x10200] =	vst v63  }
0x253: {  	_ =	swait.ge [sflag:s2], $0x100  }
0x254: {  	[sflag:s2] =	ssyncset.done $0x0  }
0x255: {  	[sflag:s2] =	ssyncadd.s32 $0xFFFFFF00  }
0x256: {  	[tilespmem:s13], [sflag:$0x1] =	stream.indirect.gather [hbm4b:s20+s17], $0x80, s25, s17, $0xb8;
	[tilespmem:$0x10200] =	vst v63  }
0x257: {  	s25 =	simm.s32 $0x2  }
0x258: {  	_ =	swait.ge [sflag:s25], $0x8000  }
0x259: {  	[sflag:s25] =	ssyncset.done $0x0;
	s21 =	rddreg [dreg:$0xd]  }
0x25a: {  	s30 =	sld [smem:$0x7CE];
	[sflag:s25] =	ssyncadd.s32 $0xFFFF8000  }
0x25b: {  	[hbm4b:s21+s4] =	stream.strided.scatter [tilespmem:s29], [sflag:$0x3], $0x800, s5, s4, $0x38;
	[tilespmem:$0x10200] =	vst v63  }
0x25c: {  	s31 =	simm.s32 $0x8A00;
	s3 =	sld [smem:$0x7CF]  }
0x25d: {  	[hbm4b:s30+s4] =	stream.strided.scatter [tilespmem:s31], [sflag:$0x3], $0x800, s5, s4, $0x38;
	[tilespmem:$0x10200] =	vst v63  }
0x25e: {  	s7 =	sld [smem:$0x7D0]  }
0x25f: {  	[hbm4b:s3+s4] =	stream.strided.scatter [tilespmem:s24], [sflag:$0x3], $0x800, s5, s4, $0x38;
	[tilespmem:$0x10200] =	vst v63  }
0x260: {  	s21 =	sld [smem:$0x7D1]  }
0x261: {  	[hbm4b:s7+s4] =	stream.strided.scatter [tilespmem:s11], [sflag:$0x3], $0x800, s5, s4, $0x38;
	[tilespmem:$0x10200] =	vst v63  }
0x262: {  	s31 =	sld [smem:$0x7D2]  }
0x263: {  	[hbm4b:s21+s4] =	stream.strided.scatter [tilespmem:s26], [sflag:$0x3], $0x800, s5, s4, $0x38;
	[tilespmem:$0x10200] =	vst v63  }
0x264: {  	s1 =	sld [smem:$0x7D3]  }
0x265: {  	[hbm4b:s31+s4] =	stream.strided.scatter [tilespmem:s10], [sflag:$0x3], $0x800, s5, s4, $0x38;
	[tilespmem:$0x10200] =	vst v63  }
0x266: {  	s11 =	sld [smem:$0x7D4];
	s10 =	simm.s32 $0xB200  }
0x267: {  	[hbm4b:s1+s4] =	stream.strided.scatter [tilespmem:s10], [sflag:$0x3], $0x800, s5, s4, $0x38;
	[tilespmem:$0x10200] =	vst v63  }
0x268: {  	s21 =	simm.s32 $0xBA00;
	s10 =	sld [smem:$0x7D5]  }
0x269: {  	[hbm4b:s11+s4] =	stream.strided.scatter [tilespmem:s21], [sflag:$0x3], $0x800, s5, s4, $0x38;
	[tilespmem:$0x10200] =	vst v63  }
0x26a: {  	s11 =	simm.s32 $0xC200;
	s21 =	sld [smem:$0x7D6]  }
0x26b: {  	[hbm4b:s10+s4] =	stream.strided.scatter [tilespmem:s11], [sflag:$0x3], $0x800, s5, s4, $0x38;
	[tilespmem:$0x10200] =	vst v63  }
0x26c: {  	s1 =	sld [smem:$0x7D7]  }
0x26d: {  	[hbm4b:s21+s4] =	stream.strided.scatter [tilespmem:s22], [sflag:$0x3], $0x800, s5, s4, $0x38;
	[tilespmem:$0x10200] =	vst v63  }
0x26e: {  	s10 =	simm.s32 $0xD200;
	s11 =	sld [smem:$0x7D8]  }
0x26f: {  	[hbm4b:s1+s4] =	stream.strided.scatter [tilespmem:s10], [sflag:$0x3], $0x800, s5, s4, $0x38;
	[tilespmem:$0x10200] =	vst v63  }
0x270: {  	s21 =	sld [smem:$0x7D9]  }
0x271: {  	[hbm4b:s11+s4] =	stream.strided.scatter [tilespmem:s23], [sflag:$0x3], $0x800, s5, s4, $0x38;
	[tilespmem:$0x10200] =	vst v63  }
0x272: {  	s1 =	sld [smem:$0x7DA]  }
0x273: {  	[hbm4b:s21+s4] =	stream.strided.scatter [tilespmem:s19], [sflag:$0x3], $0x800, s5, s4, $0x38;
	[tilespmem:$0x10200] =	vst v63  }
0x274: {  	s10 =	simm.s32 $0xEA00;
	s11 =	sld [smem:$0x7DB]  }
0x275: {  	[hbm4b:s1+s4] =	stream.strided.scatter [tilespmem:s10], [sflag:$0x3], $0x800, s5, s4, $0x38;
	[tilespmem:$0x10200] =	vst v63  }
0x276: {  	s21 =	simm.s32 $0xF200;
	s1 =	sld [smem:$0x7DC]  }
0x277: {  	[hbm4b:s11+s4] =	stream.strided.scatter [tilespmem:s21], [sflag:$0x3], $0x800, s5, s4, $0x38;
	[tilespmem:$0x10200] =	vst v63  }
0x278: {  	_ = 	snop  }
0x279: {  	[hbm4b:s1+s4] =	stream.strided.scatter [tilespmem:s28], [sflag:$0x3], $0x800, s5, s4, $0x38;
	[tilespmem:$0x10200] =	vst v63  }
0x27a: {  	_ =	swait.ge [sflag:s2], $0x8000  }
0x27b: {  	[sflag:s2] =	ssyncset.done $0x0  }
0x27c: {  	s20 =	simm.s32 $0x0;
	s10 =	rddreg [dreg:$0xc];
	[sflag:s2] =	ssyncadd.s32 $0xFFFF8000  }
0x27d: {  	[tilespmem:s17], [sflag:$0x3] =	stream.linear.gather [hbm4b:s10+s20], $0x100, $0x38;
	[tilespmem:$0x10200] =	vst v63  }
0x27e: {  	s9 =	sld [smem:$0x7FD];
	_ =	swait.ge [sflag:s2], $0x100  }
0x27f: {  	[sflag:s2] =	ssyncset.done $0x0  }
0x280: {  	[sflag:s2] =	ssyncadd.s32 $0xFFFFFF00  }
0x281: {  	s11 =	rddreg [dreg:$0x1]  }
0x282: {  	[tilespmem:s29], [sflag:$0x2] =	stream.indirect.gather [hbm4b:s11+s17], $0x80, s17, s17, $0xb8;
	[tilespmem:$0x10200] =	vst v63  }
0x283: {  	_ =	swait.ge [sflag:s15], $0x8000  }
0x284: {  	s28 =	sld [smem:$0x7F9]  }
0x285: {  	[sflag:s15] =	ssyncset.done $0x0  }
0x286: {  	s1 =	sld [smem:$0x7DD];
	[sflag:s15] =	ssyncadd.s32 $0xFFFF8000  }
0x287: {  	[hbm4b:s28+s4] =	stream.strided.scatter [tilespmem:s13], [sflag:$0x3], $0x800, s5, s4, $0x38;
	[tilespmem:$0x10200] =	vst v63  }
0x288: {  	s28 =	simm.s32 $0xA00  }
0x289: {  	[hbm4b:s1+s4] =	stream.strided.scatter [tilespmem:s28], [sflag:$0x3], $0x800, s5, s4, $0x38;
	[tilespmem:$0x10200] =	vst v63  }
0x28a: {  	s1 =	sld [smem:$0x7DE];
	_ =	sdelay $0x1  }
0x28b: {  	s28 =	simm.s32 $0x1200  }
0x28c: {  	[hbm4b:s1+s4] =	stream.strided.scatter [tilespmem:s28], [sflag:$0x3], $0x800, s5, s4, $0x38;
	[tilespmem:$0x10200] =	vst v63  }
0x28d: {  	s1 =	sld [smem:$0x7DF];
	_ =	sdelay $0x1  }
0x28e: {  	s8 =	simm.s32 $0x1A00;
	s28 =	sld [smem:$0x7E0]  }
0x28f: {  	[hbm4b:s1+s4] =	stream.strided.scatter [tilespmem:s8], [sflag:$0x3], $0x800, s5, s4, $0x38;
	[tilespmem:$0x10200] =	vst v63  }
0x290: {  	s1 =	sld [smem:$0x7E1]  }
0x291: {  	[hbm4b:s28+s4] =	stream.strided.scatter [tilespmem:s18], [sflag:$0x3], $0x800, s5, s4, $0x38;
	[tilespmem:$0x10200] =	vst v63  }
0x292: {  	s12 =	simm.s32 $0x2A00;
	s8 =	sld [smem:$0x7E2]  }
0x293: {  	[hbm4b:s1+s4] =	stream.strided.scatter [tilespmem:s12], [sflag:$0x3], $0x800, s5, s4, $0x38;
	[tilespmem:$0x10200] =	vst v63  }
0x294: {  	s28 =	simm.s32 $0x3200  }
0x295: {  	[hbm4b:s8+s4] =	stream.strided.scatter [tilespmem:s28], [sflag:$0x3], $0x800, s5, s4, $0x38;
	[tilespmem:$0x10200] =	vst v63  }
0x296: {  	s8 =	sld [smem:$0x7E3];
	_ =	sdelay $0x1  }
0x297: {  	s28 =	simm.s32 $0x3A00  }
0x298: {  	[hbm4b:s8+s4] =	stream.strided.scatter [tilespmem:s28], [sflag:$0x3], $0x800, s5, s4, $0x38;
	[tilespmem:$0x10200] =	vst v63  }
0x299: {  	s8 =	sld [smem:$0x7E4];
	_ =	sdelay $0x1  }
0x29a: {  	s28 =	sld [smem:$0x7E5]  }
0x29b: {  	[hbm4b:s8+s4] =	stream.strided.scatter [tilespmem:s14], [sflag:$0x3], $0x800, s5, s4, $0x38;
	[tilespmem:$0x10200] =	vst v63  }
0x29c: {  	s0 =	simm.s32 $0x4A00;
	s1 =	sld [smem:$0x7E6]  }
0x29d: {  	[hbm4b:s28+s4] =	stream.strided.scatter [tilespmem:s0], [sflag:$0x3], $0x800, s5, s4, $0x38;
	[tilespmem:$0x10200] =	vst v63  }
0x29e: {  	s10 =	simm.s32 $0x5200;
	s8 =	sld [smem:$0x7E7]  }
0x29f: {  	[hbm4b:s1+s4] =	stream.strided.scatter [tilespmem:s10], [sflag:$0x3], $0x800, s5, s4, $0x38;
	[tilespmem:$0x10200] =	vst v63  }
0x2a0: {  	s28 =	simm.s32 $0x5A00;
	s1 =	sld [smem:$0x7E8]  }
0x2a1: {  	[hbm4b:s8+s4] =	stream.strided.scatter [tilespmem:s28], [sflag:$0x3], $0x800, s5, s4, $0x38;
	[tilespmem:$0x10200] =	vst v63  }
0x2a2: {  	s11 =	sld [smem:$0x7E9];
	s28 =	simm.s32 $0x6200  }
0x2a3: {  	[hbm4b:s1+s4] =	stream.strided.scatter [tilespmem:s28], [sflag:$0x3], $0x800, s5, s4, $0x38;
	[tilespmem:$0x10200] =	vst v63  }
0x2a4: {  	s28 =	simm.s32 $0x6A00  }
0x2a5: {  	[hbm4b:s11+s4] =	stream.strided.scatter [tilespmem:s28], [sflag:$0x3], $0x800, s5, s4, $0x38;
	[tilespmem:$0x10200] =	vst v63  }
0x2a6: {  	s11 =	sld [smem:$0x7EA];
	_ =	sdelay $0x1  }
0x2a7: {  	s28 =	simm.s32 $0x7200  }
0x2a8: {  	[hbm4b:s11+s4] =	stream.strided.scatter [tilespmem:s28], [sflag:$0x3], $0x800, s5, s4, $0x38;
	[tilespmem:$0x10200] =	vst v63  }
0x2a9: {  	s11 =	sld [smem:$0x7EB];
	_ =	sdelay $0x2  }
0x2aa: {  	[hbm4b:s11+s4] =	stream.strided.scatter [tilespmem:s16], [sflag:$0x3], $0x800, s5, s4, $0x38;
	[tilespmem:$0x10200] =	vst v63  }
0x2ab: {  	_ =	swait.ge [sflag:s2], $0x8000  }
0x2ac: {  	[sflag:s2] =	ssyncset.done $0x0  }
0x2ad: {  	[sflag:s2] =	ssyncadd.s32 $0xFFFF8000  }
0x2ae: {  	_ =	swait.ge [sflag:s25], $0x8000  }
0x2af: {  	[sflag:s25] =	ssyncset.done $0x0  }
0x2b0: {  	s8 =	simm.s32 $0x8200;
	s16 =	sld [smem:$0x7EC];
	[sflag:s25] =	ssyncadd.s32 $0xFFFF8000  }
0x2b1: {  	[hbm4b:s9+s4] =	stream.strided.scatter [tilespmem:s8], [sflag:$0x3], $0x800, s5, s4, $0x38;
	[tilespmem:$0x10200] =	vst v63  }
0x2b2: {  	s30 =	simm.s32 $0x8A00;
	s28 =	sld [smem:$0x7ED]  }
0x2b3: {  	[hbm4b:s16+s4] =	stream.strided.scatter [tilespmem:s30], [sflag:$0x3], $0x800, s5, s4, $0x38;
	[tilespmem:$0x10200] =	vst v63  }
0x2b4: {  	s24 =	simm.s32 $0x9200;
	s30 =	sld [smem:$0x7EE]  }
0x2b5: {  	[hbm4b:s28+s4] =	stream.strided.scatter [tilespmem:s24], [sflag:$0x3], $0x800, s5, s4, $0x38;
	[tilespmem:$0x10200] =	vst v63  }
0x2b6: {  	s3 =	simm.s32 $0x9A00;
	s11 =	sld [smem:$0x7EF]  }
0x2b7: {  	[hbm4b:s30+s4] =	stream.strided.scatter [tilespmem:s3], [sflag:$0x3], $0x800, s5, s4, $0x38;
	[tilespmem:$0x10200] =	vst v63  }
0x2b8: {  	s26 =	simm.s32 $0xA200;
	s16 =	sld [smem:$0x7F0]  }
0x2b9: {  	[hbm4b:s11+s4] =	stream.strided.scatter [tilespmem:s26], [sflag:$0x3], $0x800, s5, s4, $0x38;
	[tilespmem:$0x10200] =	vst v63  }
0x2ba: {  	s7 =	simm.s32 $0xAA00;
	s24 =	sld [smem:$0x7F1]  }
0x2bb: {  	[hbm4b:s16+s4] =	stream.strided.scatter [tilespmem:s7], [sflag:$0x3], $0x800, s5, s4, $0x38;
	[tilespmem:$0x10200] =	vst v63  }
0x2bc: {  	s31 =	simm.s32 $0xB200;
	s26 =	sld [smem:$0x7F2]  }
0x2bd: {  	[hbm4b:s24+s4] =	stream.strided.scatter [tilespmem:s31], [sflag:$0x3], $0x800, s5, s4, $0x38;
	[tilespmem:$0x10200] =	vst v63  }
0x2be: {  	s28 =	simm.s32 $0xBA00;
	s30 =	sld [smem:$0x7F3]  }
0x2bf: {  	[hbm4b:s26+s4] =	stream.strided.scatter [tilespmem:s28], [sflag:$0x3], $0x800, s5, s4, $0x38;
	[tilespmem:$0x10200] =	vst v63  }
0x2c0: {  	s7 =	sld [smem:$0x7F4];
	s31 =	simm.s32 $0xC200  }
0x2c1: {  	[hbm4b:s30+s4] =	stream.strided.scatter [tilespmem:s31], [sflag:$0x3], $0x800, s5, s4, $0x38;
	[tilespmem:$0x10200] =	vst v63  }
0x2c2: {  	s22 =	simm.s32 $0xCA00;
	s11 =	sld [smem:$0x7F5]  }
0x2c3: {  	[hbm4b:s7+s4] =	stream.strided.scatter [tilespmem:s22], [sflag:$0x3], $0x800, s5, s4, $0x38;
	[tilespmem:$0x10200] =	vst v63  }
0x2c4: {  	s16 =	simm.s32 $0xD200;
	s22 =	sld [smem:$0x7F6]  }
0x2c5: {  	[hbm4b:s11+s4] =	stream.strided.scatter [tilespmem:s16], [sflag:$0x3], $0x800, s5, s4, $0x38;
	[tilespmem:$0x10200] =	vst v63  }
0x2c6: {  	s23 =	simm.s32 $0xDA00  }
0x2c7: {  	[hbm4b:s22+s4] =	stream.strided.scatter [tilespmem:s23], [sflag:$0x3], $0x800, s5, s4, $0x38;
	[tilespmem:$0x10200] =	vst v63  }
0x2c8: {  	s23 =	sld [smem:$0x7F7];
	_ =	sdelay $0x1  }
0x2c9: {  	s19 =	simm.s32 $0xE200;
	s24 =	sld [smem:$0x7F8]  }
0x2ca: {  	[hbm4b:s23+s4] =	stream.strided.scatter [tilespmem:s19], [sflag:$0x3], $0x800, s5, s4, $0x38;
	[tilespmem:$0x10200] =	vst v63  }
0x2cb: {  	s26 =	simm.s32 $0xEA00;
	s28 =	sld [smem:$0x7FA]  }
0x2cc: {  	[hbm4b:s24+s4] =	stream.strided.scatter [tilespmem:s26], [sflag:$0x3], $0x800, s5, s4, $0x38;
	[tilespmem:$0x10200] =	vst v63  }
0x2cd: {  	p1 =	sne.s32 s6, $0x1;
	s30 =	simm.s32 $0xF200;
	s31 =	sld [smem:$0x7FB]  }
0x2ce: {  	[hbm4b:s28+s4] =	stream.strided.scatter [tilespmem:s30], [sflag:$0x3], $0x800, s5, s4, $0x38;
	[tilespmem:$0x10200] =	vst v63  }
.Ltmp2:
0x2cf: {  	_ = 	snop;
	(pc) =	sbr.rel @p1 .LBB2_3-.Ltmp2, $4  }
0x2d0: {  	s21 =	simm.s32 $0xFA00  }
0x2d1: {  	[hbm4b:s31+s4] =	stream.strided.scatter [tilespmem:s21], [sflag:$0x3], $0x800, s5, s4, $0x38;
	[tilespmem:$0x10200] =	vst v63  }
0x2d2: {  	_ =	swait.ge [sflag:s2], $0x8000  }
0x2d3: {  	s6 =	sadd.s32 $0xFFFFFFFF, s6;
	s17 =	simm.s32 $0x100;
	[sflag:s2] =	ssyncset.done $0x0  }
0x2d4: {  	s11 =	rddreg [dreg:$0x1];
	s7 =	simm.s32 $0x0  }
0x2d5: {  	s20 =	sld [smem:$0x7F9];
	s18 =	simm.s32 $0x2200;
	s23 =	simm.s32 $0xC200  }
0x2d6: {  	s24 =	simm.s32 $0xBA00;
	s26 =	simm.s32 $0xB200;
	s28 =	simm.s32 $0xAA00  }
0x2d7: {  	s16 =	simm.s32 $0x100;
	s29 =	simm.s32 $0xA200;
	s30 =	simm.s32 $0x9A00  }
0x2d8: {  	s15 =	simm.s32 $0x200;
	s13 =	simm.s32 $0x4A00;
	s3 =	simm.s32 $0x4200  }
0x2d9: {  	s14 =	simm.s32 $0x2A00;
	s12 =	simm.s32 $0x9200;
	s31 =	simm.s32 $0x8A00  }
0x2da: {  	s1 =	simm.s32 $0x7200;
	s19 =	simm.s32 $0x6A00;
	s17 =	simm.s32 $0x1  }
.LBB2_5:
0x2db: {  	s0 =	rddreg [dreg:$0x5];
	[sflag:s2] =	ssyncadd.s32 @p0 $0xFFFF8000  }
0x2dc: {  	[tilespmem:s7], [sflag:$0x3] =	stream.linear.gather [hbm4b:s0+s7], $0x100, $0x38;
	[tilespmem:$0x10200] =	vst v63  }
0x2dd: {  	_ =	swait.ge [sflag:s2], $0x100  }
0x2de: {  	[sflag:s2] =	ssyncset.done $0x0  }
0x2df: {  	[sflag:s2] =	ssyncadd.s32 $0xFFFFFF00  }
0x2e0: {  	s6 =	rddreg [dreg:$0x0]  }
0x2e1: {  	[tilespmem:s15], [sflag:$0x1] =	stream.indirect.gather [hbm4b:s6+s16], $0x80, s7, s16, $0xb8;
	[tilespmem:$0x10200] =	vst v63  }
0x2e2: {  	s22 =	rddreg [dreg:$0x6]  }
0x2e3: {  	[tilespmem:s16], [sflag:$0x3] =	stream.linear.gather [hbm4b:s22+s7], $0x100, $0x38;
	[tilespmem:$0x10200] =	vst v63  }
0x2e4: {  	_ =	swait.ge [sflag:s2], $0x100  }
0x2e5: {  	[sflag:s2] =	ssyncset.done $0x0  }
0x2e6: {  	[sflag:s2] =	ssyncadd.s32 $0xFFFFFF00  }
0x2e7: {  	[tilespmem:s8], [sflag:$0x2] =	stream.indirect.gather [hbm4b:s11+s16], $0x80, s16, s16, $0xb8;
	[tilespmem:$0x10200] =	vst v63  }
0x2e8: {  	_ =	swait.ge [sflag:s17], $0x8000  }
0x2e9: {  	[sflag:s17] =	ssyncset.done $0x0  }
0x2ea: {  	s21 =	rddreg [dreg:$0x12];
	[sflag:s17] =	ssyncadd.s32 $0xFFFF8000  }
0x2eb: {  	[hbm4b:s21+s4] =	stream.strided.scatter [tilespmem:s15], [sflag:$0x3], $0x800, s5, s4, $0x38;
	[tilespmem:$0x10200] =	vst v63  }
0x2ec: {  	s22 =	simm.s32 $0xA00;
	s8 =	sadd.s32 $0x10, s21  }
0x2ed: {  	[hbm4b:s8+s4] =	stream.strided.scatter [tilespmem:s22], [sflag:$0x3], $0x800, s5, s4, $0x38;
	[tilespmem:$0x10200] =	vst v63  }
0x2ee: {  	s8 =	sadd.s32 $0x20, s21;
	s22 =	simm.s32 $0x1200  }
0x2ef: {  	[hbm4b:s8+s4] =	stream.strided.scatter [tilespmem:s22], [sflag:$0x3], $0x800, s5, s4, $0x38;
	[tilespmem:$0x10200] =	vst v63  }
0x2f0: {  	s8 =	sadd.s32 $0x30, s21;
	s22 =	simm.s32 $0x1A00  }
0x2f1: {  	[hbm4b:s8+s4] =	stream.strided.scatter [tilespmem:s22], [sflag:$0x3], $0x800, s5, s4, $0x38;
	[tilespmem:$0x10200] =	vst v63  }
0x2f2: {  	s8 =	sadd.s32 $0x40, s21  }
0x2f3: {  	[hbm4b:s8+s4] =	stream.strided.scatter [tilespmem:s18], [sflag:$0x3], $0x800, s5, s4, $0x38;
	[tilespmem:$0x10200] =	vst v63  }
0x2f4: {  	s22 =	sadd.s32 $0x50, s21  }
0x2f5: {  	[hbm4b:s22+s4] =	stream.strided.scatter [tilespmem:s14], [sflag:$0x3], $0x800, s5, s4, $0x38;
	[tilespmem:$0x10200] =	vst v63  }
0x2f6: {  	s8 =	sadd.s32 $0x60, s21;
	s22 =	simm.s32 $0x3200  }
0x2f7: {  	[hbm4b:s8+s4] =	stream.strided.scatter [tilespmem:s22], [sflag:$0x3], $0x800, s5, s4, $0x38;
	[tilespmem:$0x10200] =	vst v63  }
0x2f8: {  	s8 =	sadd.s32 $0x70, s21;
	s22 =	simm.s32 $0x3A00  }
0x2f9: {  	[hbm4b:s8+s4] =	stream.strided.scatter [tilespmem:s22], [sflag:$0x3], $0x800, s5, s4, $0x38;
	[tilespmem:$0x10200] =	vst v63  }
0x2fa: {  	s22 =	sadd.s32 $0x800, s21  }
0x2fb: {  	[hbm4b:s22+s4] =	stream.strided.scatter [tilespmem:s3], [sflag:$0x3], $0x800, s5, s4, $0x38;
	[tilespmem:$0x10200] =	vst v63  }
0x2fc: {  	s8 =	sadd.s32 $0x810, s21  }
0x2fd: {  	[hbm4b:s8+s4] =	stream.strided.scatter [tilespmem:s13], [sflag:$0x3], $0x800, s5, s4, $0x38;
	[tilespmem:$0x10200] =	vst v63  }
0x2fe: {  	s22 =	sadd.s32 $0x820, s21  }
0x2ff: {  	[hbm4b:s22+s4] =	stream.strided.scatter [tilespmem:s10], [sflag:$0x3], $0x800, s5, s4, $0x38;
	[tilespmem:$0x10200] =	vst v63  }
0x300: {  	s8 =	sadd.s32 $0x830, s21;
	s10 =	simm.s32 $0x5A00  }
0x301: {  	[hbm4b:s8+s4] =	stream.strided.scatter [tilespmem:s10], [sflag:$0x3], $0x800, s5, s4, $0x38;
	[tilespmem:$0x10200] =	vst v63  }
0x302: {  	s8 =	sadd.s32 $0x840, s21;
	s10 =	simm.s32 $0x6200  }
0x303: {  	[hbm4b:s8+s4] =	stream.strided.scatter [tilespmem:s10], [sflag:$0x3], $0x800, s5, s4, $0x38;
	[tilespmem:$0x10200] =	vst v63  }
0x304: {  	s8 =	sadd.s32 $0x850, s21  }
0x305: {  	[hbm4b:s8+s4] =	stream.strided.scatter [tilespmem:s19], [sflag:$0x3], $0x800, s5, s4, $0x38;
	[tilespmem:$0x10200] =	vst v63  }
0x306: {  	s10 =	sadd.s32 $0x860, s21  }
0x307: {  	[hbm4b:s10+s4] =	stream.strided.scatter [tilespmem:s1], [sflag:$0x3], $0x800, s5, s4, $0x38;
	[tilespmem:$0x10200] =	vst v63  }
0x308: {  	s19 =	sadd.s32 $0x870, s21;
	s21 =	simm.s32 $0x7A00  }
0x309: {  	[hbm4b:s19+s4] =	stream.strided.scatter [tilespmem:s21], [sflag:$0x3], $0x800, s5, s4, $0x38;
	[tilespmem:$0x10200] =	vst v63  }
0x30a: {  	_ =	swait.ge [sflag:s2], $0x8000  }
0x30b: {  	[sflag:s2] =	ssyncset.done $0x0  }
0x30c: {  	s1 =	rddreg [dreg:$0x7];
	[sflag:s2] =	ssyncadd.s32 $0xFFFF8000  }
0x30d: {  	[tilespmem:s7], [sflag:$0x3] =	stream.linear.gather [hbm4b:s1+s7], $0x100, $0x38;
	[tilespmem:$0x10200] =	vst v63  }
0x30e: {  	_ =	swait.ge [sflag:s2], $0x100  }
0x30f: {  	[sflag:s2] =	ssyncset.done $0x0  }
0x310: {  	[sflag:s2] =	ssyncadd.s32 $0xFFFFFF00  }
0x311: {  	[tilespmem:s15], [sflag:$0x1] =	stream.indirect.gather [hbm4b:s6+s16], $0x80, s7, s16, $0xb8;
	[tilespmem:$0x10200] =	vst v63  }
0x312: {  	_ =	swait.ge [sflag:s25], $0x8000  }
0x313: {  	[sflag:s25] =	ssyncset.done $0x0  }
0x314: {  	s22 =	simm.s32 $0x8200;
	s1 =	rddreg [dreg:$0x11];
	[sflag:s25] =	ssyncadd.s32 $0xFFFF8000  }
0x315: {  	[hbm4b:s1+s4] =	stream.strided.scatter [tilespmem:s22], [sflag:$0x3], $0x800, s5, s4, $0x38;
	[tilespmem:$0x10200] =	vst v63  }
0x316: {  	s10 =	smov.u32 s6;
	s6 =	sadd.s32 $0x10, s1  }
0x317: {  	[hbm4b:s6+s4] =	stream.strided.scatter [tilespmem:s31], [sflag:$0x3], $0x800, s5, s4, $0x38;
	[tilespmem:$0x10200] =	vst v63  }
0x318: {  	s8 =	sadd.s32 $0x20, s1  }
0x319: {  	[hbm4b:s8+s4] =	stream.strided.scatter [tilespmem:s12], [sflag:$0x3], $0x800, s5, s4, $0x38;
	[tilespmem:$0x10200] =	vst v63  }
0x31a: {  	s21 =	sadd.s32 $0x30, s1  }
0x31b: {  	[hbm4b:s21+s4] =	stream.strided.scatter [tilespmem:s30], [sflag:$0x3], $0x800, s5, s4, $0x38;
	[tilespmem:$0x10200] =	vst v63  }
0x31c: {  	s22 =	sadd.s32 $0x40, s1  }
0x31d: {  	[hbm4b:s22+s4] =	stream.strided.scatter [tilespmem:s29], [sflag:$0x3], $0x800, s5, s4, $0x38;
	[tilespmem:$0x10200] =	vst v63  }
0x31e: {  	s6 =	sadd.s32 $0x50, s1  }
0x31f: {  	[hbm4b:s6+s4] =	stream.strided.scatter [tilespmem:s28], [sflag:$0x3], $0x800, s5, s4, $0x38;
	[tilespmem:$0x10200] =	vst v63  }
0x320: {  	s8 =	sadd.s32 $0x60, s1  }
0x321: {  	[hbm4b:s8+s4] =	stream.strided.scatter [tilespmem:s26], [sflag:$0x3], $0x800, s5, s4, $0x38;
	[tilespmem:$0x10200] =	vst v63  }
0x322: {  	s21 =	sadd.s32 $0x70, s1  }
0x323: {  	[hbm4b:s21+s4] =	stream.strided.scatter [tilespmem:s24], [sflag:$0x3], $0x800, s5, s4, $0x38;
	[tilespmem:$0x10200] =	vst v63  }
0x324: {  	s22 =	sadd.s32 $0x800, s1  }
0x325: {  	[hbm4b:s22+s4] =	stream.strided.scatter [tilespmem:s23], [sflag:$0x3], $0x800, s5, s4, $0x38;
	[tilespmem:$0x10200] =	vst v63  }
0x326: {  	s6 =	sadd.s32 $0x810, s1;
	s8 =	simm.s32 $0xCA00  }
0x327: {  	[hbm4b:s6+s4] =	stream.strided.scatter [tilespmem:s8], [sflag:$0x3], $0x800, s5, s4, $0x38;
	[tilespmem:$0x10200] =	vst v63  }
0x328: {  	s21 =	sadd.s32 $0x820, s1;
	s22 =	simm.s32 $0xD200  }
0x329: {  	[hbm4b:s21+s4] =	stream.strided.scatter [tilespmem:s22], [sflag:$0x3], $0x800, s5, s4, $0x38;
	[tilespmem:$0x10200] =	vst v63  }
0x32a: {  	s6 =	sadd.s32 $0x830, s1;
	s8 =	simm.s32 $0xDA00  }
0x32b: {  	[hbm4b:s6+s4] =	stream.strided.scatter [tilespmem:s8], [sflag:$0x3], $0x800, s5, s4, $0x38;
	[tilespmem:$0x10200] =	vst v63  }
0x32c: {  	s21 =	sadd.s32 $0x840, s1;
	s22 =	simm.s32 $0xE200  }
0x32d: {  	[hbm4b:s21+s4] =	stream.strided.scatter [tilespmem:s22], [sflag:$0x3], $0x800, s5, s4, $0x38;
	[tilespmem:$0x10200] =	vst v63  }
0x32e: {  	s8 =	sadd.s32 $0x850, s1;
	s21 =	simm.s32 $0xEA00  }
0x32f: {  	[hbm4b:s8+s4] =	stream.strided.scatter [tilespmem:s21], [sflag:$0x3], $0x800, s5, s4, $0x38;
	[tilespmem:$0x10200] =	vst v63  }
0x330: {  	s6 =	simm.s32 $0xF200;
	s22 =	sadd.s32 $0x860, s1  }
0x331: {  	[hbm4b:s22+s4] =	stream.strided.scatter [tilespmem:s6], [sflag:$0x3], $0x800, s5, s4, $0x38;
	[tilespmem:$0x10200] =	vst v63  }
0x332: {  	s21 =	sadd.s32 $0x870, s1;
	s22 =	simm.s32 $0xFA00  }
0x333: {  	[hbm4b:s21+s4] =	stream.strided.scatter [tilespmem:s22], [sflag:$0x3], $0x800, s5, s4, $0x38;
	[tilespmem:$0x10200] =	vst v63  }
0x334: {  	_ =	swait.ge [sflag:s2], $0x8000  }
0x335: {  	[sflag:s2] =	ssyncset.done $0x0  }
0x336: {  	s1 =	rddreg [dreg:$0x8];
	[sflag:s2] =	ssyncadd.s32 $0xFFFF8000  }
0x337: {  	[tilespmem:s16], [sflag:$0x3] =	stream.linear.gather [hbm4b:s1+s7], $0x100, $0x38;
	[tilespmem:$0x10200] =	vst v63  }
0x338: {  	_ =	swait.ge [sflag:s2], $0x100  }
0x339: {  	[sflag:s2] =	ssyncset.done $0x0  }
0x33a: {  	s19 =	simm.s32 $0x8200;
	[sflag:s2] =	ssyncadd.s32 $0xFFFFFF00  }
0x33b: {  	[tilespmem:s19], [sflag:$0x2] =	stream.indirect.gather [hbm4b:s11+s16], $0x80, s16, s16, $0xb8;
	[tilespmem:$0x10200] =	vst v63  }
0x33c: {  	_ =	swait.ge [sflag:s17], $0x8000  }
0x33d: {  	[sflag:s17] =	ssyncset.done $0x0  }
0x33e: {  	s1 =	rddreg [dreg:$0x10];
	[sflag:s17] =	ssyncadd.s32 $0xFFFF8000  }
0x33f: {  	[hbm4b:s1+s4] =	stream.strided.scatter [tilespmem:s15], [sflag:$0x3], $0x800, s5, s4, $0x38;
	[tilespmem:$0x10200] =	vst v63  }
0x340: {  	s19 =	simm.s32 $0xA00;
	s6 =	sadd.s32 $0x10, s1  }
0x341: {  	[hbm4b:s6+s4] =	stream.strided.scatter [tilespmem:s19], [sflag:$0x3], $0x800, s5, s4, $0x38;
	[tilespmem:$0x10200] =	vst v63  }
0x342: {  	s22 =	simm.s32 $0x1200;
	s21 =	sadd.s32 $0x20, s1  }
0x343: {  	[hbm4b:s21+s4] =	stream.strided.scatter [tilespmem:s22], [sflag:$0x3], $0x800, s5, s4, $0x38;
	[tilespmem:$0x10200] =	vst v63  }
0x344: {  	s19 =	sadd.s32 $0x30, s1;
	s22 =	simm.s32 $0x1A00  }
0x345: {  	[hbm4b:s19+s4] =	stream.strided.scatter [tilespmem:s22], [sflag:$0x3], $0x800, s5, s4, $0x38;
	[tilespmem:$0x10200] =	vst v63  }
0x346: {  	s21 =	sadd.s32 $0x40, s1  }
0x347: {  	[hbm4b:s21+s4] =	stream.strided.scatter [tilespmem:s18], [sflag:$0x3], $0x800, s5, s4, $0x38;
	[tilespmem:$0x10200] =	vst v63  }
0x348: {  	s6 =	sadd.s32 $0x50, s1  }
0x349: {  	[hbm4b:s6+s4] =	stream.strided.scatter [tilespmem:s14], [sflag:$0x3], $0x800, s5, s4, $0x38;
	[tilespmem:$0x10200] =	vst v63  }
0x34a: {  	s19 =	sadd.s32 $0x60, s1;
	s21 =	simm.s32 $0x3200  }
0x34b: {  	[hbm4b:s19+s4] =	stream.strided.scatter [tilespmem:s21], [sflag:$0x3], $0x800, s5, s4, $0x38;
	[tilespmem:$0x10200] =	vst v63  }
0x34c: {  	s6 =	sadd.s32 $0x70, s1;
	s19 =	simm.s32 $0x3A00  }
0x34d: {  	[hbm4b:s6+s4] =	stream.strided.scatter [tilespmem:s19], [sflag:$0x3], $0x800, s5, s4, $0x38;
	[tilespmem:$0x10200] =	vst v63  }
0x34e: {  	s6 =	sadd.s32 $0x800, s1  }
0x34f: {  	[hbm4b:s6+s4] =	stream.strided.scatter [tilespmem:s3], [sflag:$0x3], $0x800, s5, s4, $0x38;
	[tilespmem:$0x10200] =	vst v63  }
0x350: {  	s6 =	sadd.s32 $0x810, s1  }
0x351: {  	[hbm4b:s6+s4] =	stream.strided.scatter [tilespmem:s13], [sflag:$0x3], $0x800, s5, s4, $0x38;
	[tilespmem:$0x10200] =	vst v63  }
0x352: {  	s0 =	sadd.s32 $0x820, s1;
	s6 =	simm.s32 $0x5200  }
0x353: {  	[hbm4b:s0+s4] =	stream.strided.scatter [tilespmem:s6], [sflag:$0x3], $0x800, s5, s4, $0x38;
	[tilespmem:$0x10200] =	vst v63  }
0x354: {  	s0 =	sadd.s32 $0x830, s1;
	s6 =	simm.s32 $0x5A00  }
0x355: {  	[hbm4b:s0+s4] =	stream.strided.scatter [tilespmem:s6], [sflag:$0x3], $0x800, s5, s4, $0x38;
	[tilespmem:$0x10200] =	vst v63  }
0x356: {  	s0 =	sadd.s32 $0x840, s1;
	s6 =	simm.s32 $0x6200  }
0x357: {  	[hbm4b:s0+s4] =	stream.strided.scatter [tilespmem:s6], [sflag:$0x3], $0x800, s5, s4, $0x38;
	[tilespmem:$0x10200] =	vst v63  }
0x358: {  	s0 =	sadd.s32 $0x850, s1;
	s6 =	simm.s32 $0x6A00  }
0x359: {  	[hbm4b:s0+s4] =	stream.strided.scatter [tilespmem:s6], [sflag:$0x3], $0x800, s5, s4, $0x38;
	[tilespmem:$0x10200] =	vst v63  }
0x35a: {  	s0 =	sadd.s32 $0x860, s1;
	s6 =	simm.s32 $0x7200  }
0x35b: {  	[hbm4b:s0+s4] =	stream.strided.scatter [tilespmem:s6], [sflag:$0x3], $0x800, s5, s4, $0x38;
	[tilespmem:$0x10200] =	vst v63  }
0x35c: {  	s1 =	sadd.s32 $0x870, s1;
	s6 =	simm.s32 $0x7A00  }
0x35d: {  	[hbm4b:s1+s4] =	stream.strided.scatter [tilespmem:s6], [sflag:$0x3], $0x800, s5, s4, $0x38;
	[tilespmem:$0x10200] =	vst v63  }
0x35e: {  	_ =	swait.ge [sflag:s2], $0x8000  }
0x35f: {  	[sflag:s2] =	ssyncset.done $0x0  }
0x360: {  	s1 =	rddreg [dreg:$0x9];
	[sflag:s2] =	ssyncadd.s32 $0xFFFF8000  }
0x361: {  	[tilespmem:s7], [sflag:$0x3] =	stream.linear.gather [hbm4b:s1+s7], $0x100, $0x38;
	[tilespmem:$0x10200] =	vst v63  }
0x362: {  	_ =	swait.ge [sflag:s2], $0x100  }
0x363: {  	[sflag:s2] =	ssyncset.done $0x0  }
0x364: {  	[sflag:s2] =	ssyncadd.s32 $0xFFFFFF00  }
0x365: {  	[tilespmem:s15], [sflag:$0x1] =	stream.indirect.gather [hbm4b:s10+s16], $0x80, s7, s16, $0xb8;
	[tilespmem:$0x10200] =	vst v63  }
0x366: {  	_ =	swait.ge [sflag:s25], $0x8000  }
0x367: {  	[sflag:s25] =	ssyncset.done $0x0  }
0x368: {  	s8 =	simm.s32 $0x8200;
	s1 =	rddreg [dreg:$0xf];
	[sflag:s25] =	ssyncadd.s32 $0xFFFF8000  }
0x369: {  	[hbm4b:s1+s4] =	stream.strided.scatter [tilespmem:s8], [sflag:$0x3], $0x800, s5, s4, $0x38;
	[tilespmem:$0x10200] =	vst v63  }
0x36a: {  	s6 =	sadd.s32 $0x10, s1  }
0x36b: {  	[hbm4b:s6+s4] =	stream.strided.scatter [tilespmem:s31], [sflag:$0x3], $0x800, s5, s4, $0x38;
	[tilespmem:$0x10200] =	vst v63  }
0x36c: {  	s6 =	sadd.s32 $0x20, s1  }
0x36d: {  	[hbm4b:s6+s4] =	stream.strided.scatter [tilespmem:s12], [sflag:$0x3], $0x800, s5, s4, $0x38;
	[tilespmem:$0x10200] =	vst v63  }
0x36e: {  	s6 =	sadd.s32 $0x30, s1  }
0x36f: {  	[hbm4b:s6+s4] =	stream.strided.scatter [tilespmem:s30], [sflag:$0x3], $0x800, s5, s4, $0x38;
	[tilespmem:$0x10200] =	vst v63  }
0x370: {  	s6 =	sadd.s32 $0x40, s1  }
0x371: {  	[hbm4b:s6+s4] =	stream.strided.scatter [tilespmem:s29], [sflag:$0x3], $0x800, s5, s4, $0x38;
	[tilespmem:$0x10200] =	vst v63  }
0x372: {  	s6 =	sadd.s32 $0x50, s1  }
0x373: {  	[hbm4b:s6+s4] =	stream.strided.scatter [tilespmem:s28], [sflag:$0x3], $0x800, s5, s4, $0x38;
	[tilespmem:$0x10200] =	vst v63  }
0x374: {  	s6 =	sadd.s32 $0x60, s1  }
0x375: {  	[hbm4b:s6+s4] =	stream.strided.scatter [tilespmem:s26], [sflag:$0x3], $0x800, s5, s4, $0x38;
	[tilespmem:$0x10200] =	vst v63  }
0x376: {  	s6 =	sadd.s32 $0x70, s1  }
0x377: {  	[hbm4b:s6+s4] =	stream.strided.scatter [tilespmem:s24], [sflag:$0x3], $0x800, s5, s4, $0x38;
	[tilespmem:$0x10200] =	vst v63  }
0x378: {  	s6 =	sadd.s32 $0x800, s1  }
0x379: {  	[hbm4b:s6+s4] =	stream.strided.scatter [tilespmem:s23], [sflag:$0x3], $0x800, s5, s4, $0x38;
	[tilespmem:$0x10200] =	vst v63  }
0x37a: {  	s0 =	sadd.s32 $0x810, s1;
	s6 =	simm.s32 $0xCA00  }
0x37b: {  	[hbm4b:s0+s4] =	stream.strided.scatter [tilespmem:s6], [sflag:$0x3], $0x800, s5, s4, $0x38;
	[tilespmem:$0x10200] =	vst v63  }
0x37c: {  	s0 =	sadd.s32 $0x820, s1;
	s6 =	simm.s32 $0xD200  }
0x37d: {  	[hbm4b:s0+s4] =	stream.strided.scatter [tilespmem:s6], [sflag:$0x3], $0x800, s5, s4, $0x38;
	[tilespmem:$0x10200] =	vst v63  }
0x37e: {  	s0 =	sadd.s32 $0x830, s1;
	s6 =	simm.s32 $0xDA00  }
0x37f: {  	[hbm4b:s0+s4] =	stream.strided.scatter [tilespmem:s6], [sflag:$0x3], $0x800, s5, s4, $0x38;
	[tilespmem:$0x10200] =	vst v63  }
0x380: {  	s0 =	sadd.s32 $0x840, s1;
	s6 =	simm.s32 $0xE200  }
0x381: {  	[hbm4b:s0+s4] =	stream.strided.scatter [tilespmem:s6], [sflag:$0x3], $0x800, s5, s4, $0x38;
	[tilespmem:$0x10200] =	vst v63  }
0x382: {  	s0 =	sadd.s32 $0x850, s1;
	s6 =	simm.s32 $0xEA00  }
0x383: {  	[hbm4b:s0+s4] =	stream.strided.scatter [tilespmem:s6], [sflag:$0x3], $0x800, s5, s4, $0x38;
	[tilespmem:$0x10200] =	vst v63  }
0x384: {  	s0 =	sadd.s32 $0x860, s1;
	s6 =	simm.s32 $0xF200  }
0x385: {  	[hbm4b:s0+s4] =	stream.strided.scatter [tilespmem:s6], [sflag:$0x3], $0x800, s5, s4, $0x38;
	[tilespmem:$0x10200] =	vst v63  }
0x386: {  	s1 =	sadd.s32 $0x870, s1;
	s6 =	simm.s32 $0xFA00  }
0x387: {  	[hbm4b:s1+s4] =	stream.strided.scatter [tilespmem:s6], [sflag:$0x3], $0x800, s5, s4, $0x38;
	[tilespmem:$0x10200] =	vst v63  }
0x388: {  	_ =	swait.ge [sflag:s2], $0x8000  }
0x389: {  	[sflag:s2] =	ssyncset.done $0x0  }
0x38a: {  	s1 =	rddreg [dreg:$0xa];
	[sflag:s2] =	ssyncadd.s32 $0xFFFF8000  }
0x38b: {  	[tilespmem:s16], [sflag:$0x3] =	stream.linear.gather [hbm4b:s1+s7], $0x100, $0x38;
	[tilespmem:$0x10200] =	vst v63  }
0x38c: {  	_ =	swait.ge [sflag:s2], $0x100  }
0x38d: {  	[sflag:s2] =	ssyncset.done $0x0  }
0x38e: {  	s8 =	simm.s32 $0x8200;
	[sflag:s2] =	ssyncadd.s32 $0xFFFFFF00  }
0x38f: {  	[tilespmem:s8], [sflag:$0x2] =	stream.indirect.gather [hbm4b:s11+s16], $0x80, s16, s16, $0xb8;
	[tilespmem:$0x10200] =	vst v63  }
0x390: {  	_ =	swait.ge [sflag:s17], $0x8000  }
0x391: {  	[sflag:s17] =	ssyncset.done $0x0  }
0x392: {  	s1 =	rddreg [dreg:$0xe];
	[sflag:s17] =	ssyncadd.s32 $0xFFFF8000  }
0x393: {  	[hbm4b:s1+s4] =	stream.strided.scatter [tilespmem:s15], [sflag:$0x3], $0x800, s5, s4, $0x38;
	[tilespmem:$0x10200] =	vst v63  }
0x394: {  	s6 =	simm.s32 $0xA00;
	s0 =	sadd.s32 $0x10, s1  }
0x395: {  	[hbm4b:s0+s4] =	stream.strided.scatter [tilespmem:s6], [sflag:$0x3], $0x800, s5, s4, $0x38;
	[tilespmem:$0x10200] =	vst v63  }
0x396: {  	s0 =	sadd.s32 $0x20, s1;
	s6 =	simm.s32 $0x1200  }
0x397: {  	[hbm4b:s0+s4] =	stream.strided.scatter [tilespmem:s6], [sflag:$0x3], $0x800, s5, s4, $0x38;
	[tilespmem:$0x10200] =	vst v63  }
0x398: {  	s6 =	sadd.s32 $0x30, s1  }
0x399: {  	[hbm4b:s6+s4] =	stream.strided.scatter [tilespmem:s22], [sflag:$0x3], $0x800, s5, s4, $0x38;
	[tilespmem:$0x10200] =	vst v63  }
0x39a: {  	s6 =	sadd.s32 $0x40, s1  }
0x39b: {  	[hbm4b:s6+s4] =	stream.strided.scatter [tilespmem:s18], [sflag:$0x3], $0x800, s5, s4, $0x38;
	[tilespmem:$0x10200] =	vst v63  }
0x39c: {  	s22 =	sadd.s32 $0x50, s1  }
0x39d: {  	[hbm4b:s22+s4] =	stream.strided.scatter [tilespmem:s14], [sflag:$0x3], $0x800, s5, s4, $0x38;
	[tilespmem:$0x10200] =	vst v63  }
0x39e: {  	s6 =	sadd.s32 $0x60, s1  }
0x39f: {  	[hbm4b:s6+s4] =	stream.strided.scatter [tilespmem:s21], [sflag:$0x3], $0x800, s5, s4, $0x38;
	[tilespmem:$0x10200] =	vst v63  }
0x3a0: {  	s22 =	sadd.s32 $0x70, s1  }
0x3a1: {  	[hbm4b:s22+s4] =	stream.strided.scatter [tilespmem:s19], [sflag:$0x3], $0x800, s5, s4, $0x38;
	[tilespmem:$0x10200] =	vst v63  }
0x3a2: {  	s6 =	sadd.s32 $0x800, s1  }
0x3a3: {  	[hbm4b:s6+s4] =	stream.strided.scatter [tilespmem:s3], [sflag:$0x3], $0x800, s5, s4, $0x38;
	[tilespmem:$0x10200] =	vst v63  }
0x3a4: {  	s19 =	sadd.s32 $0x810, s1  }
0x3a5: {  	[hbm4b:s19+s4] =	stream.strided.scatter [tilespmem:s13], [sflag:$0x3], $0x800, s5, s4, $0x38;
	[tilespmem:$0x10200] =	vst v63  }
0x3a6: {  	s21 =	sadd.s32 $0x820, s1;
	s22 =	simm.s32 $0x5200  }
0x3a7: {  	[hbm4b:s21+s4] =	stream.strided.scatter [tilespmem:s22], [sflag:$0x3], $0x800, s5, s4, $0x38;
	[tilespmem:$0x10200] =	vst v63  }
0x3a8: {  	s6 =	sadd.s32 $0x830, s1;
	s19 =	simm.s32 $0x5A00  }
0x3a9: {  	[hbm4b:s6+s4] =	stream.strided.scatter [tilespmem:s19], [sflag:$0x3], $0x800, s5, s4, $0x38;
	[tilespmem:$0x10200] =	vst v63  }
0x3aa: {  	s21 =	sadd.s32 $0x840, s1;
	s22 =	simm.s32 $0x6200  }
0x3ab: {  	[hbm4b:s21+s4] =	stream.strided.scatter [tilespmem:s22], [sflag:$0x3], $0x800, s5, s4, $0x38;
	[tilespmem:$0x10200] =	vst v63  }
0x3ac: {  	s6 =	sadd.s32 $0x850, s1;
	s19 =	simm.s32 $0x6A00  }
0x3ad: {  	[hbm4b:s6+s4] =	stream.strided.scatter [tilespmem:s19], [sflag:$0x3], $0x800, s5, s4, $0x38;
	[tilespmem:$0x10200] =	vst v63  }
0x3ae: {  	s21 =	sadd.s32 $0x860, s1;
	s22 =	simm.s32 $0x7200  }
0x3af: {  	[hbm4b:s21+s4] =	stream.strided.scatter [tilespmem:s22], [sflag:$0x3], $0x800, s5, s4, $0x38;
	[tilespmem:$0x10200] =	vst v63  }
0x3b0: {  	s6 =	sadd.s32 $0x870, s1;
	s19 =	simm.s32 $0x7A00  }
0x3b1: {  	[hbm4b:s6+s4] =	stream.strided.scatter [tilespmem:s19], [sflag:$0x3], $0x800, s5, s4, $0x38;
	[tilespmem:$0x10200] =	vst v63  }
0x3b2: {  	_ =	swait.ge [sflag:s2], $0x8000  }
0x3b3: {  	[sflag:s2] =	ssyncset.done $0x0  }
0x3b4: {  	s21 =	rddreg [dreg:$0xb];
	[sflag:s2] =	ssyncadd.s32 $0xFFFF8000  }
0x3b5: {  	[tilespmem:s7], [sflag:$0x3] =	stream.linear.gather [hbm4b:s21+s7], $0x100, $0x38;
	[tilespmem:$0x10200] =	vst v63  }
0x3b6: {  	_ =	swait.ge [sflag:s2], $0x100  }
0x3b7: {  	[sflag:s2] =	ssyncset.done $0x0  }
0x3b8: {  	[sflag:s2] =	ssyncadd.s32 $0xFFFFFF00  }
0x3b9: {  	[tilespmem:s15], [sflag:$0x1] =	stream.indirect.gather [hbm4b:s10+s16], $0x80, s7, s16, $0xb8;
	[tilespmem:$0x10200] =	vst v63  }
0x3ba: {  	_ =	swait.ge [sflag:s25], $0x8000  }
0x3bb: {  	[sflag:s25] =	ssyncset.done $0x0  }
0x3bc: {  	s6 =	rddreg [dreg:$0xd];
	[sflag:s25] =	ssyncadd.s32 $0xFFFF8000  }
0x3bd: {  	[hbm4b:s6+s4] =	stream.strided.scatter [tilespmem:s8], [sflag:$0x3], $0x800, s5, s4, $0x38;
	[tilespmem:$0x10200] =	vst v63  }
0x3be: {  	s22 =	sadd.s32 $0x10, s6  }
0x3bf: {  	[hbm4b:s22+s4] =	stream.strided.scatter [tilespmem:s31], [sflag:$0x3], $0x800, s5, s4, $0x38;
	[tilespmem:$0x10200] =	vst v63  }
0x3c0: {  	s1 =	sadd.s32 $0x20, s6  }
0x3c1: {  	[hbm4b:s1+s4] =	stream.strided.scatter [tilespmem:s12], [sflag:$0x3], $0x800, s5, s4, $0x38;
	[tilespmem:$0x10200] =	vst v63  }
0x3c2: {  	s8 =	sadd.s32 $0x30, s6  }
0x3c3: {  	[hbm4b:s8+s4] =	stream.strided.scatter [tilespmem:s30], [sflag:$0x3], $0x800, s5, s4, $0x38;
	[tilespmem:$0x10200] =	vst v63  }
0x3c4: {  	s10 =	sadd.s32 $0x40, s6  }
0x3c5: {  	[hbm4b:s10+s4] =	stream.strided.scatter [tilespmem:s29], [sflag:$0x3], $0x800, s5, s4, $0x38;
	[tilespmem:$0x10200] =	vst v63  }
0x3c6: {  	s19 =	sadd.s32 $0x50, s6  }
0x3c7: {  	[hbm4b:s19+s4] =	stream.strided.scatter [tilespmem:s28], [sflag:$0x3], $0x800, s5, s4, $0x38;
	[tilespmem:$0x10200] =	vst v63  }
0x3c8: {  	s21 =	sadd.s32 $0x60, s6  }
0x3c9: {  	[hbm4b:s21+s4] =	stream.strided.scatter [tilespmem:s26], [sflag:$0x3], $0x800, s5, s4, $0x38;
	[tilespmem:$0x10200] =	vst v63  }
0x3ca: {  	s22 =	sadd.s32 $0x70, s6  }
0x3cb: {  	[hbm4b:s22+s4] =	stream.strided.scatter [tilespmem:s24], [sflag:$0x3], $0x800, s5, s4, $0x38;
	[tilespmem:$0x10200] =	vst v63  }
0x3cc: {  	s1 =	sadd.s32 $0x800, s6  }
0x3cd: {  	[hbm4b:s1+s4] =	stream.strided.scatter [tilespmem:s23], [sflag:$0x3], $0x800, s5, s4, $0x38;
	[tilespmem:$0x10200] =	vst v63  }
0x3ce: {  	s8 =	sadd.s32 $0x810, s6;
	s10 =	simm.s32 $0xCA00  }
0x3cf: {  	[hbm4b:s8+s4] =	stream.strided.scatter [tilespmem:s10], [sflag:$0x3], $0x800, s5, s4, $0x38;
	[tilespmem:$0x10200] =	vst v63  }
0x3d0: {  	s19 =	sadd.s32 $0x820, s6;
	s22 =	simm.s32 $0xD200  }
0x3d1: {  	[hbm4b:s19+s4] =	stream.strided.scatter [tilespmem:s22], [sflag:$0x3], $0x800, s5, s4, $0x38;
	[tilespmem:$0x10200] =	vst v63  }
0x3d2: {  	s1 =	simm.s32 $0xDA00;
	s8 =	sadd.s32 $0x830, s6  }
0x3d3: {  	[hbm4b:s8+s4] =	stream.strided.scatter [tilespmem:s1], [sflag:$0x3], $0x800, s5, s4, $0x38;
	[tilespmem:$0x10200] =	vst v63  }
0x3d4: {  	s10 =	sadd.s32 $0x840, s6;
	s22 =	simm.s32 $0xE200  }
0x3d5: {  	[hbm4b:s10+s4] =	stream.strided.scatter [tilespmem:s22], [sflag:$0x3], $0x800, s5, s4, $0x38;
	[tilespmem:$0x10200] =	vst v63  }
0x3d6: {  	s8 =	sadd.s32 $0x850, s6;
	s10 =	simm.s32 $0xEA00  }
0x3d7: {  	[hbm4b:s8+s4] =	stream.strided.scatter [tilespmem:s10], [sflag:$0x3], $0x800, s5, s4, $0x38;
	[tilespmem:$0x10200] =	vst v63  }
0x3d8: {  	s0 =	sadd.s32 $0x860, s6;
	s8 =	simm.s32 $0xF200  }
0x3d9: {  	[hbm4b:s0+s4] =	stream.strided.scatter [tilespmem:s8], [sflag:$0x3], $0x800, s5, s4, $0x38;
	[tilespmem:$0x10200] =	vst v63  }
0x3da: {  	s0 =	sadd.s32 $0x870, s6;
	s6 =	simm.s32 $0xFA00  }
0x3db: {  	[hbm4b:s0+s4] =	stream.strided.scatter [tilespmem:s6], [sflag:$0x3], $0x800, s5, s4, $0x38;
	[tilespmem:$0x10200] =	vst v63  }
0x3dc: {  	_ =	swait.ge [sflag:s2], $0x8000  }
0x3dd: {  	[sflag:s2] =	ssyncset.done $0x0  }
0x3de: {  	s0 =	rddreg [dreg:$0xc];
	[sflag:s2] =	ssyncadd.s32 $0xFFFF8000  }
0x3df: {  	[tilespmem:s16], [sflag:$0x3] =	stream.linear.gather [hbm4b:s0+s7], $0x100, $0x38;
	[tilespmem:$0x10200] =	vst v63  }
0x3e0: {  	_ =	swait.ge [sflag:s2], $0x100  }
0x3e1: {  	[sflag:s2] =	ssyncset.done $0x0  }
0x3e2: {  	s7 =	simm.s32 $0x8200;
	[sflag:s2] =	ssyncadd.s32 $0xFFFFFF00  }
0x3e3: {  	[tilespmem:s7], [sflag:$0x2] =	stream.indirect.gather [hbm4b:s11+s16], $0x80, s16, s16, $0xb8;
	[tilespmem:$0x10200] =	vst v63  }
0x3e4: {  	_ =	swait.ge [sflag:s17], $0x8000  }
0x3e5: {  	[sflag:s17] =	ssyncset.done $0x0  }
0x3e6: {  	[sflag:s17] =	ssyncadd.s32 $0xFFFF8000  }
0x3e7: {  	[hbm4b:s20+s4] =	stream.strided.scatter [tilespmem:s15], [sflag:$0x3], $0x800, s5, s4, $0x38;
	[tilespmem:$0x10200] =	vst v63  }
0x3e8: {  	s11 =	sadd.s32 $0x10, s20;
	s15 =	simm.s32 $0xA00  }
0x3e9: {  	[hbm4b:s11+s4] =	stream.strided.scatter [tilespmem:s15], [sflag:$0x3], $0x800, s5, s4, $0x38;
	[tilespmem:$0x10200] =	vst v63  }
0x3ea: {  	s16 =	sadd.s32 $0x20, s20;
	s17 =	simm.s32 $0x1200  }
0x3eb: {  	[hbm4b:s16+s4] =	stream.strided.scatter [tilespmem:s17], [sflag:$0x3], $0x800, s5, s4, $0x38;
	[tilespmem:$0x10200] =	vst v63  }
0x3ec: {  	s15 =	sadd.s32 $0x30, s20;
	s16 =	simm.s32 $0x1A00  }
0x3ed: {  	[hbm4b:s15+s4] =	stream.strided.scatter [tilespmem:s16], [sflag:$0x3], $0x800, s5, s4, $0x38;
	[tilespmem:$0x10200] =	vst v63  }
0x3ee: {  	s17 =	sadd.s32 $0x40, s20  }
0x3ef: {  	[hbm4b:s17+s4] =	stream.strided.scatter [tilespmem:s18], [sflag:$0x3], $0x800, s5, s4, $0x38;
	[tilespmem:$0x10200] =	vst v63  }
0x3f0: {  	s11 =	sadd.s32 $0x50, s20  }
0x3f1: {  	[hbm4b:s11+s4] =	stream.strided.scatter [tilespmem:s14], [sflag:$0x3], $0x800, s5, s4, $0x38;
	[tilespmem:$0x10200] =	vst v63  }
0x3f2: {  	s15 =	sadd.s32 $0x60, s20;
	s16 =	simm.s32 $0x3200  }
0x3f3: {  	[hbm4b:s15+s4] =	stream.strided.scatter [tilespmem:s16], [sflag:$0x3], $0x800, s5, s4, $0x38;
	[tilespmem:$0x10200] =	vst v63  }
0x3f4: {  	s17 =	sadd.s32 $0x70, s20;
	s18 =	simm.s32 $0x3A00  }
0x3f5: {  	[hbm4b:s17+s4] =	stream.strided.scatter [tilespmem:s18], [sflag:$0x3], $0x800, s5, s4, $0x38;
	[tilespmem:$0x10200] =	vst v63  }
0x3f6: {  	s11 =	sadd.s32 $0x800, s20  }
0x3f7: {  	[hbm4b:s11+s4] =	stream.strided.scatter [tilespmem:s3], [sflag:$0x3], $0x800, s5, s4, $0x38;
	[tilespmem:$0x10200] =	vst v63  }
0x3f8: {  	s14 =	sadd.s32 $0x810, s20  }
0x3f9: {  	[hbm4b:s14+s4] =	stream.strided.scatter [tilespmem:s13], [sflag:$0x3], $0x800, s5, s4, $0x38;
	[tilespmem:$0x10200] =	vst v63  }
0x3fa: {  	s15 =	sadd.s32 $0x820, s20;
	s16 =	simm.s32 $0x5200  }
0x3fb: {  	[hbm4b:s15+s4] =	stream.strided.scatter [tilespmem:s16], [sflag:$0x3], $0x800, s5, s4, $0x38;
	[tilespmem:$0x10200] =	vst v63  }
0x3fc: {  	s17 =	sadd.s32 $0x830, s20;
	s18 =	simm.s32 $0x5A00  }
0x3fd: {  	[hbm4b:s17+s4] =	stream.strided.scatter [tilespmem:s18], [sflag:$0x3], $0x800, s5, s4, $0x38;
	[tilespmem:$0x10200] =	vst v63  }
0x3fe: {  	s11 =	sadd.s32 $0x840, s20;
	s13 =	simm.s32 $0x6200  }
0x3ff: {  	[hbm4b:s11+s4] =	stream.strided.scatter [tilespmem:s13], [sflag:$0x3], $0x800, s5, s4, $0x38;
	[tilespmem:$0x10200] =	vst v63  }
0x400: {  	s14 =	sadd.s32 $0x850, s20;
	s15 =	simm.s32 $0x6A00  }
0x401: {  	[hbm4b:s14+s4] =	stream.strided.scatter [tilespmem:s15], [sflag:$0x3], $0x800, s5, s4, $0x38;
	[tilespmem:$0x10200] =	vst v63  }
0x402: {  	s16 =	sadd.s32 $0x860, s20;
	s17 =	simm.s32 $0x7200  }
0x403: {  	[hbm4b:s16+s4] =	stream.strided.scatter [tilespmem:s17], [sflag:$0x3], $0x800, s5, s4, $0x38;
	[tilespmem:$0x10200] =	vst v63  }
0x404: {  	s18 =	sadd.s32 $0x870, s20;
	s20 =	simm.s32 $0x7A00  }
0x405: {  	[hbm4b:s18+s4] =	stream.strided.scatter [tilespmem:s20], [sflag:$0x3], $0x800, s5, s4, $0x38;
	[tilespmem:$0x10200] =	vst v63  }
0x406: {  	_ =	swait.ge [sflag:s2], $0x8000  }
0x407: {  	[sflag:s2] =	ssyncset.done $0x0  }
0x408: {  	[sflag:s2] =	ssyncadd.s32 $0xFFFF8000  }
0x409: {  	_ =	swait.ge [sflag:s25], $0x8000  }
0x40a: {  	[sflag:s25] =	ssyncset.done $0x0  }
0x40b: {  	[sflag:s25] =	ssyncadd.s32 $0xFFFF8000  }
0x40c: {  	[hbm4b:s9+s4] =	stream.strided.scatter [tilespmem:s7], [sflag:$0x3], $0x800, s5, s4, $0x38;
	[tilespmem:$0x10200] =	vst v63  }
0x40d: {  	s11 =	sadd.s32 $0x10, s9  }
0x40e: {  	[hbm4b:s11+s4] =	stream.strided.scatter [tilespmem:s31], [sflag:$0x3], $0x800, s5, s4, $0x38;
	[tilespmem:$0x10200] =	vst v63  }
0x40f: {  	s13 =	sadd.s32 $0x20, s9  }
0x410: {  	[hbm4b:s13+s4] =	stream.strided.scatter [tilespmem:s12], [sflag:$0x3], $0x800, s5, s4, $0x38;
	[tilespmem:$0x10200] =	vst v63  }
0x411: {  	s14 =	sadd.s32 $0x30, s9  }
0x412: {  	[hbm4b:s14+s4] =	stream.strided.scatter [tilespmem:s30], [sflag:$0x3], $0x800, s5, s4, $0x38;
	[tilespmem:$0x10200] =	vst v63  }
0x413: {  	s15 =	sadd.s32 $0x40, s9  }
0x414: {  	[hbm4b:s15+s4] =	stream.strided.scatter [tilespmem:s29], [sflag:$0x3], $0x800, s5, s4, $0x38;
	[tilespmem:$0x10200] =	vst v63  }
0x415: {  	s16 =	sadd.s32 $0x50, s9  }
0x416: {  	[hbm4b:s16+s4] =	stream.strided.scatter [tilespmem:s28], [sflag:$0x3], $0x800, s5, s4, $0x38;
	[tilespmem:$0x10200] =	vst v63  }
0x417: {  	s17 =	sadd.s32 $0x60, s9  }
0x418: {  	[hbm4b:s17+s4] =	stream.strided.scatter [tilespmem:s26], [sflag:$0x3], $0x800, s5, s4, $0x38;
	[tilespmem:$0x10200] =	vst v63  }
0x419: {  	s18 =	sadd.s32 $0x70, s9  }
0x41a: {  	[hbm4b:s18+s4] =	stream.strided.scatter [tilespmem:s24], [sflag:$0x3], $0x800, s5, s4, $0x38;
	[tilespmem:$0x10200] =	vst v63  }
0x41b: {  	s20 =	sadd.s32 $0x800, s9  }
0x41c: {  	[hbm4b:s20+s4] =	stream.strided.scatter [tilespmem:s23], [sflag:$0x3], $0x800, s5, s4, $0x38;
	[tilespmem:$0x10200] =	vst v63  }
0x41d: {  	s21 =	simm.s32 $0xCA00;
	s23 =	sadd.s32 $0x810, s9  }
0x41e: {  	[hbm4b:s23+s4] =	stream.strided.scatter [tilespmem:s21], [sflag:$0x3], $0x800, s5, s4, $0x38;
	[tilespmem:$0x10200] =	vst v63  }
0x41f: {  	s19 =	simm.s32 $0xD200;
	s24 =	sadd.s32 $0x820, s9  }
0x420: {  	[hbm4b:s24+s4] =	stream.strided.scatter [tilespmem:s19], [sflag:$0x3], $0x800, s5, s4, $0x38;
	[tilespmem:$0x10200] =	vst v63  }
0x421: {  	s25 =	sadd.s32 $0x830, s9  }
0x422: {  	[hbm4b:s25+s4] =	stream.strided.scatter [tilespmem:s1], [sflag:$0x3], $0x800, s5, s4, $0x38;
	[tilespmem:$0x10200] =	vst v63  }
0x423: {  	s22 =	simm.s32 $0xE200;
	s26 =	sadd.s32 $0x840, s9  }
0x424: {  	[hbm4b:s26+s4] =	stream.strided.scatter [tilespmem:s22], [sflag:$0x3], $0x800, s5, s4, $0x38;
	[tilespmem:$0x10200] =	vst v63  }
0x425: {  	s28 =	sadd.s32 $0x850, s9  }
0x426: {  	[hbm4b:s28+s4] =	stream.strided.scatter [tilespmem:s10], [sflag:$0x3], $0x800, s5, s4, $0x38;
	[tilespmem:$0x10200] =	vst v63  }
0x427: {  	s29 =	sadd.s32 $0x860, s9  }
0x428: {  	[hbm4b:s29+s4] =	stream.strided.scatter [tilespmem:s8], [sflag:$0x3], $0x800, s5, s4, $0x38;
	[tilespmem:$0x10200] =	vst v63  }
0x429: {  	s30 =	sadd.s32 $0x870, s9  }
0x42a: {  	[hbm4b:s30+s4] =	stream.strided.scatter [tilespmem:s6], [sflag:$0x3], $0x800, s5, s4, $0x38;
	[tilespmem:$0x10200] =	vst v63  }
0x42b: {  	_ =	swait.ge [sflag:s2], $0x8000  }
0x42c: {  	[sflag:s2] =	ssyncset.done $0x0  }
0x42d: {  	[sflag:s2] =	ssyncadd.s32 $0xFFFF8000  }
0x42e: {  	_ =	sfence.sel $0x180000  }
0x42f: {  	[bflag:$0x0] =	sbarrier.arrive $0xFFFF  }
0x430: {  	_ =	strace $0x90000047  }
0x431: {  	s31 =	stileid.u32;
	[bflag:$0x2] =	sbarrier.arrive $0xFFFF  }
0x432: {  	p0 =	sne.s32 s31, $0x0;
	s0 =	rddreg [dreg:$0x4]  }
0x433: {  	s0 =	sadd.s32 @!p0 $0x100000, s0  }
0x434: {  	[sflag:s0] =	ssyncadd.tile.s32 @!p0 $0x1;
	_ =	shalt  }
.LBB2_6:
0x435: {  	s11 =	rddreg [dreg:$0x1]  }
0x436: {  	s7 =	simm.s32 $0x0;
	s20 =	sld [smem:$0x7F9]  }
0x437: {  	s18 =	simm.s32 $0x2200;
	s23 =	simm.s32 $0xC200;
	s24 =	simm.s32 $0xBA00  }
.Ltmp3:
0x438: {  	s26 =	simm.s32 $0xB200;
	s28 =	simm.s32 $0xAA00;
	(pc) =	sbr.rel .LBB2_5-.Ltmp3, $4  }
0x439: {  	s16 =	simm.s32 $0x100;
	s29 =	simm.s32 $0xA200;
	s30 =	simm.s32 $0x9A00  }
0x43a: {  	s15 =	simm.s32 $0x200;
	s13 =	simm.s32 $0x4A00;
	s3 =	simm.s32 $0x4200  }
0x43b: {  	s14 =	simm.s32 $0x2A00;
	s12 =	simm.s32 $0x9200;
	s31 =	simm.s32 $0x8A00  }
0x43c: {  	s1 =	simm.s32 $0x7200;
	s19 =	simm.s32 $0x6A00;
	s17 =	simm.s32 $0x1  }
.Lfunc_end2:
_tile_overlayer_lowered:
.L_overlay_start_2:
0x43d: {  	(tag) =	ssettag $0x2  }
0x43e: {  	s0 =	rddreg [dreg:$0x0];
	s2 =	stileid.u32  }
0x43f: {  	s1 =	rddreg [dreg:$0x1];
	p0 =	sne.s32 s2, $0x0  }
0x440: {  	s3 =	rddreg [dreg:$0x2];
	[bflag:$0x3] =	sbarrier.arrive $0xFFFF;
	s2 =	simm.s32 @!p0 $0x1C03  }
0x441: {  	[timem:s3], [sflag:s2] =	dma.local @!p0 [hbm:s0], s1  }
0x442: {  	s0 =	simm.s32 @!p0 $0x3  }
0x443: {  	_ =	swait.ge @!p0 [sflag:s0], s1  }
0x444: {  	s1 =	ssub.s32 @!p0 $0x0, s1;
	[sflag:s0] =	ssyncset.done @!p0 $0x0  }
0x445: {  	[sflag:s0] =	ssyncadd.s32 @!p0 s1  }
0x446: {  	[bflag:$0x3] =	sbarrier.arrive $0xFFFF  }
0x447: {  	_ =	shalt  }

</sc_bundles>
